<compile_context>
chip_gen: v7x
topology: tpu7x:2x2x1
jax: 0.10.2.dev20260603
libtpu: 0.0.44.dev20260713+nightly
codegen_flags: <defaults>
</compile_context>

<pallas_src>
import functools

import jax
import jax.numpy as jnp
import numpy as np
from jax import lax
from jax.experimental import pallas as pl
from jax.experimental.pallas import tpu as pltpu
from jax.experimental.pallas import tpu_sc as plsc

_KB = 2048
_KPAD = 102400
_NQ = 1024
_D = 64
_NGPQ = _KPAD // 16
_NW = 32
_QPW = _NQ // _NW
_NCAND = 128
_QB3 = 64

_NEG = np.float32(-3.0e38)



def _k1_body(nk_real, q_ref, k_ref, m_ref):
    j = pl.program_id(0)
    s = lax.dot_general(q_ref[...], k_ref[...], (((1,), (1,)), ((), ())),
                        preferred_element_type=jnp.float32)
    col = j * _KB + lax.broadcasted_iota(jnp.int32, s.shape, 1)
    s = jnp.where(col < nk_real, s, _NEG)
    m_ref[...] = jnp.max(
        s.reshape(_NQ, _KB // 2048, 16, 128), axis=2).reshape(_NQ, _KB // 16)



def _merge16(T, TI, vv, vi):
    sv, si = plsc.sort_key_val(vv, vi, descending=False)
    cond = (T > sv) | ((T == sv) & (TI < si))
    mv = jnp.where(cond, T, sv)
    mi = jnp.where(cond, TI, si)
    out = plsc.sort_key_val(mv, mi, descending=True)
    return out[0], out[1]


def _k2_body(m_hbm, k_hbm, kg_hbm, ids_hbm, mrow0, mrow1, idxbuf, kgbuf,
             sem0, sem1, gsem):
    wid = lax.axis_index("s") * 2 + lax.axis_index("c")
    iota = lax.iota(jnp.int32, 16)
    zero_i = jnp.zeros((16,), jnp.int32)
    negv = jnp.full((16,), _NEG, jnp.float32)
    q0 = wid * _QPW

    idxbuf[pl.ds(96, 16)] = zero_i
    idxbuf[pl.ds(112, 16)] = zero_i

    def process(q, mrow):
        def scan_body(i, c):
            m1, m2, m3, m4, i1, i2, i3, i4 = c
            for u in range(4):
                idx = i * 4 + u
                v = mrow[pl.ds(idx * 16, 16)]
                gv = idx * 16 + iota
                c1 = v > m1
                lo1 = jnp.where(c1, m1, v)
                li1 = jnp.where(c1, i1, gv)
                m1 = jnp.where(c1, v, m1)
                i1 = jnp.where(c1, gv, i1)
                c2 = lo1 > m2
                lo2 = jnp.where(c2, m2, lo1)
                li2 = jnp.where(c2, i2, li1)
                m2 = jnp.where(c2, lo1, m2)
                i2 = jnp.where(c2, li1, i2)
                c3 = lo2 > m3
                lo3 = jnp.where(c3, m3, lo2)
                li3 = jnp.where(c3, i3, li2)
                m3 = jnp.where(c3, lo2, m3)
                i3 = jnp.where(c3, li2, i3)
                c4 = lo3 > m4
                m4 = jnp.where(c4, lo3, m4)
                i4 = jnp.where(c4, li3, i4)
            return m1, m2, m3, m4, i1, i2, i3, i4

        m1, m2, m3, m4, i1, i2, i3, i4 = lax.fori_loop(
            0, _NGPQ // 64, scan_body,
            (negv, negv, negv, negv, zero_i, zero_i, zero_i, zero_i))

        Ts = plsc.sort_key_val(m1, i1, descending=True)
        T, TI = Ts[0], Ts[1]
        T, TI = _merge16(T, TI, m2, i2)
        T, TI = _merge16(T, TI, m3, i3)
        T, TI = _merge16(T, TI, m4, i4)
        tau = jnp.max(jnp.where(iota == 5, T, _NEG))
        dm = jnp.max(m4)

        def fallback(_):
            def fb(i, c):
                T2, TI2 = c
                return _merge16(T2, TI2, mrow[pl.ds(i * 16, 16)],
                                i * 16 + iota)
            return lax.fori_loop(0, _NGPQ // 16, fb, (negv, zero_i))

        T, TI = lax.cond(dm >= tau, fallback, lambda _: (T, TI), 0)

        gids = []
        for r in range(6):
            gid = jnp.max(jnp.where(iota == r, TI, jnp.int32(-1)))
            gids.append(gid)
            pltpu.async_copy(k_hbm.at[pl.ds(gid * 16, 16)],
                             kgbuf.at[pl.ds(r * 16, 16)], gsem)
        for r in range(6):
            gid = gids[r]
            jb = gid // 128
            lc = gid % 128
            eid = (jb * 16 + iota) * 128 + lc
            idxbuf[pl.ds(r * 16, 16)] = eid
            pltpu.make_async_copy(k_hbm.at[pl.ds(gid * 16, 16)],
                                  kgbuf.at[pl.ds(r * 16, 16)], gsem).wait()
        pltpu.sync_copy(kgbuf.at[pl.ds(0, 96)],
                        kg_hbm.at[pl.ds(q * _NCAND, 96)])
        pltpu.sync_copy(idxbuf, ids_hbm.at[q])

    def pair_body(h, _):
        qa = q0 + 2 * h
        qb = qa + 1
        pltpu.make_async_copy(m_hbm.at[qa], mrow0, sem0).wait()
        pltpu.async_copy(m_hbm.at[qb], mrow1, sem1)
        process(qa, mrow0)
        qnxt = jnp.minimum(qa + 2, q0 + jnp.int32(_QPW - 2))
        pltpu.async_copy(m_hbm.at[qnxt], mrow0, sem0)
        pltpu.make_async_copy(m_hbm.at[qb], mrow1, sem1).wait()
        process(qb, mrow1)
        return 0

    pltpu.async_copy(m_hbm.at[q0], mrow0, sem0)
    lax.fori_loop(0, _QPW // 2, pair_body, 0)
    pltpu.make_async_copy(m_hbm.at[q0], mrow0, sem0).wait()



def _k3_body(nk_real, q_ref, kg_ref, ids_ref, v_ref, i_ref):
    qb = q_ref[...]
    kg = kg_ref[...]
    full = lax.dot_general(qb, kg, (((1,), (1,)), ((), ())),
                           preferred_element_type=jnp.float32)
    full3 = full.reshape(_QB3, _QB3, _NCAND)
    qi = lax.broadcasted_iota(jnp.int32, full3.shape, 0)
    gi = lax.broadcasted_iota(jnp.int32, full3.shape, 1)
    d = jnp.max(jnp.where(qi == gi, full3, _NEG), axis=1)
    ids = ids_ref[...]
    col = lax.broadcasted_iota(jnp.int32, d.shape, 1)
    cur = jnp.where((ids < nk_real) & (col < 96), d, _NEG)

    ovals = jnp.full((_QB3, _NCAND), 0.0, jnp.float32)
    oids = jnp.zeros((_QB3, _NCAND), jnp.int32)
    big_i = jnp.int32(2**30)
    for r in range(6):
        m = jnp.max(cur, axis=1, keepdims=True)
        amid = jnp.min(jnp.where(cur == m, ids, big_i), axis=1,
                       keepdims=True)
        ovals = jnp.where(col == r, m, ovals)
        oids = jnp.where(col == r, amid, oids)
        cur = jnp.where((ids == amid) & (cur == m), _NEG, cur)
    v_ref[...] = ovals
    i_ref[...] = oids



def kernel(queries, keys, top_n):
    nq, d = queries.shape
    nk = keys.shape[0]
    qn = queries / (jnp.linalg.norm(queries, axis=-1, keepdims=True) + 1e-12)
    kn = keys / (jnp.linalg.norm(keys, axis=-1, keepdims=True) + 1e-12)
    kpad = jnp.pad(kn, ((0, _KPAD - nk), (0, 0)))
    kperm = (kpad.reshape(_KPAD // 2048, 16, 128, _D)
             .transpose(0, 2, 1, 3).reshape(_KPAD, _D))

    m = pl.pallas_call(
        functools.partial(_k1_body, nk),
        grid=(_KPAD // _KB,),
        in_specs=[
            pl.BlockSpec((nq, d), lambda j: (0, 0)),
            pl.BlockSpec((_KB, d), lambda j: (j, 0)),
        ],
        out_specs=pl.BlockSpec((nq, _KB // 16), lambda j: (0, j)),
        out_shape=jax.ShapeDtypeStruct((nq, _NGPQ), jnp.float32),
    )(qn, kpad)

    k2 = pl.kernel(
        _k2_body,
        out_type=[
            jax.ShapeDtypeStruct((_NQ * _NCAND, _D), jnp.float32),
            jax.ShapeDtypeStruct((_NQ, _NCAND), jnp.int32),
        ],
        mesh=plsc.VectorSubcoreMesh(core_axis_name="c", subcore_axis_name="s"),
        compiler_params=pltpu.CompilerParams(needs_layout_passes=False),
        scratch_types=[
            pltpu.VMEM((_NGPQ,), jnp.float32),
            pltpu.VMEM((_NGPQ,), jnp.float32),
            pltpu.VMEM((_NCAND,), jnp.int32),
            pltpu.VMEM((_NCAND, _D), jnp.float32),
            pltpu.SemaphoreType.DMA,
            pltpu.SemaphoreType.DMA,
            pltpu.SemaphoreType.DMA,
        ],
    )
    kg, ids = k2(m, kperm)

    vals128, ids128 = pl.pallas_call(
        functools.partial(_k3_body, nk),
        grid=(_NQ // _QB3,),
        in_specs=[
            pl.BlockSpec((_QB3, d), lambda i: (i, 0)),
            pl.BlockSpec((_QB3 * _NCAND, _D), lambda i: (i, 0)),
            pl.BlockSpec((_QB3, _NCAND), lambda i: (i, 0)),
        ],
        out_specs=[
            pl.BlockSpec((_QB3, _NCAND), lambda i: (i, 0)),
            pl.BlockSpec((_QB3, _NCAND), lambda i: (i, 0)),
        ],
        out_shape=[
            jax.ShapeDtypeStruct((_NQ, _NCAND), jnp.float32),
            jax.ShapeDtypeStruct((_NQ, _NCAND), jnp.int32),
        ],
    )(qn, kg, ids)

    return vals128[:, :6], ids128[:, :6] + (top_n - top_n)

# --- scband reference (transcript-rebuilt; emitter-appended) ---
"""Pipeline reference for scband-trainer-2173253452181 (READ-ONLY COPY).

The authoritative reference and input builder live on the scoring server;
editing this copy changes nothing except your own understanding.
"""

import jax, jax.numpy as jnp
import numpy as np


def setup_inputs(seed: int = 0) -> dict:
    key = jax.random.key(seed)
    k1, k2 = jax.random.split(key)
    queries = jax.random.normal(k1, (1024, 64), dtype=jnp.float32)
    keys = jax.random.normal(k2, (100000, 64), dtype=jnp.float32)
    return {"queries": queries, "keys": keys, "top_n": 6}


def reference(queries, keys, top_n):
    # Cosine-distance KNN retrieval (distance_metric == 'Cosine', top_n = 6),
    # mirroring the path-ranking retrieval step: score all candidate nodes
    # against query embeddings and select the top_n highest-similarity candidates.
    qn = queries / (jnp.linalg.norm(queries, axis=-1, keepdims=True) + 1e-12)
    kn = keys / (jnp.linalg.norm(keys, axis=-1, keepdims=True) + 1e-12)
    scores = qn @ kn.T  # [Q, K] cosine similarities
    top_vals, top_idx = jax.lax.top_k(scores, 6)
    top_idx = top_idx + (top_n - top_n)
    return top_vals, top_idx

if __name__ == "__main__":
    import jax
    _d = setup_inputs()
    print(jax.jit(kernel)(*tuple(_d.values())))

</pallas_src>

<mosaic_0001>
#map = affine_map<(d0, d1) -> (0, 0)>
module attributes {stable_mosaic.version = 14 : i64} {
  func.func @_k2_body(%arg0: i32, %arg1: i32, %arg2: memref<1024x6400xf32, #tpu.memory_space<hbm>>, %arg3: memref<102400x64xf32, #tpu.memory_space<hbm>>, %arg4: memref<131072x64xf32, #tpu.memory_space<hbm>>, %arg5: memref<1024x128xi32, #tpu.memory_space<hbm>>, %arg6: memref<6400xf32, #tpu.memory_space<vmem>>, %arg7: memref<6400xf32, #tpu.memory_space<vmem>>, %arg8: memref<128xi32, #tpu.memory_space<vmem>>, %arg9: memref<128x64xf32, #tpu.memory_space<vmem>>, %arg10: memref<!tpu.dma_semaphore, #tpu.memory_space<semaphore_mem>>, %arg11: memref<!tpu.dma_semaphore, #tpu.memory_space<semaphore_mem>>, %arg12: memref<!tpu.dma_semaphore, #tpu.memory_space<semaphore_mem>>) attributes {dimension_semantics = [#tpu.dimension_semantics<core_parallel>, #tpu.dimension_semantics<subcore_parallel>], iteration_bounds = array<i64: 2, 16>, scalar_prefetch = 0 : i64, scratch_operands = 7 : i64, tpu.core_type = #tpu.core_type<sc_vector_subcore>, window_params = [{transform_indices = #map}, {transform_indices = #map}, {transform_indices = #map}, {transform_indices = #map}]} {
    %mul3A = arith.constant 2 : i32
    %mul3A_0 = arith.muli %arg1, %mul3A : i32
    %add3A = arith.addi %mul3A_0, %arg0 : i32
    %iota3A = tpu.iota {dimensions = array<i32: 0>} : vector<16xi32>
    %broadcast_in_dim3A = arith.constant 0 : i32
    %broadcast_in_dim3A_1 = vector.broadcast %broadcast_in_dim3A : i32 to vector<16xi32>
    %broadcast_in_dim3A_2 = arith.constant -3.000000e+38 : f32
    %broadcast_in_dim3A_3 = vector.broadcast %broadcast_in_dim3A_2 : f32 to vector<16xf32>
    %mul3A_4 = arith.constant 32 : i32
    %mul3A_5 = arith.muli %add3A, %mul3A_4 : i32
    %swap3A = arith.constant 96 : index
    %swap3A_6 = tpu.vector_load %arg8[%swap3A] {strides = array<i32>} : memref<128xi32, #tpu.memory_space<vmem>>, vector<16xi32>,
    tpu.vector_store %arg8[%swap3A], %broadcast_in_dim3A_1 {strides = array<i32>} : memref<128xi32, #tpu.memory_space<vmem>>, vector<16xi32>,
    %swap3A_7 = arith.constant 112 : index
    %swap3A_8 = tpu.vector_load %arg8[%swap3A_7] {strides = array<i32>} : memref<128xi32, #tpu.memory_space<vmem>>, vector<16xi32>,
    tpu.vector_store %arg8[%swap3A_7], %broadcast_in_dim3A_1 {strides = array<i32>} : memref<128xi32, #tpu.memory_space<vmem>>, vector<16xi32>,
    %dma_start3A = arith.constant 0 : i32
    %dma_start3A_9 = tpu.memref_slice %arg2[%mul3A_5, %dma_start3A] : memref<1024x6400xf32, #tpu.memory_space<hbm>> -> memref<1x6400xf32, #tpu.memory_space<hbm>>
    %dma_start3A_10 = tpu.memref_squeeze %dma_start3A_9 : memref<1x6400xf32, #tpu.memory_space<hbm>> -> memref<6400xf32, #tpu.memory_space<hbm>>
    %dma_start3A_11 = arith.constant 0 : i32
    %dma_start3A_12 = tpu.memref_slice %arg2[%mul3A_5, %dma_start3A_11] : memref<1024x6400xf32, #tpu.memory_space<hbm>> -> memref<1x6400xf32, #tpu.memory_space<hbm>>
    %dma_start3A_13 = tpu.memref_squeeze %dma_start3A_12 : memref<1x6400xf32, #tpu.memory_space<hbm>> -> memref<6400xf32, #tpu.memory_space<hbm>>
    tpu.enqueue_dma source(%dma_start3A_13 : memref<6400xf32, #tpu.memory_space<hbm>>) target(%arg6 : memref<6400xf32, #tpu.memory_space<vmem>>) target_semaphore(%arg10 : memref<!tpu.dma_semaphore, #tpu.memory_space<semaphore_mem>>)
    %scan3A = arith.constant 0 : i32
    %scan3A_14 = arith.constant 0 : i32
    %scan3A_15 = arith.constant 16 : i32
    %scan3A_16 = arith.addi %scan3A_14, %scan3A_15 : i32
    %scan3A_17 = arith.constant 1 : i32
    %scan3A_18 = scf.for %scan3A_25 = %scan3A_14 to %scan3A_16 step %scan3A_17 iter_args(%scan3A_26 = %scan3A) -> (i32)  : i32 {
      %mul3A_27 = arith.constant 2 : i32
      %mul3A_28 = arith.muli %mul3A_27, %scan3A_25 : i32
      %add3A_29 = arith.addi %mul3A_5, %mul3A_28 : i32
      %add3A_30 = arith.constant 1 : i32
      %add3A_31 = arith.addi %add3A_29, %add3A_30 : i32
      %dma_wait3A_32 = arith.constant 0 : i32
      %dma_wait3A_33 = tpu.memref_slice %arg2[%add3A_29, %dma_wait3A_32] : memref<1024x6400xf32, #tpu.memory_space<hbm>> -> memref<1x6400xf32, #tpu.memory_space<hbm>>
      %dma_wait3A_34 = tpu.memref_squeeze %dma_wait3A_33 : memref<1x6400xf32, #tpu.memory_space<hbm>> -> memref<6400xf32, #tpu.memory_space<hbm>>
      %dma_wait3A_35 = arith.constant 0 : i32
      %dma_wait3A_36 = tpu.memref_slice %arg2[%add3A_29, %dma_wait3A_35] : memref<1024x6400xf32, #tpu.memory_space<hbm>> -> memref<1x6400xf32, #tpu.memory_space<hbm>>
      %dma_wait3A_37 = tpu.memref_squeeze %dma_wait3A_36 : memref<1x6400xf32, #tpu.memory_space<hbm>> -> memref<6400xf32, #tpu.memory_space<hbm>>
      tpu.wait_dma2 semaphore(%arg10 : memref<!tpu.dma_semaphore, #tpu.memory_space<semaphore_mem>>) src(%dma_wait3A_37 : memref<6400xf32, #tpu.memory_space<hbm>>) dst(%arg6 : memref<6400xf32, #tpu.memory_space<vmem>>)
      %dma_start3A_38 = arith.constant 0 : i32
      %dma_start3A_39 = tpu.memref_slice %arg2[%add3A_31, %dma_start3A_38] : memref<1024x6400xf32, #tpu.memory_space<hbm>> -> memref<1x6400xf32, #tpu.memory_space<hbm>>
      %dma_start3A_40 = tpu.memref_squeeze %dma_start3A_39 : memref<1x6400xf32, #tpu.memory_space<hbm>> -> memref<6400xf32, #tpu.memory_space<hbm>>
      %dma_start3A_41 = arith.constant 0 : i32
      %dma_start3A_42 = tpu.memref_slice %arg2[%add3A_31, %dma_start3A_41] : memref<1024x6400xf32, #tpu.memory_space<hbm>> -> memref<1x6400xf32, #tpu.memory_space<hbm>>
      %dma_start3A_43 = tpu.memref_squeeze %dma_start3A_42 : memref<1x6400xf32, #tpu.memory_space<hbm>> -> memref<6400xf32, #tpu.memory_space<hbm>>
      tpu.enqueue_dma source(%dma_start3A_43 : memref<6400xf32, #tpu.memory_space<hbm>>) target(%arg7 : memref<6400xf32, #tpu.memory_space<vmem>>) target_semaphore(%arg11 : memref<!tpu.dma_semaphore, #tpu.memory_space<semaphore_mem>>)
      %scan3A_44 = arith.constant 0 : i32
      %scan3A_45 = arith.constant 100 : i32
      %scan3A_46 = arith.addi %scan3A_44, %scan3A_45 : i32
      %scan3A_47 = arith.constant 1 : i32
      %scan3A_48:8 = scf.for %scan3A_1266 = %scan3A_44 to %scan3A_46 step %scan3A_47 iter_args(%scan3A_1267 = %broadcast_in_dim3A_3, %scan3A_1268 = %broadcast_in_dim3A_3, %scan3A_1269 = %broadcast_in_dim3A_3, %scan3A_1270 = %broadcast_in_dim3A_3, %scan3A_1271 = %broadcast_in_dim3A_1, %scan3A_1272 = %broadcast_in_dim3A_1, %scan3A_1273 = %broadcast_in_dim3A_1, %scan3A_1274 = %broadcast_in_dim3A_1) -> (vector<16xf32>, vector<16xf32>, vector<16xf32>, vector<16xf32>, vector<16xi32>, vector<16xi32>, vector<16xi32>, vector<16xi32>)  : i32 {
        %mul3A_1275 = arith.constant 4 : i32
        %mul3A_1276 = arith.muli %scan3A_1266, %mul3A_1275 : i32
        %add3A_1277 = arith.constant 0 : i32
        %add3A_1278 = arith.addi %mul3A_1276, %add3A_1277 : i32
        %mul3A_1279 = arith.constant 16 : i32
        %mul3A_1280 = arith.muli %add3A_1278, %mul3A_1279 : i32
        %get3A = arith.index_cast %mul3A_1280 : i32 to index
        %get3A_1281 = tpu.vector_load %arg6[%get3A] {strides = array<i32>} : memref<6400xf32, #tpu.memory_space<vmem>>, vector<16xf32>,
        %mul3A_1282 = arith.constant 16 : i32
        %mul3A_1283 = arith.muli %add3A_1278, %mul3A_1282 : i32
        %add3A_1284 = vector.broadcast %mul3A_1283 : i32 to vector<16xi32>
        %add3A_1285 = arith.addi %add3A_1284, %iota3A : vector<16xi32>
        %gt3A_1286 = arith.cmpf ogt, %get3A_1281, %scan3A_1267 : vector<16xf32>
        %select_n3A_1287 = arith.select %gt3A_1286, %scan3A_1267, %get3A_1281 : vector<16xi1>, vector<16xf32>
        %select_n3A_1288 = arith.select %gt3A_1286, %scan3A_1271, %add3A_1285 : vector<16xi1>, vector<16xi32>
        %select_n3A_1289 = arith.select %gt3A_1286, %get3A_1281, %scan3A_1267 : vector<16xi1>, vector<16xf32>
        %select_n3A_1290 = arith.select %gt3A_1286, %add3A_1285, %scan3A_1271 : vector<16xi1>, vector<16xi32>
        %gt3A_1291 = arith.cmpf ogt, %select_n3A_1287, %scan3A_1268 : vector<16xf32>
        %select_n3A_1292 = arith.select %gt3A_1291, %scan3A_1268, %select_n3A_1287 : vector<16xi1>, vector<16xf32>
        %select_n3A_1293 = arith.select %gt3A_1291, %scan3A_1272, %select_n3A_1288 : vector<16xi1>, vector<16xi32>
        %select_n3A_1294 = arith.select %gt3A_1291, %select_n3A_1287, %scan3A_1268 : vector<16xi1>, vector<16xf32>
        %select_n3A_1295 = arith.select %gt3A_1291, %select_n3A_1288, %scan3A_1272 : vector<16xi1>, vector<16xi32>
        %gt3A_1296 = arith.cmpf ogt, %select_n3A_1292, %scan3A_1269 : vector<16xf32>
        %select_n3A_1297 = arith.select %gt3A_1296, %scan3A_1269, %select_n3A_1292 : vector<16xi1>, vector<16xf32>
        %select_n3A_1298 = arith.select %gt3A_1296, %scan3A_1273, %select_n3A_1293 : vector<16xi1>, vector<16xi32>
        %select_n3A_1299 = arith.select %gt3A_1296, %select_n3A_1292, %scan3A_1269 : vector<16xi1>, vector<16xf32>
        %select_n3A_1300 = arith.select %gt3A_1296, %select_n3A_1293, %scan3A_1273 : vector<16xi1>, vector<16xi32>
        %gt3A_1301 = arith.cmpf ogt, %select_n3A_1297, %scan3A_1270 : vector<16xf32>
        %select_n3A_1302 = arith.select %gt3A_1301, %select_n3A_1297, %scan3A_1270 : vector<16xi1>, vector<16xf32>
        %select_n3A_1303 = arith.select %gt3A_1301, %select_n3A_1298, %scan3A_1274 : vector<16xi1>, vector<16xi32>
        %mul3A_1304 = arith.constant 4 : i32
        %mul3A_1305 = arith.muli %scan3A_1266, %mul3A_1304 : i32
        %add3A_1306 = arith.constant 1 : i32
        %add3A_1307 = arith.addi %mul3A_1305, %add3A_1306 : i32
        %mul3A_1308 = arith.constant 16 : i32
        %mul3A_1309 = arith.muli %add3A_1307, %mul3A_1308 : i32
        %get3A_1310 = arith.index_cast %mul3A_1309 : i32 to index
        %get3A_1311 = tpu.vector_load %arg6[%get3A_1310] {strides = array<i32>} : memref<6400xf32, #tpu.memory_space<vmem>>, vector<16xf32>,
        %mul3A_1312 = arith.constant 16 : i32
        %mul3A_1313 = arith.muli %add3A_1307, %mul3A_1312 : i32
        %add3A_1314 = vector.broadcast %mul3A_1313 : i32 to vector<16xi32>
        %add3A_1315 = arith.addi %add3A_1314, %iota3A : vector<16xi32>
        %gt3A_1316 = arith.cmpf ogt, %get3A_1311, %select_n3A_1289 : vector<16xf32>
        %select_n3A_1317 = arith.select %gt3A_1316, %select_n3A_1289, %get3A_1311 : vector<16xi1>, vector<16xf32>
        %select_n3A_1318 = arith.select %gt3A_1316, %select_n3A_1290, %add3A_1315 : vector<16xi1>, vector<16xi32>
        %select_n3A_1319 = arith.select %gt3A_1316, %get3A_1311, %select_n3A_1289 : vector<16xi1>, vector<16xf32>
        %select_n3A_1320 = arith.select %gt3A_1316, %add3A_1315, %select_n3A_1290 : vector<16xi1>, vector<16xi32>
        %gt3A_1321 = arith.cmpf ogt, %select_n3A_1317, %select_n3A_1294 : vector<16xf32>
        %select_n3A_1322 = arith.select %gt3A_1321, %select_n3A_1294, %select_n3A_1317 : vector<16xi1>, vector<16xf32>
        %select_n3A_1323 = arith.select %gt3A_1321, %select_n3A_1295, %select_n3A_1318 : vector<16xi1>, vector<16xi32>
        %select_n3A_1324 = arith.select %gt3A_1321, %select_n3A_1317, %select_n3A_1294 : vector<16xi1>, vector<16xf32>
        %select_n3A_1325 = arith.select %gt3A_1321, %select_n3A_1318, %select_n3A_1295 : vector<16xi1>, vector<16xi32>
        %gt3A_1326 = arith.cmpf ogt, %select_n3A_1322, %select_n3A_1299 : vector<16xf32>
        %select_n3A_1327 = arith.select %gt3A_1326, %select_n3A_1299, %select_n3A_1322 : vector<16xi1>, vector<16xf32>
        %select_n3A_1328 = arith.select %gt3A_1326, %select_n3A_1300, %select_n3A_1323 : vector<16xi1>, vector<16xi32>
        %select_n3A_1329 = arith.select %gt3A_1326, %select_n3A_1322, %select_n3A_1299 : vector<16xi1>, vector<16xf32>
        %select_n3A_1330 = arith.select %gt3A_1326, %select_n3A_1323, %select_n3A_1300 : vector<16xi1>, vector<16xi32>
        %gt3A_1331 = arith.cmpf ogt, %select_n3A_1327, %select_n3A_1302 : vector<16xf32>
        %select_n3A_1332 = arith.select %gt3A_1331, %select_n3A_1327, %select_n3A_1302 : vector<16xi1>, vector<16xf32>
        %select_n3A_1333 = arith.select %gt3A_1331, %select_n3A_1328, %select_n3A_1303 : vector<16xi1>, vector<16xi32>
        %mul3A_1334 = arith.constant 4 : i32
        %mul3A_1335 = arith.muli %scan3A_1266, %mul3A_1334 : i32
        %add3A_1336 = arith.constant 2 : i32
        %add3A_1337 = arith.addi %mul3A_1335, %add3A_1336 : i32
        %mul3A_1338 = arith.constant 16 : i32
        %mul3A_1339 = arith.muli %add3A_1337, %mul3A_1338 : i32
        %get3A_1340 = arith.index_cast %mul3A_1339 : i32 to index
        %get3A_1341 = tpu.vector_load %arg6[%get3A_1340] {strides = array<i32>} : memref<6400xf32, #tpu.memory_space<vmem>>, vector<16xf32>,
        %mul3A_1342 = arith.constant 16 : i32
        %mul3A_1343 = arith.muli %add3A_1337, %mul3A_1342 : i32
        %add3A_1344 = vector.broadcast %mul3A_1343 : i32 to vector<16xi32>
        %add3A_1345 = arith.addi %add3A_1344, %iota3A : vector<16xi32>
        %gt3A_1346 = arith.cmpf ogt, %get3A_1341, %select_n3A_1319 : vector<16xf32>
        %select_n3A_1347 = arith.select %gt3A_1346, %select_n3A_1319, %get3A_1341 : vector<16xi1>, vector<16xf32>
        %select_n3A_1348 = arith.select %gt3A_1346, %select_n3A_1320, %add3A_1345 : vector<16xi1>, vector<16xi32>
        %select_n3A_1349 = arith.select %gt3A_1346, %get3A_1341, %select_n3A_1319 : vector<16xi1>, vector<16xf32>
        %select_n3A_1350 = arith.select %gt3A_1346, %add3A_1345, %select_n3A_1320 : vector<16xi1>, vector<16xi32>
        %gt3A_1351 = arith.cmpf ogt, %select_n3A_1347, %select_n3A_1324 : vector<16xf32>
        %select_n3A_1352 = arith.select %gt3A_1351, %select_n3A_1324, %select_n3A_1347 : vector<16xi1>, vector<16xf32>
        %select_n3A_1353 = arith.select %gt3A_1351, %select_n3A_1325, %select_n3A_1348 : vector<16xi1>, vector<16xi32>
        %select_n3A_1354 = arith.select %gt3A_1351, %select_n3A_1347, %select_n3A_1324 : vector<16xi1>, vector<16xf32>
        %select_n3A_1355 = arith.select %gt3A_1351, %select_n3A_1348, %select_n3A_1325 : vector<16xi1>, vector<16xi32>
        %gt3A_1356 = arith.cmpf ogt, %select_n3A_1352, %select_n3A_1329 : vector<16xf32>
        %select_n3A_1357 = arith.select %gt3A_1356, %select_n3A_1329, %select_n3A_1352 : vector<16xi1>, vector<16xf32>
        %select_n3A_1358 = arith.select %gt3A_1356, %select_n3A_1330, %select_n3A_1353 : vector<16xi1>, vector<16xi32>
        %select_n3A_1359 = arith.select %gt3A_1356, %select_n3A_1352, %select_n3A_1329 : vector<16xi1>, vector<16xf32>
        %select_n3A_1360 = arith.select %gt3A_1356, %select_n3A_1353, %select_n3A_1330 : vector<16xi1>, vector<16xi32>
        %gt3A_1361 = arith.cmpf ogt, %select_n3A_1357, %select_n3A_1332 : vector<16xf32>
        %select_n3A_1362 = arith.select %gt3A_1361, %select_n3A_1357, %select_n3A_1332 : vector<16xi1>, vector<16xf32>
        %select_n3A_1363 = arith.select %gt3A_1361, %select_n3A_1358, %select_n3A_1333 : vector<16xi1>, vector<16xi32>
        %mul3A_1364 = arith.constant 4 : i32
        %mul3A_1365 = arith.muli %scan3A_1266, %mul3A_1364 : i32
        %add3A_1366 = arith.constant 3 : i32
        %add3A_1367 = arith.addi %mul3A_1365, %add3A_1366 : i32
        %mul3A_1368 = arith.constant 16 : i32
        %mul3A_1369 = arith.muli %add3A_1367, %mul3A_1368 : i32
        %get3A_1370 = arith.index_cast %mul3A_1369 : i32 to index
        %get3A_1371 = tpu.vector_load %arg6[%get3A_1370] {strides = array<i32>} : memref<6400xf32, #tpu.memory_space<vmem>>, vector<16xf32>,
        %mul3A_1372 = arith.constant 16 : i32
        %mul3A_1373 = arith.muli %add3A_1367, %mul3A_1372 : i32
        %add3A_1374 = vector.broadcast %mul3A_1373 : i32 to vector<16xi32>
        %add3A_1375 = arith.addi %add3A_1374, %iota3A : vector<16xi32>
        %gt3A_1376 = arith.cmpf ogt, %get3A_1371, %select_n3A_1349 : vector<16xf32>
        %select_n3A_1377 = arith.select %gt3A_1376, %select_n3A_1349, %get3A_1371 : vector<16xi1>, vector<16xf32>
        %select_n3A_1378 = arith.select %gt3A_1376, %select_n3A_1350, %add3A_1375 : vector<16xi1>, vector<16xi32>
        %select_n3A_1379 = arith.select %gt3A_1376, %get3A_1371, %select_n3A_1349 : vector<16xi1>, vector<16xf32>
        %select_n3A_1380 = arith.select %gt3A_1376, %add3A_1375, %select_n3A_1350 : vector<16xi1>, vector<16xi32>
        %gt3A_1381 = arith.cmpf ogt, %select_n3A_1377, %select_n3A_1354 : vector<16xf32>
        %select_n3A_1382 = arith.select %gt3A_1381, %select_n3A_1354, %select_n3A_1377 : vector<16xi1>, vector<16xf32>
        %select_n3A_1383 = arith.select %gt3A_1381, %select_n3A_1355, %select_n3A_1378 : vector<16xi1>, vector<16xi32>
        %select_n3A_1384 = arith.select %gt3A_1381, %select_n3A_1377, %select_n3A_1354 : vector<16xi1>, vector<16xf32>
        %select_n3A_1385 = arith.select %gt3A_1381, %select_n3A_1378, %select_n3A_1355 : vector<16xi1>, vector<16xi32>
        %gt3A_1386 = arith.cmpf ogt, %select_n3A_1382, %select_n3A_1359 : vector<16xf32>
        %select_n3A_1387 = arith.select %gt3A_1386, %select_n3A_1359, %select_n3A_1382 : vector<16xi1>, vector<16xf32>
        %select_n3A_1388 = arith.select %gt3A_1386, %select_n3A_1360, %select_n3A_1383 : vector<16xi1>, vector<16xi32>
        %select_n3A_1389 = arith.select %gt3A_1386, %select_n3A_1382, %select_n3A_1359 : vector<16xi1>, vector<16xf32>
        %select_n3A_1390 = arith.select %gt3A_1386, %select_n3A_1383, %select_n3A_1360 : vector<16xi1>, vector<16xi32>
        %gt3A_1391 = arith.cmpf ogt, %select_n3A_1387, %select_n3A_1362 : vector<16xf32>
        %select_n3A_1392 = arith.select %gt3A_1391, %select_n3A_1387, %select_n3A_1362 : vector<16xi1>, vector<16xf32>
        %select_n3A_1393 = arith.select %gt3A_1391, %select_n3A_1388, %select_n3A_1363 : vector<16xi1>, vector<16xi32>
        scf.yield %select_n3A_1379, %select_n3A_1384, %select_n3A_1389, %select_n3A_1392, %select_n3A_1380, %select_n3A_1385, %select_n3A_1390, %select_n3A_1393 : vector<16xf32>, vector<16xf32>, vector<16xf32>, vector<16xf32>, vector<16xi32>, vector<16xi32>, vector<16xi32>, vector<16xi32>
      }
      %scan3A_49 = arith.constant 100 : i32
      %masked_sort3A = arith.constant dense<true> : vector<16xi1>
      %masked_sort3A_50, %masked_sort3A_51, %masked_sort3A_52 = tpu.sort %scan3A_48#0, %scan3A_48#4 masked %masked_sort3A {descending = true} : (vector<16xf32>, vector<16xi32>, vector<16xi1>) -> (vector<16xi1>, vector<16xf32>, vector<16xi32>)
      %masked_sort3A_53 = arith.constant dense<true> : vector<16xi1>
      %masked_sort3A_54, %masked_sort3A_55, %masked_sort3A_56 = tpu.sort %scan3A_48#1, %scan3A_48#5 masked %masked_sort3A_53 : (vector<16xf32>, vector<16xi32>, vector<16xi1>) -> (vector<16xi1>, vector<16xf32>, vector<16xi32>)
      %gt3A = arith.cmpf ogt, %masked_sort3A_51, %masked_sort3A_55 : vector<16xf32>
      %eq3A = arith.cmpf oeq, %masked_sort3A_51, %masked_sort3A_55 : vector<16xf32>
      %lt3A = arith.cmpi slt, %masked_sort3A_52, %masked_sort3A_56 : vector<16xi32>
      %and3A = arith.andi %eq3A, %lt3A : vector<16xi1>
      %or3A = arith.ori %gt3A, %and3A : vector<16xi1>
      %select_n3A = arith.select %or3A, %masked_sort3A_51, %masked_sort3A_55 : vector<16xi1>, vector<16xf32>
      %select_n3A_57 = arith.select %or3A, %masked_sort3A_52, %masked_sort3A_56 : vector<16xi1>, vector<16xi32>
      %masked_sort3A_58 = arith.constant dense<true> : vector<16xi1>
      %masked_sort3A_59, %masked_sort3A_60, %masked_sort3A_61 = tpu.sort %select_n3A, %select_n3A_57 masked %masked_sort3A_58 {descending = true} : (vector<16xf32>, vector<16xi32>, vector<16xi1>) -> (vector<16xi1>, vector<16xf32>, vector<16xi32>)
      %masked_sort3A_62 = arith.constant dense<true> : vector<16xi1>
      %masked_sort3A_63, %masked_sort3A_64, %masked_sort3A_65 = tpu.sort %scan3A_48#2, %scan3A_48#6 masked %masked_sort3A_62 : (vector<16xf32>, vector<16xi32>, vector<16xi1>) -> (vector<16xi1>, vector<16xf32>, vector<16xi32>)
      %gt3A_66 = arith.cmpf ogt, %masked_sort3A_60, %masked_sort3A_64 : vector<16xf32>
      %eq3A_67 = arith.cmpf oeq, %masked_sort3A_60, %masked_sort3A_64 : vector<16xf32>
      %lt3A_68 = arith.cmpi slt, %masked_sort3A_61, %masked_sort3A_65 : vector<16xi32>
      %and3A_69 = arith.andi %eq3A_67, %lt3A_68 : vector<16xi1>
      %or3A_70 = arith.ori %gt3A_66, %and3A_69 : vector<16xi1>
      %select_n3A_71 = arith.select %or3A_70, %masked_sort3A_60, %masked_sort3A_64 : vector<16xi1>, vector<16xf32>
      %select_n3A_72 = arith.select %or3A_70, %masked_sort3A_61, %masked_sort3A_65 : vector<16xi1>, vector<16xi32>
      %masked_sort3A_73 = arith.constant dense<true> : vector<16xi1>
      %masked_sort3A_74, %masked_sort3A_75, %masked_sort3A_76 = tpu.sort %select_n3A_71, %select_n3A_72 masked %masked_sort3A_73 {descending = true} : (vector<16xf32>, vector<16xi32>, vector<16xi1>) -> (vector<16xi1>, vector<16xf32>, vector<16xi32>)
      %masked_sort3A_77 = arith.constant dense<true> : vector<16xi1>
      %masked_sort3A_78, %masked_sort3A_79, %masked_sort3A_80 = tpu.sort %scan3A_48#3, %scan3A_48#7 masked %masked_sort3A_77 : (vector<16xf32>, vector<16xi32>, vector<16xi1>) -> (vector<16xi1>, vector<16xf32>, vector<16xi32>)
      %gt3A_81 = arith.cmpf ogt, %masked_sort3A_75, %masked_sort3A_79 : vector<16xf32>
      %eq3A_82 = arith.cmpf oeq, %masked_sort3A_75, %masked_sort3A_79 : vector<16xf32>
      %lt3A_83 = arith.cmpi slt, %masked_sort3A_76, %masked_sort3A_80 : vector<16xi32>
      %and3A_84 = arith.andi %eq3A_82, %lt3A_83 : vector<16xi1>
      %or3A_85 = arith.ori %gt3A_81, %and3A_84 : vector<16xi1>
      %select_n3A_86 = arith.select %or3A_85, %masked_sort3A_75, %masked_sort3A_79 : vector<16xi1>, vector<16xf32>
      %select_n3A_87 = arith.select %or3A_85, %masked_sort3A_76, %masked_sort3A_80 : vector<16xi1>, vector<16xi32>
      %masked_sort3A_88 = arith.constant dense<true> : vector<16xi1>
      %masked_sort3A_89, %masked_sort3A_90, %masked_sort3A_91 = tpu.sort %select_n3A_86, %select_n3A_87 masked %masked_sort3A_88 {descending = true} : (vector<16xf32>, vector<16xi32>, vector<16xi1>) -> (vector<16xi1>, vector<16xf32>, vector<16xi32>)
      %eq3A_92 = arith.constant 5 : i32
      %eq3A_93 = vector.broadcast %eq3A_92 : i32 to vector<16xi32>
      %eq3A_94 = arith.cmpi eq, %iota3A, %eq3A_93 : vector<16xi32>
      %jit3A = arith.constant -3.000000e+38 : f32
      %broadcast_in_dim3A_95 = vector.broadcast %jit3A : f32 to vector<16xf32>
      %select_n3A_96 = arith.select %eq3A_94, %masked_sort3A_90, %broadcast_in_dim3A_95 : vector<16xi1>, vector<16xf32>
      %reduce_max3A = arith.constant true
      %reduce_max3A_97 = vector.broadcast %reduce_max3A : i1 to vector<16xi1>
      %reduce_max3A_98 = tpu.scan <max>, %select_n3A_96 masked %reduce_max3A_97 : vector<16xf32>, vector<16xi1> -> vector<16xf32>
      %reduce_max3A_99 = vector.extract %reduce_max3A_98[15] : f32 from vector<16xf32>
      %reduce_max3A_100 = arith.constant true
      %reduce_max3A_101 = vector.broadcast %reduce_max3A_100 : i1 to vector<16xi1>
      %reduce_max3A_102 = tpu.scan <max>, %scan3A_48#3 masked %reduce_max3A_101 : vector<16xf32>, vector<16xi1> -> vector<16xf32>
      %reduce_max3A_103 = vector.extract %reduce_max3A_102[15] : f32 from vector<16xf32>
      %ge3A = arith.cmpf oge, %reduce_max3A_103, %reduce_max3A_99 : f32
      %convert_element_type3A = arith.extui %ge3A : i1 to i32
      %cond3A = arith.constant 0 : i32
      %cond3A_104 = arith.constant 0 : i32
      %cond3A_105 = arith.cmpi ne, %convert_element_type3A, %cond3A_104 : i32
      %cond3A_106:2 = scf.if %cond3A_105 -> (vector<16xf32>, vector<16xi32>) {
        %scan3A_1266 = arith.constant 0 : i32
        %scan3A_1267 = arith.constant 400 : i32
        %scan3A_1268 = arith.addi %scan3A_1266, %scan3A_1267 : i32
        %scan3A_1269 = arith.constant 1 : i32
        %scan3A_1270:2 = scf.for %scan3A_1272 = %scan3A_1266 to %scan3A_1268 step %scan3A_1269 iter_args(%scan3A_1273 = %broadcast_in_dim3A_3, %scan3A_1274 = %broadcast_in_dim3A_1) -> (vector<16xf32>, vector<16xi32>)  : i32 {
          %mul3A_1275 = arith.constant 16 : i32
          %mul3A_1276 = arith.muli %scan3A_1272, %mul3A_1275 : i32
          %get3A = arith.index_cast %mul3A_1276 : i32 to index
          %get3A_1277 = tpu.vector_load %arg6[%get3A] {strides = array<i32>} : memref<6400xf32, #tpu.memory_space<vmem>>, vector<16xf32>,
          %mul3A_1278 = arith.constant 16 : i32
          %mul3A_1279 = arith.muli %scan3A_1272, %mul3A_1278 : i32
          %add3A_1280 = vector.broadcast %mul3A_1279 : i32 to vector<16xi32>
          %add3A_1281 = arith.addi %add3A_1280, %iota3A : vector<16xi32>
          %masked_sort3A_1282 = arith.constant dense<true> : vector<16xi1>
          %masked_sort3A_1283, %masked_sort3A_1284, %masked_sort3A_1285 = tpu.sort %get3A_1277, %add3A_1281 masked %masked_sort3A_1282 : (vector<16xf32>, vector<16xi32>, vector<16xi1>) -> (vector<16xi1>, vector<16xf32>, vector<16xi32>)
          %gt3A_1286 = arith.cmpf ogt, %scan3A_1273, %masked_sort3A_1284 : vector<16xf32>
          %eq3A_1287 = arith.cmpf oeq, %scan3A_1273, %masked_sort3A_1284 : vector<16xf32>
          %lt3A_1288 = arith.cmpi slt, %scan3A_1274, %masked_sort3A_1285 : vector<16xi32>
          %and3A_1289 = arith.andi %eq3A_1287, %lt3A_1288 : vector<16xi1>
          %or3A_1290 = arith.ori %gt3A_1286, %and3A_1289 : vector<16xi1>
          %select_n3A_1291 = arith.select %or3A_1290, %scan3A_1273, %masked_sort3A_1284 : vector<16xi1>, vector<16xf32>
          %select_n3A_1292 = arith.select %or3A_1290, %scan3A_1274, %masked_sort3A_1285 : vector<16xi1>, vector<16xi32>
          %masked_sort3A_1293 = arith.constant dense<true> : vector<16xi1>
          %masked_sort3A_1294, %masked_sort3A_1295, %masked_sort3A_1296 = tpu.sort %select_n3A_1291, %select_n3A_1292 masked %masked_sort3A_1293 {descending = true} : (vector<16xf32>, vector<16xi32>, vector<16xi1>) -> (vector<16xi1>, vector<16xf32>, vector<16xi32>)
          scf.yield %masked_sort3A_1295, %masked_sort3A_1296 : vector<16xf32>, vector<16xi32>
        }
        %scan3A_1271 = arith.constant 400 : i32
        scf.yield %scan3A_1270#0, %scan3A_1270#1 : vector<16xf32>, vector<16xi32>
      } else {
        scf.yield %masked_sort3A_90, %masked_sort3A_91 : vector<16xf32>, vector<16xi32>
      }
      %eq3A_107 = arith.constant 0 : i32
      %eq3A_108 = vector.broadcast %eq3A_107 : i32 to vector<16xi32>
      %eq3A_109 = arith.cmpi eq, %iota3A, %eq3A_108 : vector<16xi32>
      %jit3A_110 = arith.constant -1 : i32
      %broadcast_in_dim3A_111 = vector.broadcast %jit3A_110 : i32 to vector<16xi32>
      %select_n3A_112 = arith.select %eq3A_109, %cond3A_106#1, %broadcast_in_dim3A_111 : vector<16xi1>, vector<16xi32>
      %reduce_max3A_113 = arith.constant true
      %reduce_max3A_114 = vector.broadcast %reduce_max3A_113 : i1 to vector<16xi1>
      %reduce_max3A_115 = arith.constant -2147483648 : i32
      %reduce_max3A_116 = vector.broadcast %reduce_max3A_115 : i32 to vector<16xi32>
      %reduce_max3A_117 = arith.xori %select_n3A_112, %reduce_max3A_116 : vector<16xi32>
      %reduce_max3A_118 = tpu.scan <max>, %reduce_max3A_117 masked %reduce_max3A_114 : vector<16xi32>, vector<16xi1> -> vector<16xi32>
      %reduce_max3A_119 = arith.xori %reduce_max3A_118, %reduce_max3A_116 : vector<16xi32>
      %reduce_max3A_120 = vector.extract %reduce_max3A_119[15] : i32 from vector<16xi32>
      %mul3A_121 = arith.constant 16 : i32
      %mul3A_122 = arith.muli %reduce_max3A_120, %mul3A_121 : i32
      %dma_start3A_123 = arith.constant 0 : i32
      %dma_start3A_124 = arith.constant 0 : i32
      %dma_start3A_125 = tpu.memref_slice %arg9[%dma_start3A_123, %dma_start3A_124] : memref<128x64xf32, #tpu.memory_space<vmem>> -> memref<16x64xf32, #tpu.memory_space<vmem>>
      %dma_start3A_126 = arith.constant 0 : i32
      %dma_start3A_127 = tpu.memref_slice %arg3[%mul3A_122, %dma_start3A_126] : memref<102400x64xf32, #tpu.memory_space<hbm>> -> memref<16x64xf32, #tpu.memory_space<hbm>>
      %dma_start3A_128 = arith.constant 0 : i32
      %dma_start3A_129 = arith.constant 0 : i32
      %dma_start3A_130 = tpu.memref_slice %arg9[%dma_start3A_128, %dma_start3A_129] : memref<128x64xf32, #tpu.memory_space<vmem>> -> memref<16x64xf32, #tpu.memory_space<vmem>>
      %dma_start3A_131 = arith.constant 0 : i32
      %dma_start3A_132 = tpu.memref_slice %arg3[%mul3A_122, %dma_start3A_131] : memref<102400x64xf32, #tpu.memory_space<hbm>> -> memref<16x64xf32, #tpu.memory_space<hbm>>
      tpu.enqueue_dma source(%dma_start3A_132 : memref<16x64xf32, #tpu.memory_space<hbm>>) target(%dma_start3A_130 : memref<16x64xf32, #tpu.memory_space<vmem>>) target_semaphore(%arg12 : memref<!tpu.dma_semaphore, #tpu.memory_space<semaphore_mem>>)
      %eq3A_133 = arith.constant 1 : i32
      %eq3A_134 = vector.broadcast %eq3A_133 : i32 to vector<16xi32>
      %eq3A_135 = arith.cmpi eq, %iota3A, %eq3A_134 : vector<16xi32>
      %jit3A_136 = arith.constant -1 : i32
      %broadcast_in_dim3A_137 = vector.broadcast %jit3A_136 : i32 to vector<16xi32>
      %select_n3A_138 = arith.select %eq3A_135, %cond3A_106#1, %broadcast_in_dim3A_137 : vector<16xi1>, vector<16xi32>
      %reduce_max3A_139 = arith.constant true
      %reduce_max3A_140 = vector.broadcast %reduce_max3A_139 : i1 to vector<16xi1>
      %reduce_max3A_141 = arith.constant -2147483648 : i32
      %reduce_max3A_142 = vector.broadcast %reduce_max3A_141 : i32 to vector<16xi32>
      %reduce_max3A_143 = arith.xori %select_n3A_138, %reduce_max3A_142 : vector<16xi32>
      %reduce_max3A_144 = tpu.scan <max>, %reduce_max3A_143 masked %reduce_max3A_140 : vector<16xi32>, vector<16xi1> -> vector<16xi32>
      %reduce_max3A_145 = arith.xori %reduce_max3A_144, %reduce_max3A_142 : vector<16xi32>
      %reduce_max3A_146 = vector.extract %reduce_max3A_145[15] : i32 from vector<16xi32>
      %mul3A_147 = arith.constant 16 : i32
      %mul3A_148 = arith.muli %reduce_max3A_146, %mul3A_147 : i32
      %dma_start3A_149 = arith.constant 16 : i32
      %dma_start3A_150 = arith.constant 0 : i32
      %dma_start3A_151 = tpu.memref_slice %arg9[%dma_start3A_149, %dma_start3A_150] : memref<128x64xf32, #tpu.memory_space<vmem>> -> memref<16x64xf32, #tpu.memory_space<vmem>>
      %dma_start3A_152 = arith.constant 0 : i32
      %dma_start3A_153 = tpu.memref_slice %arg3[%mul3A_148, %dma_start3A_152] : memref<102400x64xf32, #tpu.memory_space<hbm>> -> memref<16x64xf32, #tpu.memory_space<hbm>>
      %dma_start3A_154 = arith.constant 16 : i32
      %dma_start3A_155 = arith.constant 0 : i32
      %dma_start3A_156 = tpu.memref_slice %arg9[%dma_start3A_154, %dma_start3A_155] : memref<128x64xf32, #tpu.memory_space<vmem>> -> memref<16x64xf32, #tpu.memory_space<vmem>>
      %dma_start3A_157 = arith.constant 0 : i32
      %dma_start3A_158 = tpu.memref_slice %arg3[%mul3A_148, %dma_start3A_157] : memref<102400x64xf32, #tpu.memory_space<hbm>> -> memref<16x64xf32, #tpu.memory_space<hbm>>
      tpu.enqueue_dma source(%dma_start3A_158 : memref<16x64xf32, #tpu.memory_space<hbm>>) target(%dma_start3A_156 : memref<16x64xf32, #tpu.memory_space<vmem>>) target_semaphore(%arg12 : memref<!tpu.dma_semaphore, #tpu.memory_space<semaphore_mem>>)
      %eq3A_159 = arith.constant 2 : i32
      %eq3A_160 = vector.broadcast %eq3A_159 : i32 to vector<16xi32>
      %eq3A_161 = arith.cmpi eq, %iota3A, %eq3A_160 : vector<16xi32>
      %jit3A_162 = arith.constant -1 : i32
      %broadcast_in_dim3A_163 = vector.broadcast %jit3A_162 : i32 to vector<16xi32>
      %select_n3A_164 = arith.select %eq3A_161, %cond3A_106#1, %broadcast_in_dim3A_163 : vector<16xi1>, vector<16xi32>
      %reduce_max3A_165 = arith.constant true
      %reduce_max3A_166 = vector.broadcast %reduce_max3A_165 : i1 to vector<16xi1>
      %reduce_max3A_167 = arith.constant -2147483648 : i32
      %reduce_max3A_168 = vector.broadcast %reduce_max3A_167 : i32 to vector<16xi32>
      %reduce_max3A_169 = arith.xori %select_n3A_164, %reduce_max3A_168 : vector<16xi32>
      %reduce_max3A_170 = tpu.scan <max>, %reduce_max3A_169 masked %reduce_max3A_166 : vector<16xi32>, vector<16xi1> -> vector<16xi32>
      %reduce_max3A_171 = arith.xori %reduce_max3A_170, %reduce_max3A_168 : vector<16xi32>
      %reduce_max3A_172 = vector.extract %reduce_max3A_171[15] : i32 from vector<16xi32>
      %mul3A_173 = arith.constant 16 : i32
      %mul3A_174 = arith.muli %reduce_max3A_172, %mul3A_173 : i32
      %dma_start3A_175 = arith.constant 32 : i32
      %dma_start3A_176 = arith.constant 0 : i32
      %dma_start3A_177 = tpu.memref_slice %arg9[%dma_start3A_175, %dma_start3A_176] : memref<128x64xf32, #tpu.memory_space<vmem>> -> memref<16x64xf32, #tpu.memory_space<vmem>>
      %dma_start3A_178 = arith.constant 0 : i32
      %dma_start3A_179 = tpu.memref_slice %arg3[%mul3A_174, %dma_start3A_178] : memref<102400x64xf32, #tpu.memory_space<hbm>> -> memref<16x64xf32, #tpu.memory_space<hbm>>
      %dma_start3A_180 = arith.constant 32 : i32
      %dma_start3A_181 = arith.constant 0 : i32
      %dma_start3A_182 = tpu.memref_slice %arg9[%dma_start3A_180, %dma_start3A_181] : memref<128x64xf32, #tpu.memory_space<vmem>> -> memref<16x64xf32, #tpu.memory_space<vmem>>
      %dma_start3A_183 = arith.constant 0 : i32
      %dma_start3A_184 = tpu.memref_slice %arg3[%mul3A_174, %dma_start3A_183] : memref<102400x64xf32, #tpu.memory_space<hbm>> -> memref<16x64xf32, #tpu.memory_space<hbm>>
      tpu.enqueue_dma source(%dma_start3A_184 : memref<16x64xf32, #tpu.memory_space<hbm>>) target(%dma_start3A_182 : memref<16x64xf32, #tpu.memory_space<vmem>>) target_semaphore(%arg12 : memref<!tpu.dma_semaphore, #tpu.memory_space<semaphore_mem>>)
      %eq3A_185 = arith.constant 3 : i32
      %eq3A_186 = vector.broadcast %eq3A_185 : i32 to vector<16xi32>
      %eq3A_187 = arith.cmpi eq, %iota3A, %eq3A_186 : vector<16xi32>
      %jit3A_188 = arith.constant -1 : i32
      %broadcast_in_dim3A_189 = vector.broadcast %jit3A_188 : i32 to vector<16xi32>
      %select_n3A_190 = arith.select %eq3A_187, %cond3A_106#1, %broadcast_in_dim3A_189 : vector<16xi1>, vector<16xi32>
      %reduce_max3A_191 = arith.constant true
      %reduce_max3A_192 = vector.broadcast %reduce_max3A_191 : i1 to vector<16xi1>
      %reduce_max3A_193 = arith.constant -2147483648 : i32
      %reduce_max3A_194 = vector.broadcast %reduce_max3A_193 : i32 to vector<16xi32>
      %reduce_max3A_195 = arith.xori %select_n3A_190, %reduce_max3A_194 : vector<16xi32>
      %reduce_max3A_196 = tpu.scan <max>, %reduce_max3A_195 masked %reduce_max3A_192 : vector<16xi32>, vector<16xi1> -> vector<16xi32>
      %reduce_max3A_197 = arith.xori %reduce_max3A_196, %reduce_max3A_194 : vector<16xi32>
      %reduce_max3A_198 = vector.extract %reduce_max3A_197[15] : i32 from vector<16xi32>
      %mul3A_199 = arith.constant 16 : i32
      %mul3A_200 = arith.muli %reduce_max3A_198, %mul3A_199 : i32
      %dma_start3A_201 = arith.constant 48 : i32
      %dma_start3A_202 = arith.constant 0 : i32
      %dma_start3A_203 = tpu.memref_slice %arg9[%dma_start3A_201, %dma_start3A_202] : memref<128x64xf32, #tpu.memory_space<vmem>> -> memref<16x64xf32, #tpu.memory_space<vmem>>
      %dma_start3A_204 = arith.constant 0 : i32
      %dma_start3A_205 = tpu.memref_slice %arg3[%mul3A_200, %dma_start3A_204] : memref<102400x64xf32, #tpu.memory_space<hbm>> -> memref<16x64xf32, #tpu.memory_space<hbm>>
      %dma_start3A_206 = arith.constant 48 : i32
      %dma_start3A_207 = arith.constant 0 : i32
      %dma_start3A_208 = tpu.memref_slice %arg9[%dma_start3A_206, %dma_start3A_207] : memref<128x64xf32, #tpu.memory_space<vmem>> -> memref<16x64xf32, #tpu.memory_space<vmem>>
      %dma_start3A_209 = arith.constant 0 : i32
      %dma_start3A_210 = tpu.memref_slice %arg3[%mul3A_200, %dma_start3A_209] : memref<102400x64xf32, #tpu.memory_space<hbm>> -> memref<16x64xf32, #tpu.memory_space<hbm>>
      tpu.enqueue_dma source(%dma_start3A_210 : memref<16x64xf32, #tpu.memory_space<hbm>>) target(%dma_start3A_208 : memref<16x64xf32, #tpu.memory_space<vmem>>) target_semaphore(%arg12 : memref<!tpu.dma_semaphore, #tpu.memory_space<semaphore_mem>>)
      %eq3A_211 = arith.constant 4 : i32
      %eq3A_212 = vector.broadcast %eq3A_211 : i32 to vector<16xi32>
      %eq3A_213 = arith.cmpi eq, %iota3A, %eq3A_212 : vector<16xi32>
      %jit3A_214 = arith.constant -1 : i32
      %broadcast_in_dim3A_215 = vector.broadcast %jit3A_214 : i32 to vector<16xi32>
      %select_n3A_216 = arith.select %eq3A_213, %cond3A_106#1, %broadcast_in_dim3A_215 : vector<16xi1>, vector<16xi32>
      %reduce_max3A_217 = arith.constant true
      %reduce_max3A_218 = vector.broadcast %reduce_max3A_217 : i1 to vector<16xi1>
      %reduce_max3A_219 = arith.constant -2147483648 : i32
      %reduce_max3A_220 = vector.broadcast %reduce_max3A_219 : i32 to vector<16xi32>
      %reduce_max3A_221 = arith.xori %select_n3A_216, %reduce_max3A_220 : vector<16xi32>
      %reduce_max3A_222 = tpu.scan <max>, %reduce_max3A_221 masked %reduce_max3A_218 : vector<16xi32>, vector<16xi1> -> vector<16xi32>
      %reduce_max3A_223 = arith.xori %reduce_max3A_222, %reduce_max3A_220 : vector<16xi32>
      %reduce_max3A_224 = vector.extract %reduce_max3A_223[15] : i32 from vector<16xi32>
      %mul3A_225 = arith.constant 16 : i32
      %mul3A_226 = arith.muli %reduce_max3A_224, %mul3A_225 : i32
      %dma_start3A_227 = arith.constant 64 : i32
      %dma_start3A_228 = arith.constant 0 : i32
      %dma_start3A_229 = tpu.memref_slice %arg9[%dma_start3A_227, %dma_start3A_228] : memref<128x64xf32, #tpu.memory_space<vmem>> -> memref<16x64xf32, #tpu.memory_space<vmem>>
      %dma_start3A_230 = arith.constant 0 : i32
      %dma_start3A_231 = tpu.memref_slice %arg3[%mul3A_226, %dma_start3A_230] : memref<102400x64xf32, #tpu.memory_space<hbm>> -> memref<16x64xf32, #tpu.memory_space<hbm>>
      %dma_start3A_232 = arith.constant 64 : i32
      %dma_start3A_233 = arith.constant 0 : i32
      %dma_start3A_234 = tpu.memref_slice %arg9[%dma_start3A_232, %dma_start3A_233] : memref<128x64xf32, #tpu.memory_space<vmem>> -> memref<16x64xf32, #tpu.memory_space<vmem>>
      %dma_start3A_235 = arith.constant 0 : i32
      %dma_start3A_236 = tpu.memref_slice %arg3[%mul3A_226, %dma_start3A_235] : memref<102400x64xf32, #tpu.memory_space<hbm>> -> memref<16x64xf32, #tpu.memory_space<hbm>>
      tpu.enqueue_dma source(%dma_start3A_236 : memref<16x64xf32, #tpu.memory_space<hbm>>) target(%dma_start3A_234 : memref<16x64xf32, #tpu.memory_space<vmem>>) target_semaphore(%arg12 : memref<!tpu.dma_semaphore, #tpu.memory_space<semaphore_mem>>)
      %eq3A_237 = arith.constant 5 : i32
      %eq3A_238 = vector.broadcast %eq3A_237 : i32 to vector<16xi32>
      %eq3A_239 = arith.cmpi eq, %iota3A, %eq3A_238 : vector<16xi32>
      %jit3A_240 = arith.constant -1 : i32
      %broadcast_in_dim3A_241 = vector.broadcast %jit3A_240 : i32 to vector<16xi32>
      %select_n3A_242 = arith.select %eq3A_239, %cond3A_106#1, %broadcast_in_dim3A_241 : vector<16xi1>, vector<16xi32>
      %reduce_max3A_243 = arith.constant true
      %reduce_max3A_244 = vector.broadcast %reduce_max3A_243 : i1 to vector<16xi1>
      %reduce_max3A_245 = arith.constant -2147483648 : i32
      %reduce_max3A_246 = vector.broadcast %reduce_max3A_245 : i32 to vector<16xi32>
      %reduce_max3A_247 = arith.xori %select_n3A_242, %reduce_max3A_246 : vector<16xi32>
      %reduce_max3A_248 = tpu.scan <max>, %reduce_max3A_247 masked %reduce_max3A_244 : vector<16xi32>, vector<16xi1> -> vector<16xi32>
      %reduce_max3A_249 = arith.xori %reduce_max3A_248, %reduce_max3A_246 : vector<16xi32>
      %reduce_max3A_250 = vector.extract %reduce_max3A_249[15] : i32 from vector<16xi32>
      %mul3A_251 = arith.constant 16 : i32
      %mul3A_252 = arith.muli %reduce_max3A_250, %mul3A_251 : i32
      %dma_start3A_253 = arith.constant 80 : i32
      %dma_start3A_254 = arith.constant 0 : i32
      %dma_start3A_255 = tpu.memref_slice %arg9[%dma_start3A_253, %dma_start3A_254] : memref<128x64xf32, #tpu.memory_space<vmem>> -> memref<16x64xf32, #tpu.memory_space<vmem>>
      %dma_start3A_256 = arith.constant 0 : i32
      %dma_start3A_257 = tpu.memref_slice %arg3[%mul3A_252, %dma_start3A_256] : memref<102400x64xf32, #tpu.memory_space<hbm>> -> memref<16x64xf32, #tpu.memory_space<hbm>>
      %dma_start3A_258 = arith.constant 80 : i32
      %dma_start3A_259 = arith.constant 0 : i32
      %dma_start3A_260 = tpu.memref_slice %arg9[%dma_start3A_258, %dma_start3A_259] : memref<128x64xf32, #tpu.memory_space<vmem>> -> memref<16x64xf32, #tpu.memory_space<vmem>>
      %dma_start3A_261 = arith.constant 0 : i32
      %dma_start3A_262 = tpu.memref_slice %arg3[%mul3A_252, %dma_start3A_261] : memref<102400x64xf32, #tpu.memory_space<hbm>> -> memref<16x64xf32, #tpu.memory_space<hbm>>
      tpu.enqueue_dma source(%dma_start3A_262 : memref<16x64xf32, #tpu.memory_space<hbm>>) target(%dma_start3A_260 : memref<16x64xf32, #tpu.memory_space<vmem>>) target_semaphore(%arg12 : memref<!tpu.dma_semaphore, #tpu.memory_space<semaphore_mem>>)
      %jit3A_263 = arith.constant 128 : i32
      %div3A = arith.divsi %reduce_max3A_120, %jit3A_263 : i32
      %sign3A = arith.constant 0 : i32
      %sign3A_264 = arith.cmpi sgt, %reduce_max3A_120, %sign3A : i32
      %sign3A_265 = arith.extui %sign3A_264 : i1 to i32
      %sign3A_266 = arith.constant 0 : i32
      %sign3A_267 = arith.cmpi slt, %reduce_max3A_120, %sign3A_266 : i32
      %sign3A_268 = arith.extui %sign3A_267 : i1 to i32
      %sign3A_269 = arith.subi %sign3A_265, %sign3A_268 : i32
      %sign3A_270 = arith.constant 0 : i32
      %sign3A_271 = arith.cmpi sgt, %jit3A_263, %sign3A_270 : i32
      %sign3A_272 = arith.extui %sign3A_271 : i1 to i32
      %sign3A_273 = arith.constant 0 : i32
      %sign3A_274 = arith.cmpi slt, %jit3A_263, %sign3A_273 : i32
      %sign3A_275 = arith.extui %sign3A_274 : i1 to i32
      %sign3A_276 = arith.subi %sign3A_272, %sign3A_275 : i32
      %ne3A = arith.cmpi ne, %sign3A_269, %sign3A_276 : i32
      %rem3A = arith.remsi %reduce_max3A_120, %jit3A_263 : i32
      %ne3A_277 = arith.constant 0 : i32
      %ne3A_278 = arith.cmpi ne, %rem3A, %ne3A_277 : i32
      %and3A_279 = arith.andi %ne3A, %ne3A_278 : i1
      %sub3A = arith.constant 1 : i32
      %sub3A_280 = arith.subi %div3A, %sub3A : i32
      %select_n3A_281 = arith.select %and3A_279, %sub3A_280, %div3A : i32
      %jit3A_282 = arith.constant 128 : i32
      %eq3A_283 = arith.constant 0 : i32
      %eq3A_284 = arith.cmpi eq, %jit3A_282, %eq3A_283 : i32
      %jit3A_285 = arith.constant 1 : i32
      %select_n3A_286 = arith.select %eq3A_284, %jit3A_285, %jit3A_282 : i32
      %rem3A_287 = arith.remsi %reduce_max3A_120, %select_n3A_286 : i32
      %ne3A_288 = arith.constant 0 : i32
      %ne3A_289 = arith.cmpi ne, %rem3A_287, %ne3A_288 : i32
      %lt3A_290 = arith.constant 0 : i32
      %lt3A_291 = arith.cmpi slt, %rem3A_287, %lt3A_290 : i32
      %lt3A_292 = arith.constant 0 : i32
      %lt3A_293 = arith.cmpi slt, %select_n3A_286, %lt3A_292 : i32
      %ne3A_294 = arith.xori %lt3A_291, %lt3A_293 : i1
      %and3A_295 = arith.andi %ne3A_294, %ne3A_289 : i1
      %add3A_296 = arith.addi %rem3A_287, %select_n3A_286 : i32
      %select_n3A_297 = arith.select %and3A_295, %add3A_296, %rem3A_287 : i32
      %mul3A_298 = arith.constant 16 : i32
      %mul3A_299 = arith.muli %select_n3A_281, %mul3A_298 : i32
      %add3A_300 = vector.broadcast %mul3A_299 : i32 to vector<16xi32>
      %add3A_301 = arith.addi %add3A_300, %iota3A : vector<16xi32>
      %mul3A_302 = arith.constant 128 : i32
      %mul3A_303 = vector.broadcast %mul3A_302 : i32 to vector<16xi32>
      %mul3A_304 = arith.muli %add3A_301, %mul3A_303 : vector<16xi32>
      %add3A_305 = vector.broadcast %select_n3A_297 : i32 to vector<16xi32>
      %add3A_306 = arith.addi %mul3A_304, %add3A_305 : vector<16xi32>
      %swap3A_307 = arith.constant 0 : index
      %swap3A_308 = tpu.vector_load %arg8[%swap3A_307] {strides = array<i32>} : memref<128xi32, #tpu.memory_space<vmem>>, vector<16xi32>,
      tpu.vector_store %arg8[%swap3A_307], %add3A_306 {strides = array<i32>} : memref<128xi32, #tpu.memory_space<vmem>>, vector<16xi32>,
      %mul3A_309 = arith.constant 16 : i32
      %mul3A_310 = arith.muli %reduce_max3A_120, %mul3A_309 : i32
      %dma_wait3A_311 = arith.constant 0 : i32
      %dma_wait3A_312 = arith.constant 0 : i32
      %dma_wait3A_313 = tpu.memref_slice %arg9[%dma_wait3A_311, %dma_wait3A_312] : memref<128x64xf32, #tpu.memory_space<vmem>> -> memref<16x64xf32, #tpu.memory_space<vmem>>
      %dma_wait3A_314 = arith.constant 0 : i32
      %dma_wait3A_315 = tpu.memref_slice %arg3[%mul3A_310, %dma_wait3A_314] : memref<102400x64xf32, #tpu.memory_space<hbm>> -> memref<16x64xf32, #tpu.memory_space<hbm>>
      %dma_wait3A_316 = arith.constant 0 : i32
      %dma_wait3A_317 = arith.constant 0 : i32
      %dma_wait3A_318 = tpu.memref_slice %arg9[%dma_wait3A_316, %dma_wait3A_317] : memref<128x64xf32, #tpu.memory_space<vmem>> -> memref<16x64xf32, #tpu.memory_space<vmem>>
      %dma_wait3A_319 = arith.constant 0 : i32
      %dma_wait3A_320 = tpu.memref_slice %arg3[%mul3A_310, %dma_wait3A_319] : memref<102400x64xf32, #tpu.memory_space<hbm>> -> memref<16x64xf32, #tpu.memory_space<hbm>>
      tpu.wait_dma2 semaphore(%arg12 : memref<!tpu.dma_semaphore, #tpu.memory_space<semaphore_mem>>) src(%dma_wait3A_320 : memref<16x64xf32, #tpu.memory_space<hbm>>) dst(%dma_wait3A_318 : memref<16x64xf32, #tpu.memory_space<vmem>>)
      %jit3A_321 = arith.constant 128 : i32
      %div3A_322 = arith.divsi %reduce_max3A_146, %jit3A_321 : i32
      %sign3A_323 = arith.constant 0 : i32
      %sign3A_324 = arith.cmpi sgt, %reduce_max3A_146, %sign3A_323 : i32
      %sign3A_325 = arith.extui %sign3A_324 : i1 to i32
      %sign3A_326 = arith.constant 0 : i32
      %sign3A_327 = arith.cmpi slt, %reduce_max3A_146, %sign3A_326 : i32
      %sign3A_328 = arith.extui %sign3A_327 : i1 to i32
      %sign3A_329 = arith.subi %sign3A_325, %sign3A_328 : i32
      %sign3A_330 = arith.constant 0 : i32
      %sign3A_331 = arith.cmpi sgt, %jit3A_321, %sign3A_330 : i32
      %sign3A_332 = arith.extui %sign3A_331 : i1 to i32
      %sign3A_333 = arith.constant 0 : i32
      %sign3A_334 = arith.cmpi slt, %jit3A_321, %sign3A_333 : i32
      %sign3A_335 = arith.extui %sign3A_334 : i1 to i32
      %sign3A_336 = arith.subi %sign3A_332, %sign3A_335 : i32
      %ne3A_337 = arith.cmpi ne, %sign3A_329, %sign3A_336 : i32
      %rem3A_338 = arith.remsi %reduce_max3A_146, %jit3A_321 : i32
      %ne3A_339 = arith.constant 0 : i32
      %ne3A_340 = arith.cmpi ne, %rem3A_338, %ne3A_339 : i32
      %and3A_341 = arith.andi %ne3A_337, %ne3A_340 : i1
      %sub3A_342 = arith.constant 1 : i32
      %sub3A_343 = arith.subi %div3A_322, %sub3A_342 : i32
      %select_n3A_344 = arith.select %and3A_341, %sub3A_343, %div3A_322 : i32
      %jit3A_345 = arith.constant 128 : i32
      %eq3A_346 = arith.constant 0 : i32
      %eq3A_347 = arith.cmpi eq, %jit3A_345, %eq3A_346 : i32
      %jit3A_348 = arith.constant 1 : i32
      %select_n3A_349 = arith.select %eq3A_347, %jit3A_348, %jit3A_345 : i32
      %rem3A_350 = arith.remsi %reduce_max3A_146, %select_n3A_349 : i32
      %ne3A_351 = arith.constant 0 : i32
      %ne3A_352 = arith.cmpi ne, %rem3A_350, %ne3A_351 : i32
      %lt3A_353 = arith.constant 0 : i32
      %lt3A_354 = arith.cmpi slt, %rem3A_350, %lt3A_353 : i32
      %lt3A_355 = arith.constant 0 : i32
      %lt3A_356 = arith.cmpi slt, %select_n3A_349, %lt3A_355 : i32
      %ne3A_357 = arith.xori %lt3A_354, %lt3A_356 : i1
      %and3A_358 = arith.andi %ne3A_357, %ne3A_352 : i1
      %add3A_359 = arith.addi %rem3A_350, %select_n3A_349 : i32
      %select_n3A_360 = arith.select %and3A_358, %add3A_359, %rem3A_350 : i32
      %mul3A_361 = arith.constant 16 : i32
      %mul3A_362 = arith.muli %select_n3A_344, %mul3A_361 : i32
      %add3A_363 = vector.broadcast %mul3A_362 : i32 to vector<16xi32>
      %add3A_364 = arith.addi %add3A_363, %iota3A : vector<16xi32>
      %mul3A_365 = arith.constant 128 : i32
      %mul3A_366 = vector.broadcast %mul3A_365 : i32 to vector<16xi32>
      %mul3A_367 = arith.muli %add3A_364, %mul3A_366 : vector<16xi32>
      %add3A_368 = vector.broadcast %select_n3A_360 : i32 to vector<16xi32>
      %add3A_369 = arith.addi %mul3A_367, %add3A_368 : vector<16xi32>
      %swap3A_370 = arith.constant 16 : index
      %swap3A_371 = tpu.vector_load %arg8[%swap3A_370] {strides = array<i32>} : memref<128xi32, #tpu.memory_space<vmem>>, vector<16xi32>,
      tpu.vector_store %arg8[%swap3A_370], %add3A_369 {strides = array<i32>} : memref<128xi32, #tpu.memory_space<vmem>>, vector<16xi32>,
      %mul3A_372 = arith.constant 16 : i32
      %mul3A_373 = arith.muli %reduce_max3A_146, %mul3A_372 : i32
      %dma_wait3A_374 = arith.constant 16 : i32
      %dma_wait3A_375 = arith.constant 0 : i32
      %dma_wait3A_376 = tpu.memref_slice %arg9[%dma_wait3A_374, %dma_wait3A_375] : memref<128x64xf32, #tpu.memory_space<vmem>> -> memref<16x64xf32, #tpu.memory_space<vmem>>
      %dma_wait3A_377 = arith.constant 0 : i32
      %dma_wait3A_378 = tpu.memref_slice %arg3[%mul3A_373, %dma_wait3A_377] : memref<102400x64xf32, #tpu.memory_space<hbm>> -> memref<16x64xf32, #tpu.memory_space<hbm>>
      %dma_wait3A_379 = arith.constant 16 : i32
      %dma_wait3A_380 = arith.constant 0 : i32
      %dma_wait3A_381 = tpu.memref_slice %arg9[%dma_wait3A_379, %dma_wait3A_380] : memref<128x64xf32, #tpu.memory_space<vmem>> -> memref<16x64xf32, #tpu.memory_space<vmem>>
      %dma_wait3A_382 = arith.constant 0 : i32
      %dma_wait3A_383 = tpu.memref_slice %arg3[%mul3A_373, %dma_wait3A_382] : memref<102400x64xf32, #tpu.memory_space<hbm>> -> memref<16x64xf32, #tpu.memory_space<hbm>>
      tpu.wait_dma2 semaphore(%arg12 : memref<!tpu.dma_semaphore, #tpu.memory_space<semaphore_mem>>) src(%dma_wait3A_383 : memref<16x64xf32, #tpu.memory_space<hbm>>) dst(%dma_wait3A_381 : memref<16x64xf32, #tpu.memory_space<vmem>>)
      %jit3A_384 = arith.constant 128 : i32
      %div3A_385 = arith.divsi %reduce_max3A_172, %jit3A_384 : i32
      %sign3A_386 = arith.constant 0 : i32
      %sign3A_387 = arith.cmpi sgt, %reduce_max3A_172, %sign3A_386 : i32
      %sign3A_388 = arith.extui %sign3A_387 : i1 to i32
      %sign3A_389 = arith.constant 0 : i32
      %sign3A_390 = arith.cmpi slt, %reduce_max3A_172, %sign3A_389 : i32
      %sign3A_391 = arith.extui %sign3A_390 : i1 to i32
      %sign3A_392 = arith.subi %sign3A_388, %sign3A_391 : i32
      %sign3A_393 = arith.constant 0 : i32
      %sign3A_394 = arith.cmpi sgt, %jit3A_384, %sign3A_393 : i32
      %sign3A_395 = arith.extui %sign3A_394 : i1 to i32
      %sign3A_396 = arith.constant 0 : i32
      %sign3A_397 = arith.cmpi slt, %jit3A_384, %sign3A_396 : i32
      %sign3A_398 = arith.extui %sign3A_397 : i1 to i32
      %sign3A_399 = arith.subi %sign3A_395, %sign3A_398 : i32
      %ne3A_400 = arith.cmpi ne, %sign3A_392, %sign3A_399 : i32
      %rem3A_401 = arith.remsi %reduce_max3A_172, %jit3A_384 : i32
      %ne3A_402 = arith.constant 0 : i32
      %ne3A_403 = arith.cmpi ne, %rem3A_401, %ne3A_402 : i32
      %and3A_404 = arith.andi %ne3A_400, %ne3A_403 : i1
      %sub3A_405 = arith.constant 1 : i32
      %sub3A_406 = arith.subi %div3A_385, %sub3A_405 : i32
      %select_n3A_407 = arith.select %and3A_404, %sub3A_406, %div3A_385 : i32
      %jit3A_408 = arith.constant 128 : i32
      %eq3A_409 = arith.constant 0 : i32
      %eq3A_410 = arith.cmpi eq, %jit3A_408, %eq3A_409 : i32
      %jit3A_411 = arith.constant 1 : i32
      %select_n3A_412 = arith.select %eq3A_410, %jit3A_411, %jit3A_408 : i32
      %rem3A_413 = arith.remsi %reduce_max3A_172, %select_n3A_412 : i32
      %ne3A_414 = arith.constant 0 : i32
      %ne3A_415 = arith.cmpi ne, %rem3A_413, %ne3A_414 : i32
      %lt3A_416 = arith.constant 0 : i32
      %lt3A_417 = arith.cmpi slt, %rem3A_413, %lt3A_416 : i32
      %lt3A_418 = arith.constant 0 : i32
      %lt3A_419 = arith.cmpi slt, %select_n3A_412, %lt3A_418 : i32
      %ne3A_420 = arith.xori %lt3A_417, %lt3A_419 : i1
      %and3A_421 = arith.andi %ne3A_420, %ne3A_415 : i1
      %add3A_422 = arith.addi %rem3A_413, %select_n3A_412 : i32
      %select_n3A_423 = arith.select %and3A_421, %add3A_422, %rem3A_413 : i32
      %mul3A_424 = arith.constant 16 : i32
      %mul3A_425 = arith.muli %select_n3A_407, %mul3A_424 : i32
      %add3A_426 = vector.broadcast %mul3A_425 : i32 to vector<16xi32>
      %add3A_427 = arith.addi %add3A_426, %iota3A : vector<16xi32>
      %mul3A_428 = arith.constant 128 : i32
      %mul3A_429 = vector.broadcast %mul3A_428 : i32 to vector<16xi32>
      %mul3A_430 = arith.muli %add3A_427, %mul3A_429 : vector<16xi32>
      %add3A_431 = vector.broadcast %select_n3A_423 : i32 to vector<16xi32>
      %add3A_432 = arith.addi %mul3A_430, %add3A_431 : vector<16xi32>
      %swap3A_433 = arith.constant 32 : index
      %swap3A_434 = tpu.vector_load %arg8[%swap3A_433] {strides = array<i32>} : memref<128xi32, #tpu.memory_space<vmem>>, vector<16xi32>,
      tpu.vector_store %arg8[%swap3A_433], %add3A_432 {strides = array<i32>} : memref<128xi32, #tpu.memory_space<vmem>>, vector<16xi32>,
      %mul3A_435 = arith.constant 16 : i32
      %mul3A_436 = arith.muli %reduce_max3A_172, %mul3A_435 : i32
      %dma_wait3A_437 = arith.constant 32 : i32
      %dma_wait3A_438 = arith.constant 0 : i32
      %dma_wait3A_439 = tpu.memref_slice %arg9[%dma_wait3A_437, %dma_wait3A_438] : memref<128x64xf32, #tpu.memory_space<vmem>> -> memref<16x64xf32, #tpu.memory_space<vmem>>
      %dma_wait3A_440 = arith.constant 0 : i32
      %dma_wait3A_441 = tpu.memref_slice %arg3[%mul3A_436, %dma_wait3A_440] : memref<102400x64xf32, #tpu.memory_space<hbm>> -> memref<16x64xf32, #tpu.memory_space<hbm>>
      %dma_wait3A_442 = arith.constant 32 : i32
      %dma_wait3A_443 = arith.constant 0 : i32
      %dma_wait3A_444 = tpu.memref_slice %arg9[%dma_wait3A_442, %dma_wait3A_443] : memref<128x64xf32, #tpu.memory_space<vmem>> -> memref<16x64xf32, #tpu.memory_space<vmem>>
      %dma_wait3A_445 = arith.constant 0 : i32
      %dma_wait3A_446 = tpu.memref_slice %arg3[%mul3A_436, %dma_wait3A_445] : memref<102400x64xf32, #tpu.memory_space<hbm>> -> memref<16x64xf32, #tpu.memory_space<hbm>>
      tpu.wait_dma2 semaphore(%arg12 : memref<!tpu.dma_semaphore, #tpu.memory_space<semaphore_mem>>) src(%dma_wait3A_446 : memref<16x64xf32, #tpu.memory_space<hbm>>) dst(%dma_wait3A_444 : memref<16x64xf32, #tpu.memory_space<vmem>>)
      %jit3A_447 = arith.constant 128 : i32
      %div3A_448 = arith.divsi %reduce_max3A_198, %jit3A_447 : i32
      %sign3A_449 = arith.constant 0 : i32
      %sign3A_450 = arith.cmpi sgt, %reduce_max3A_198, %sign3A_449 : i32
      %sign3A_451 = arith.extui %sign3A_450 : i1 to i32
      %sign3A_452 = arith.constant 0 : i32
      %sign3A_453 = arith.cmpi slt, %reduce_max3A_198, %sign3A_452 : i32
      %sign3A_454 = arith.extui %sign3A_453 : i1 to i32
      %sign3A_455 = arith.subi %sign3A_451, %sign3A_454 : i32
      %sign3A_456 = arith.constant 0 : i32
      %sign3A_457 = arith.cmpi sgt, %jit3A_447, %sign3A_456 : i32
      %sign3A_458 = arith.extui %sign3A_457 : i1 to i32
      %sign3A_459 = arith.constant 0 : i32
      %sign3A_460 = arith.cmpi slt, %jit3A_447, %sign3A_459 : i32
      %sign3A_461 = arith.extui %sign3A_460 : i1 to i32
      %sign3A_462 = arith.subi %sign3A_458, %sign3A_461 : i32
      %ne3A_463 = arith.cmpi ne, %sign3A_455, %sign3A_462 : i32
      %rem3A_464 = arith.remsi %reduce_max3A_198, %jit3A_447 : i32
      %ne3A_465 = arith.constant 0 : i32
      %ne3A_466 = arith.cmpi ne, %rem3A_464, %ne3A_465 : i32
      %and3A_467 = arith.andi %ne3A_463, %ne3A_466 : i1
      %sub3A_468 = arith.constant 1 : i32
      %sub3A_469 = arith.subi %div3A_448, %sub3A_468 : i32
      %select_n3A_470 = arith.select %and3A_467, %sub3A_469, %div3A_448 : i32
      %jit3A_471 = arith.constant 128 : i32
      %eq3A_472 = arith.constant 0 : i32
      %eq3A_473 = arith.cmpi eq, %jit3A_471, %eq3A_472 : i32
      %jit3A_474 = arith.constant 1 : i32
      %select_n3A_475 = arith.select %eq3A_473, %jit3A_474, %jit3A_471 : i32
      %rem3A_476 = arith.remsi %reduce_max3A_198, %select_n3A_475 : i32
      %ne3A_477 = arith.constant 0 : i32
      %ne3A_478 = arith.cmpi ne, %rem3A_476, %ne3A_477 : i32
      %lt3A_479 = arith.constant 0 : i32
      %lt3A_480 = arith.cmpi slt, %rem3A_476, %lt3A_479 : i32
      %lt3A_481 = arith.constant 0 : i32
      %lt3A_482 = arith.cmpi slt, %select_n3A_475, %lt3A_481 : i32
      %ne3A_483 = arith.xori %lt3A_480, %lt3A_482 : i1
      %and3A_484 = arith.andi %ne3A_483, %ne3A_478 : i1
      %add3A_485 = arith.addi %rem3A_476, %select_n3A_475 : i32
      %select_n3A_486 = arith.select %and3A_484, %add3A_485, %rem3A_476 : i32
      %mul3A_487 = arith.constant 16 : i32
      %mul3A_488 = arith.muli %select_n3A_470, %mul3A_487 : i32
      %add3A_489 = vector.broadcast %mul3A_488 : i32 to vector<16xi32>
      %add3A_490 = arith.addi %add3A_489, %iota3A : vector<16xi32>
      %mul3A_491 = arith.constant 128 : i32
      %mul3A_492 = vector.broadcast %mul3A_491 : i32 to vector<16xi32>
      %mul3A_493 = arith.muli %add3A_490, %mul3A_492 : vector<16xi32>
      %add3A_494 = vector.broadcast %select_n3A_486 : i32 to vector<16xi32>
      %add3A_495 = arith.addi %mul3A_493, %add3A_494 : vector<16xi32>
      %swap3A_496 = arith.constant 48 : index
      %swap3A_497 = tpu.vector_load %arg8[%swap3A_496] {strides = array<i32>} : memref<128xi32, #tpu.memory_space<vmem>>, vector<16xi32>,
      tpu.vector_store %arg8[%swap3A_496], %add3A_495 {strides = array<i32>} : memref<128xi32, #tpu.memory_space<vmem>>, vector<16xi32>,
      %mul3A_498 = arith.constant 16 : i32
      %mul3A_499 = arith.muli %reduce_max3A_198, %mul3A_498 : i32
      %dma_wait3A_500 = arith.constant 48 : i32
      %dma_wait3A_501 = arith.constant 0 : i32
      %dma_wait3A_502 = tpu.memref_slice %arg9[%dma_wait3A_500, %dma_wait3A_501] : memref<128x64xf32, #tpu.memory_space<vmem>> -> memref<16x64xf32, #tpu.memory_space<vmem>>
      %dma_wait3A_503 = arith.constant 0 : i32
      %dma_wait3A_504 = tpu.memref_slice %arg3[%mul3A_499, %dma_wait3A_503] : memref<102400x64xf32, #tpu.memory_space<hbm>> -> memref<16x64xf32, #tpu.memory_space<hbm>>
      %dma_wait3A_505 = arith.constant 48 : i32
      %dma_wait3A_506 = arith.constant 0 : i32
      %dma_wait3A_507 = tpu.memref_slice %arg9[%dma_wait3A_505, %dma_wait3A_506] : memref<128x64xf32, #tpu.memory_space<vmem>> -> memref<16x64xf32, #tpu.memory_space<vmem>>
      %dma_wait3A_508 = arith.constant 0 : i32
      %dma_wait3A_509 = tpu.memref_slice %arg3[%mul3A_499, %dma_wait3A_508] : memref<102400x64xf32, #tpu.memory_space<hbm>> -> memref<16x64xf32, #tpu.memory_space<hbm>>
      tpu.wait_dma2 semaphore(%arg12 : memref<!tpu.dma_semaphore, #tpu.memory_space<semaphore_mem>>) src(%dma_wait3A_509 : memref<16x64xf32, #tpu.memory_space<hbm>>) dst(%dma_wait3A_507 : memref<16x64xf32, #tpu.memory_space<vmem>>)
      %jit3A_510 = arith.constant 128 : i32
      %div3A_511 = arith.divsi %reduce_max3A_224, %jit3A_510 : i32
      %sign3A_512 = arith.constant 0 : i32
      %sign3A_513 = arith.cmpi sgt, %reduce_max3A_224, %sign3A_512 : i32
      %sign3A_514 = arith.extui %sign3A_513 : i1 to i32
      %sign3A_515 = arith.constant 0 : i32
      %sign3A_516 = arith.cmpi slt, %reduce_max3A_224, %sign3A_515 : i32
      %sign3A_517 = arith.extui %sign3A_516 : i1 to i32
      %sign3A_518 = arith.subi %sign3A_514, %sign3A_517 : i32
      %sign3A_519 = arith.constant 0 : i32
      %sign3A_520 = arith.cmpi sgt, %jit3A_510, %sign3A_519 : i32
      %sign3A_521 = arith.extui %sign3A_520 : i1 to i32
      %sign3A_522 = arith.constant 0 : i32
      %sign3A_523 = arith.cmpi slt, %jit3A_510, %sign3A_522 : i32
      %sign3A_524 = arith.extui %sign3A_523 : i1 to i32
      %sign3A_525 = arith.subi %sign3A_521, %sign3A_524 : i32
      %ne3A_526 = arith.cmpi ne, %sign3A_518, %sign3A_525 : i32
      %rem3A_527 = arith.remsi %reduce_max3A_224, %jit3A_510 : i32
      %ne3A_528 = arith.constant 0 : i32
      %ne3A_529 = arith.cmpi ne, %rem3A_527, %ne3A_528 : i32
      %and3A_530 = arith.andi %ne3A_526, %ne3A_529 : i1
      %sub3A_531 = arith.constant 1 : i32
      %sub3A_532 = arith.subi %div3A_511, %sub3A_531 : i32
      %select_n3A_533 = arith.select %and3A_530, %sub3A_532, %div3A_511 : i32
      %jit3A_534 = arith.constant 128 : i32
      %eq3A_535 = arith.constant 0 : i32
      %eq3A_536 = arith.cmpi eq, %jit3A_534, %eq3A_535 : i32
      %jit3A_537 = arith.constant 1 : i32
      %select_n3A_538 = arith.select %eq3A_536, %jit3A_537, %jit3A_534 : i32
      %rem3A_539 = arith.remsi %reduce_max3A_224, %select_n3A_538 : i32
      %ne3A_540 = arith.constant 0 : i32
      %ne3A_541 = arith.cmpi ne, %rem3A_539, %ne3A_540 : i32
      %lt3A_542 = arith.constant 0 : i32
      %lt3A_543 = arith.cmpi slt, %rem3A_539, %lt3A_542 : i32
      %lt3A_544 = arith.constant 0 : i32
      %lt3A_545 = arith.cmpi slt, %select_n3A_538, %lt3A_544 : i32
      %ne3A_546 = arith.xori %lt3A_543, %lt3A_545 : i1
      %and3A_547 = arith.andi %ne3A_546, %ne3A_541 : i1
      %add3A_548 = arith.addi %rem3A_539, %select_n3A_538 : i32
      %select_n3A_549 = arith.select %and3A_547, %add3A_548, %rem3A_539 : i32
      %mul3A_550 = arith.constant 16 : i32
      %mul3A_551 = arith.muli %select_n3A_533, %mul3A_550 : i32
      %add3A_552 = vector.broadcast %mul3A_551 : i32 to vector<16xi32>
      %add3A_553 = arith.addi %add3A_552, %iota3A : vector<16xi32>
      %mul3A_554 = arith.constant 128 : i32
      %mul3A_555 = vector.broadcast %mul3A_554 : i32 to vector<16xi32>
      %mul3A_556 = arith.muli %add3A_553, %mul3A_555 : vector<16xi32>
      %add3A_557 = vector.broadcast %select_n3A_549 : i32 to vector<16xi32>
      %add3A_558 = arith.addi %mul3A_556, %add3A_557 : vector<16xi32>
      %swap3A_559 = arith.constant 64 : index
      %swap3A_560 = tpu.vector_load %arg8[%swap3A_559] {strides = array<i32>} : memref<128xi32, #tpu.memory_space<vmem>>, vector<16xi32>,
      tpu.vector_store %arg8[%swap3A_559], %add3A_558 {strides = array<i32>} : memref<128xi32, #tpu.memory_space<vmem>>, vector<16xi32>,
      %mul3A_561 = arith.constant 16 : i32
      %mul3A_562 = arith.muli %reduce_max3A_224, %mul3A_561 : i32
      %dma_wait3A_563 = arith.constant 64 : i32
      %dma_wait3A_564 = arith.constant 0 : i32
      %dma_wait3A_565 = tpu.memref_slice %arg9[%dma_wait3A_563, %dma_wait3A_564] : memref<128x64xf32, #tpu.memory_space<vmem>> -> memref<16x64xf32, #tpu.memory_space<vmem>>
      %dma_wait3A_566 = arith.constant 0 : i32
      %dma_wait3A_567 = tpu.memref_slice %arg3[%mul3A_562, %dma_wait3A_566] : memref<102400x64xf32, #tpu.memory_space<hbm>> -> memref<16x64xf32, #tpu.memory_space<hbm>>
      %dma_wait3A_568 = arith.constant 64 : i32
      %dma_wait3A_569 = arith.constant 0 : i32
      %dma_wait3A_570 = tpu.memref_slice %arg9[%dma_wait3A_568, %dma_wait3A_569] : memref<128x64xf32, #tpu.memory_space<vmem>> -> memref<16x64xf32, #tpu.memory_space<vmem>>
      %dma_wait3A_571 = arith.constant 0 : i32
      %dma_wait3A_572 = tpu.memref_slice %arg3[%mul3A_562, %dma_wait3A_571] : memref<102400x64xf32, #tpu.memory_space<hbm>> -> memref<16x64xf32, #tpu.memory_space<hbm>>
      tpu.wait_dma2 semaphore(%arg12 : memref<!tpu.dma_semaphore, #tpu.memory_space<semaphore_mem>>) src(%dma_wait3A_572 : memref<16x64xf32, #tpu.memory_space<hbm>>) dst(%dma_wait3A_570 : memref<16x64xf32, #tpu.memory_space<vmem>>)
      %jit3A_573 = arith.constant 128 : i32
      %div3A_574 = arith.divsi %reduce_max3A_250, %jit3A_573 : i32
      %sign3A_575 = arith.constant 0 : i32
      %sign3A_576 = arith.cmpi sgt, %reduce_max3A_250, %sign3A_575 : i32
      %sign3A_577 = arith.extui %sign3A_576 : i1 to i32
      %sign3A_578 = arith.constant 0 : i32
      %sign3A_579 = arith.cmpi slt, %reduce_max3A_250, %sign3A_578 : i32
      %sign3A_580 = arith.extui %sign3A_579 : i1 to i32
      %sign3A_581 = arith.subi %sign3A_577, %sign3A_580 : i32
      %sign3A_582 = arith.constant 0 : i32
      %sign3A_583 = arith.cmpi sgt, %jit3A_573, %sign3A_582 : i32
      %sign3A_584 = arith.extui %sign3A_583 : i1 to i32
      %sign3A_585 = arith.constant 0 : i32
      %sign3A_586 = arith.cmpi slt, %jit3A_573, %sign3A_585 : i32
      %sign3A_587 = arith.extui %sign3A_586 : i1 to i32
      %sign3A_588 = arith.subi %sign3A_584, %sign3A_587 : i32
      %ne3A_589 = arith.cmpi ne, %sign3A_581, %sign3A_588 : i32
      %rem3A_590 = arith.remsi %reduce_max3A_250, %jit3A_573 : i32
      %ne3A_591 = arith.constant 0 : i32
      %ne3A_592 = arith.cmpi ne, %rem3A_590, %ne3A_591 : i32
      %and3A_593 = arith.andi %ne3A_589, %ne3A_592 : i1
      %sub3A_594 = arith.constant 1 : i32
      %sub3A_595 = arith.subi %div3A_574, %sub3A_594 : i32
      %select_n3A_596 = arith.select %and3A_593, %sub3A_595, %div3A_574 : i32
      %jit3A_597 = arith.constant 128 : i32
      %eq3A_598 = arith.constant 0 : i32
      %eq3A_599 = arith.cmpi eq, %jit3A_597, %eq3A_598 : i32
      %jit3A_600 = arith.constant 1 : i32
      %select_n3A_601 = arith.select %eq3A_599, %jit3A_600, %jit3A_597 : i32
      %rem3A_602 = arith.remsi %reduce_max3A_250, %select_n3A_601 : i32
      %ne3A_603 = arith.constant 0 : i32
      %ne3A_604 = arith.cmpi ne, %rem3A_602, %ne3A_603 : i32
      %lt3A_605 = arith.constant 0 : i32
      %lt3A_606 = arith.cmpi slt, %rem3A_602, %lt3A_605 : i32
      %lt3A_607 = arith.constant 0 : i32
      %lt3A_608 = arith.cmpi slt, %select_n3A_601, %lt3A_607 : i32
      %ne3A_609 = arith.xori %lt3A_606, %lt3A_608 : i1
      %and3A_610 = arith.andi %ne3A_609, %ne3A_604 : i1
      %add3A_611 = arith.addi %rem3A_602, %select_n3A_601 : i32
      %select_n3A_612 = arith.select %and3A_610, %add3A_611, %rem3A_602 : i32
      %mul3A_613 = arith.constant 16 : i32
      %mul3A_614 = arith.muli %select_n3A_596, %mul3A_613 : i32
      %add3A_615 = vector.broadcast %mul3A_614 : i32 to vector<16xi32>
      %add3A_616 = arith.addi %add3A_615, %iota3A : vector<16xi32>
      %mul3A_617 = arith.constant 128 : i32
      %mul3A_618 = vector.broadcast %mul3A_617 : i32 to vector<16xi32>
      %mul3A_619 = arith.muli %add3A_616, %mul3A_618 : vector<16xi32>
      %add3A_620 = vector.broadcast %select_n3A_612 : i32 to vector<16xi32>
      %add3A_621 = arith.addi %mul3A_619, %add3A_620 : vector<16xi32>
      %swap3A_622 = arith.constant 80 : index
      %swap3A_623 = tpu.vector_load %arg8[%swap3A_622] {strides = array<i32>} : memref<128xi32, #tpu.memory_space<vmem>>, vector<16xi32>,
      tpu.vector_store %arg8[%swap3A_622], %add3A_621 {strides = array<i32>} : memref<128xi32, #tpu.memory_space<vmem>>, vector<16xi32>,
      %mul3A_624 = arith.constant 16 : i32
      %mul3A_625 = arith.muli %reduce_max3A_250, %mul3A_624 : i32
      %dma_wait3A_626 = arith.constant 80 : i32
      %dma_wait3A_627 = arith.constant 0 : i32
      %dma_wait3A_628 = tpu.memref_slice %arg9[%dma_wait3A_626, %dma_wait3A_627] : memref<128x64xf32, #tpu.memory_space<vmem>> -> memref<16x64xf32, #tpu.memory_space<vmem>>
      %dma_wait3A_629 = arith.constant 0 : i32
      %dma_wait3A_630 = tpu.memref_slice %arg3[%mul3A_625, %dma_wait3A_629] : memref<102400x64xf32, #tpu.memory_space<hbm>> -> memref<16x64xf32, #tpu.memory_space<hbm>>
      %dma_wait3A_631 = arith.constant 80 : i32
      %dma_wait3A_632 = arith.constant 0 : i32
      %dma_wait3A_633 = tpu.memref_slice %arg9[%dma_wait3A_631, %dma_wait3A_632] : memref<128x64xf32, #tpu.memory_space<vmem>> -> memref<16x64xf32, #tpu.memory_space<vmem>>
      %dma_wait3A_634 = arith.constant 0 : i32
      %dma_wait3A_635 = tpu.memref_slice %arg3[%mul3A_625, %dma_wait3A_634] : memref<102400x64xf32, #tpu.memory_space<hbm>> -> memref<16x64xf32, #tpu.memory_space<hbm>>
      tpu.wait_dma2 semaphore(%arg12 : memref<!tpu.dma_semaphore, #tpu.memory_space<semaphore_mem>>) src(%dma_wait3A_635 : memref<16x64xf32, #tpu.memory_space<hbm>>) dst(%dma_wait3A_633 : memref<16x64xf32, #tpu.memory_space<vmem>>)
      %mul3A_636 = arith.constant 128 : i32
      %mul3A_637 = arith.muli %add3A_29, %mul3A_636 : i32
      "tpu.region"() ({
        %run_scoped3A = tpu.sem_alloc : memref<!tpu.dma_semaphore, #tpu.memory_space<semaphore_mem>>
        %dma_start3A_1266 = arith.constant 0 : i32
        %dma_start3A_1267 = arith.constant 0 : i32
        %dma_start3A_1268 = tpu.memref_slice %arg9[%dma_start3A_1266, %dma_start3A_1267] : memref<128x64xf32, #tpu.memory_space<vmem>> -> memref<96x64xf32, #tpu.memory_space<vmem>>
        %dma_start3A_1269 = arith.constant 0 : i32
        %dma_start3A_1270 = tpu.memref_slice %arg4[%mul3A_637, %dma_start3A_1269] : memref<131072x64xf32, #tpu.memory_space<hbm>> -> memref<96x64xf32, #tpu.memory_space<hbm>>
        %dma_start3A_1271 = arith.constant 0 : i32
        %dma_start3A_1272 = tpu.memref_slice %arg4[%mul3A_637, %dma_start3A_1271] : memref<131072x64xf32, #tpu.memory_space<hbm>> -> memref<96x64xf32, #tpu.memory_space<hbm>>
        %dma_start3A_1273 = arith.constant 0 : i32
        %dma_start3A_1274 = arith.constant 0 : i32
        %dma_start3A_1275 = tpu.memref_slice %arg9[%dma_start3A_1273, %dma_start3A_1274] : memref<128x64xf32, #tpu.memory_space<vmem>> -> memref<96x64xf32, #tpu.memory_space<vmem>>
        tpu.enqueue_dma source(%dma_start3A_1275 : memref<96x64xf32, #tpu.memory_space<vmem>>) target(%dma_start3A_1272 : memref<96x64xf32, #tpu.memory_space<hbm>>) target_semaphore(%run_scoped3A : memref<!tpu.dma_semaphore, #tpu.memory_space<semaphore_mem>>)
        %dma_wait3A_1276 = arith.constant 0 : i32
        %dma_wait3A_1277 = arith.constant 0 : i32
        %dma_wait3A_1278 = tpu.memref_slice %arg9[%dma_wait3A_1276, %dma_wait3A_1277] : memref<128x64xf32, #tpu.memory_space<vmem>> -> memref<96x64xf32, #tpu.memory_space<vmem>>
        %dma_wait3A_1279 = arith.constant 0 : i32
        %dma_wait3A_1280 = tpu.memref_slice %arg4[%mul3A_637, %dma_wait3A_1279] : memref<131072x64xf32, #tpu.memory_space<hbm>> -> memref<96x64xf32, #tpu.memory_space<hbm>>
        %dma_wait3A_1281 = arith.constant 0 : i32
        %dma_wait3A_1282 = tpu.memref_slice %arg4[%mul3A_637, %dma_wait3A_1281] : memref<131072x64xf32, #tpu.memory_space<hbm>> -> memref<96x64xf32, #tpu.memory_space<hbm>>
        %dma_wait3A_1283 = arith.constant 0 : i32
        %dma_wait3A_1284 = arith.constant 0 : i32
        %dma_wait3A_1285 = tpu.memref_slice %arg9[%dma_wait3A_1283, %dma_wait3A_1284] : memref<128x64xf32, #tpu.memory_space<vmem>> -> memref<96x64xf32, #tpu.memory_space<vmem>>
        tpu.wait_dma2 semaphore(%run_scoped3A : memref<!tpu.dma_semaphore, #tpu.memory_space<semaphore_mem>>) src(%dma_wait3A_1285 : memref<96x64xf32, #tpu.memory_space<vmem>>) dst(%dma_wait3A_1282 : memref<96x64xf32, #tpu.memory_space<hbm>>)
        tpu.yield
      }) : () -> ()
      "tpu.region"() ({
        %run_scoped3A = tpu.sem_alloc : memref<!tpu.dma_semaphore, #tpu.memory_space<semaphore_mem>>
        %dma_start3A_1266 = arith.constant 0 : i32
        %dma_start3A_1267 = tpu.memref_slice %arg5[%add3A_29, %dma_start3A_1266] : memref<1024x128xi32, #tpu.memory_space<hbm>> -> memref<1x128xi32, #tpu.memory_space<hbm>>
        %dma_start3A_1268 = tpu.memref_squeeze %dma_start3A_1267 : memref<1x128xi32, #tpu.memory_space<hbm>> -> memref<128xi32, #tpu.memory_space<hbm>>
        %dma_start3A_1269 = arith.constant 0 : i32
        %dma_start3A_1270 = tpu.memref_slice %arg5[%add3A_29, %dma_start3A_1269] : memref<1024x128xi32, #tpu.memory_space<hbm>> -> memref<1x128xi32, #tpu.memory_space<hbm>>
        %dma_start3A_1271 = tpu.memref_squeeze %dma_start3A_1270 : memref<1x128xi32, #tpu.memory_space<hbm>> -> memref<128xi32, #tpu.memory_space<hbm>>
        tpu.enqueue_dma source(%arg8 : memref<128xi32, #tpu.memory_space<vmem>>) target(%dma_start3A_1271 : memref<128xi32, #tpu.memory_space<hbm>>) target_semaphore(%run_scoped3A : memref<!tpu.dma_semaphore, #tpu.memory_space<semaphore_mem>>)
        %dma_wait3A_1272 = arith.constant 0 : i32
        %dma_wait3A_1273 = tpu.memref_slice %arg5[%add3A_29, %dma_wait3A_1272] : memref<1024x128xi32, #tpu.memory_space<hbm>> -> memref<1x128xi32, #tpu.memory_space<hbm>>
        %dma_wait3A_1274 = tpu.memref_squeeze %dma_wait3A_1273 : memref<1x128xi32, #tpu.memory_space<hbm>> -> memref<128xi32, #tpu.memory_space<hbm>>
        %dma_wait3A_1275 = arith.constant 0 : i32
        %dma_wait3A_1276 = tpu.memref_slice %arg5[%add3A_29, %dma_wait3A_1275] : memref<1024x128xi32, #tpu.memory_space<hbm>> -> memref<1x128xi32, #tpu.memory_space<hbm>>
        %dma_wait3A_1277 = tpu.memref_squeeze %dma_wait3A_1276 : memref<1x128xi32, #tpu.memory_space<hbm>> -> memref<128xi32, #tpu.memory_space<hbm>>
        tpu.wait_dma2 semaphore(%run_scoped3A : memref<!tpu.dma_semaphore, #tpu.memory_space<semaphore_mem>>) src(%arg8 : memref<128xi32, #tpu.memory_space<vmem>>) dst(%dma_wait3A_1277 : memref<128xi32, #tpu.memory_space<hbm>>)
        tpu.yield
      }) : () -> ()
      %add3A_638 = arith.constant 2 : i32
      %add3A_639 = arith.addi %add3A_29, %add3A_638 : i32
      %add3A_640 = arith.constant 30 : i32
      %add3A_641 = arith.addi %mul3A_5, %add3A_640 : i32
      %min3A = arith.minsi %add3A_639, %add3A_641 : i32
      %dma_start3A_642 = arith.constant 0 : i32
      %dma_start3A_643 = tpu.memref_slice %arg2[%min3A, %dma_start3A_642] : memref<1024x6400xf32, #tpu.memory_space<hbm>> -> memref<1x6400xf32, #tpu.memory_space<hbm>>
      %dma_start3A_644 = tpu.memref_squeeze %dma_start3A_643 : memref<1x6400xf32, #tpu.memory_space<hbm>> -> memref<6400xf32, #tpu.memory_space<hbm>>
      %dma_start3A_645 = arith.constant 0 : i32
      %dma_start3A_646 = tpu.memref_slice %arg2[%min3A, %dma_start3A_645] : memref<1024x6400xf32, #tpu.memory_space<hbm>> -> memref<1x6400xf32, #tpu.memory_space<hbm>>
      %dma_start3A_647 = tpu.memref_squeeze %dma_start3A_646 : memref<1x6400xf32, #tpu.memory_space<hbm>> -> memref<6400xf32, #tpu.memory_space<hbm>>
      tpu.enqueue_dma source(%dma_start3A_647 : memref<6400xf32, #tpu.memory_space<hbm>>) target(%arg6 : memref<6400xf32, #tpu.memory_space<vmem>>) target_semaphore(%arg10 : memref<!tpu.dma_semaphore, #tpu.memory_space<semaphore_mem>>)
      %dma_wait3A_648 = arith.constant 0 : i32
      %dma_wait3A_649 = tpu.memref_slice %arg2[%add3A_31, %dma_wait3A_648] : memref<1024x6400xf32, #tpu.memory_space<hbm>> -> memref<1x6400xf32, #tpu.memory_space<hbm>>
      %dma_wait3A_650 = tpu.memref_squeeze %dma_wait3A_649 : memref<1x6400xf32, #tpu.memory_space<hbm>> -> memref<6400xf32, #tpu.memory_space<hbm>>
      %dma_wait3A_651 = arith.constant 0 : i32
      %dma_wait3A_652 = tpu.memref_slice %arg2[%add3A_31, %dma_wait3A_651] : memref<1024x6400xf32, #tpu.memory_space<hbm>> -> memref<1x6400xf32, #tpu.memory_space<hbm>>
      %dma_wait3A_653 = tpu.memref_squeeze %dma_wait3A_652 : memref<1x6400xf32, #tpu.memory_space<hbm>> -> memref<6400xf32, #tpu.memory_space<hbm>>
      tpu.wait_dma2 semaphore(%arg11 : memref<!tpu.dma_semaphore, #tpu.memory_space<semaphore_mem>>) src(%dma_wait3A_653 : memref<6400xf32, #tpu.memory_space<hbm>>) dst(%arg7 : memref<6400xf32, #tpu.memory_space<vmem>>)
      %scan3A_654 = arith.constant 0 : i32
      %scan3A_655 = arith.constant 100 : i32
      %scan3A_656 = arith.addi %scan3A_654, %scan3A_655 : i32
      %scan3A_657 = arith.constant 1 : i32
      %scan3A_658:8 = scf.for %scan3A_1266 = %scan3A_654 to %scan3A_656 step %scan3A_657 iter_args(%scan3A_1267 = %broadcast_in_dim3A_3, %scan3A_1268 = %broadcast_in_dim3A_3, %scan3A_1269 = %broadcast_in_dim3A_3, %scan3A_1270 = %broadcast_in_dim3A_3, %scan3A_1271 = %broadcast_in_dim3A_1, %scan3A_1272 = %broadcast_in_dim3A_1, %scan3A_1273 = %broadcast_in_dim3A_1, %scan3A_1274 = %broadcast_in_dim3A_1) -> (vector<16xf32>, vector<16xf32>, vector<16xf32>, vector<16xf32>, vector<16xi32>, vector<16xi32>, vector<16xi32>, vector<16xi32>)  : i32 {
        %mul3A_1275 = arith.constant 4 : i32
        %mul3A_1276 = arith.muli %scan3A_1266, %mul3A_1275 : i32
        %add3A_1277 = arith.constant 0 : i32
        %add3A_1278 = arith.addi %mul3A_1276, %add3A_1277 : i32
        %mul3A_1279 = arith.constant 16 : i32
        %mul3A_1280 = arith.muli %add3A_1278, %mul3A_1279 : i32
        %get3A = arith.index_cast %mul3A_1280 : i32 to index
        %get3A_1281 = tpu.vector_load %arg7[%get3A] {strides = array<i32>} : memref<6400xf32, #tpu.memory_space<vmem>>, vector<16xf32>,
        %mul3A_1282 = arith.constant 16 : i32
        %mul3A_1283 = arith.muli %add3A_1278, %mul3A_1282 : i32
        %add3A_1284 = vector.broadcast %mul3A_1283 : i32 to vector<16xi32>
        %add3A_1285 = arith.addi %add3A_1284, %iota3A : vector<16xi32>
        %gt3A_1286 = arith.cmpf ogt, %get3A_1281, %scan3A_1267 : vector<16xf32>
        %select_n3A_1287 = arith.select %gt3A_1286, %scan3A_1267, %get3A_1281 : vector<16xi1>, vector<16xf32>
        %select_n3A_1288 = arith.select %gt3A_1286, %scan3A_1271, %add3A_1285 : vector<16xi1>, vector<16xi32>
        %select_n3A_1289 = arith.select %gt3A_1286, %get3A_1281, %scan3A_1267 : vector<16xi1>, vector<16xf32>
        %select_n3A_1290 = arith.select %gt3A_1286, %add3A_1285, %scan3A_1271 : vector<16xi1>, vector<16xi32>
        %gt3A_1291 = arith.cmpf ogt, %select_n3A_1287, %scan3A_1268 : vector<16xf32>
        %select_n3A_1292 = arith.select %gt3A_1291, %scan3A_1268, %select_n3A_1287 : vector<16xi1>, vector<16xf32>
        %select_n3A_1293 = arith.select %gt3A_1291, %scan3A_1272, %select_n3A_1288 : vector<16xi1>, vector<16xi32>
        %select_n3A_1294 = arith.select %gt3A_1291, %select_n3A_1287, %scan3A_1268 : vector<16xi1>, vector<16xf32>
        %select_n3A_1295 = arith.select %gt3A_1291, %select_n3A_1288, %scan3A_1272 : vector<16xi1>, vector<16xi32>
        %gt3A_1296 = arith.cmpf ogt, %select_n3A_1292, %scan3A_1269 : vector<16xf32>
        %select_n3A_1297 = arith.select %gt3A_1296, %scan3A_1269, %select_n3A_1292 : vector<16xi1>, vector<16xf32>
        %select_n3A_1298 = arith.select %gt3A_1296, %scan3A_1273, %select_n3A_1293 : vector<16xi1>, vector<16xi32>
        %select_n3A_1299 = arith.select %gt3A_1296, %select_n3A_1292, %scan3A_1269 : vector<16xi1>, vector<16xf32>
        %select_n3A_1300 = arith.select %gt3A_1296, %select_n3A_1293, %scan3A_1273 : vector<16xi1>, vector<16xi32>
        %gt3A_1301 = arith.cmpf ogt, %select_n3A_1297, %scan3A_1270 : vector<16xf32>
        %select_n3A_1302 = arith.select %gt3A_1301, %select_n3A_1297, %scan3A_1270 : vector<16xi1>, vector<16xf32>
        %select_n3A_1303 = arith.select %gt3A_1301, %select_n3A_1298, %scan3A_1274 : vector<16xi1>, vector<16xi32>
        %mul3A_1304 = arith.constant 4 : i32
        %mul3A_1305 = arith.muli %scan3A_1266, %mul3A_1304 : i32
        %add3A_1306 = arith.constant 1 : i32
        %add3A_1307 = arith.addi %mul3A_1305, %add3A_1306 : i32
        %mul3A_1308 = arith.constant 16 : i32
        %mul3A_1309 = arith.muli %add3A_1307, %mul3A_1308 : i32
        %get3A_1310 = arith.index_cast %mul3A_1309 : i32 to index
        %get3A_1311 = tpu.vector_load %arg7[%get3A_1310] {strides = array<i32>} : memref<6400xf32, #tpu.memory_space<vmem>>, vector<16xf32>,
        %mul3A_1312 = arith.constant 16 : i32
        %mul3A_1313 = arith.muli %add3A_1307, %mul3A_1312 : i32
        %add3A_1314 = vector.broadcast %mul3A_1313 : i32 to vector<16xi32>
        %add3A_1315 = arith.addi %add3A_1314, %iota3A : vector<16xi32>
        %gt3A_1316 = arith.cmpf ogt, %get3A_1311, %select_n3A_1289 : vector<16xf32>
        %select_n3A_1317 = arith.select %gt3A_1316, %select_n3A_1289, %get3A_1311 : vector<16xi1>, vector<16xf32>
        %select_n3A_1318 = arith.select %gt3A_1316, %select_n3A_1290, %add3A_1315 : vector<16xi1>, vector<16xi32>
        %select_n3A_1319 = arith.select %gt3A_1316, %get3A_1311, %select_n3A_1289 : vector<16xi1>, vector<16xf32>
        %select_n3A_1320 = arith.select %gt3A_1316, %add3A_1315, %select_n3A_1290 : vector<16xi1>, vector<16xi32>
        %gt3A_1321 = arith.cmpf ogt, %select_n3A_1317, %select_n3A_1294 : vector<16xf32>
        %select_n3A_1322 = arith.select %gt3A_1321, %select_n3A_1294, %select_n3A_1317 : vector<16xi1>, vector<16xf32>
        %select_n3A_1323 = arith.select %gt3A_1321, %select_n3A_1295, %select_n3A_1318 : vector<16xi1>, vector<16xi32>
        %select_n3A_1324 = arith.select %gt3A_1321, %select_n3A_1317, %select_n3A_1294 : vector<16xi1>, vector<16xf32>
        %select_n3A_1325 = arith.select %gt3A_1321, %select_n3A_1318, %select_n3A_1295 : vector<16xi1>, vector<16xi32>
        %gt3A_1326 = arith.cmpf ogt, %select_n3A_1322, %select_n3A_1299 : vector<16xf32>
        %select_n3A_1327 = arith.select %gt3A_1326, %select_n3A_1299, %select_n3A_1322 : vector<16xi1>, vector<16xf32>
        %select_n3A_1328 = arith.select %gt3A_1326, %select_n3A_1300, %select_n3A_1323 : vector<16xi1>, vector<16xi32>
        %select_n3A_1329 = arith.select %gt3A_1326, %select_n3A_1322, %select_n3A_1299 : vector<16xi1>, vector<16xf32>
        %select_n3A_1330 = arith.select %gt3A_1326, %select_n3A_1323, %select_n3A_1300 : vector<16xi1>, vector<16xi32>
        %gt3A_1331 = arith.cmpf ogt, %select_n3A_1327, %select_n3A_1302 : vector<16xf32>
        %select_n3A_1332 = arith.select %gt3A_1331, %select_n3A_1327, %select_n3A_1302 : vector<16xi1>, vector<16xf32>
        %select_n3A_1333 = arith.select %gt3A_1331, %select_n3A_1328, %select_n3A_1303 : vector<16xi1>, vector<16xi32>
        %mul3A_1334 = arith.constant 4 : i32
        %mul3A_1335 = arith.muli %scan3A_1266, %mul3A_1334 : i32
        %add3A_1336 = arith.constant 2 : i32
        %add3A_1337 = arith.addi %mul3A_1335, %add3A_1336 : i32
        %mul3A_1338 = arith.constant 16 : i32
        %mul3A_1339 = arith.muli %add3A_1337, %mul3A_1338 : i32
        %get3A_1340 = arith.index_cast %mul3A_1339 : i32 to index
        %get3A_1341 = tpu.vector_load %arg7[%get3A_1340] {strides = array<i32>} : memref<6400xf32, #tpu.memory_space<vmem>>, vector<16xf32>,
        %mul3A_1342 = arith.constant 16 : i32
        %mul3A_1343 = arith.muli %add3A_1337, %mul3A_1342 : i32
        %add3A_1344 = vector.broadcast %mul3A_1343 : i32 to vector<16xi32>
        %add3A_1345 = arith.addi %add3A_1344, %iota3A : vector<16xi32>
        %gt3A_1346 = arith.cmpf ogt, %get3A_1341, %select_n3A_1319 : vector<16xf32>
        %select_n3A_1347 = arith.select %gt3A_1346, %select_n3A_1319, %get3A_1341 : vector<16xi1>, vector<16xf32>
        %select_n3A_1348 = arith.select %gt3A_1346, %select_n3A_1320, %add3A_1345 : vector<16xi1>, vector<16xi32>
        %select_n3A_1349 = arith.select %gt3A_1346, %get3A_1341, %select_n3A_1319 : vector<16xi1>, vector<16xf32>
        %select_n3A_1350 = arith.select %gt3A_1346, %add3A_1345, %select_n3A_1320 : vector<16xi1>, vector<16xi32>
        %gt3A_1351 = arith.cmpf ogt, %select_n3A_1347, %select_n3A_1324 : vector<16xf32>
        %select_n3A_1352 = arith.select %gt3A_1351, %select_n3A_1324, %select_n3A_1347 : vector<16xi1>, vector<16xf32>
        %select_n3A_1353 = arith.select %gt3A_1351, %select_n3A_1325, %select_n3A_1348 : vector<16xi1>, vector<16xi32>
        %select_n3A_1354 = arith.select %gt3A_1351, %select_n3A_1347, %select_n3A_1324 : vector<16xi1>, vector<16xf32>
        %select_n3A_1355 = arith.select %gt3A_1351, %select_n3A_1348, %select_n3A_1325 : vector<16xi1>, vector<16xi32>
        %gt3A_1356 = arith.cmpf ogt, %select_n3A_1352, %select_n3A_1329 : vector<16xf32>
        %select_n3A_1357 = arith.select %gt3A_1356, %select_n3A_1329, %select_n3A_1352 : vector<16xi1>, vector<16xf32>
        %select_n3A_1358 = arith.select %gt3A_1356, %select_n3A_1330, %select_n3A_1353 : vector<16xi1>, vector<16xi32>
        %select_n3A_1359 = arith.select %gt3A_1356, %select_n3A_1352, %select_n3A_1329 : vector<16xi1>, vector<16xf32>
        %select_n3A_1360 = arith.select %gt3A_1356, %select_n3A_1353, %select_n3A_1330 : vector<16xi1>, vector<16xi32>
        %gt3A_1361 = arith.cmpf ogt, %select_n3A_1357, %select_n3A_1332 : vector<16xf32>
        %select_n3A_1362 = arith.select %gt3A_1361, %select_n3A_1357, %select_n3A_1332 : vector<16xi1>, vector<16xf32>
        %select_n3A_1363 = arith.select %gt3A_1361, %select_n3A_1358, %select_n3A_1333 : vector<16xi1>, vector<16xi32>
        %mul3A_1364 = arith.constant 4 : i32
        %mul3A_1365 = arith.muli %scan3A_1266, %mul3A_1364 : i32
        %add3A_1366 = arith.constant 3 : i32
        %add3A_1367 = arith.addi %mul3A_1365, %add3A_1366 : i32
        %mul3A_1368 = arith.constant 16 : i32
        %mul3A_1369 = arith.muli %add3A_1367, %mul3A_1368 : i32
        %get3A_1370 = arith.index_cast %mul3A_1369 : i32 to index
        %get3A_1371 = tpu.vector_load %arg7[%get3A_1370] {strides = array<i32>} : memref<6400xf32, #tpu.memory_space<vmem>>, vector<16xf32>,
        %mul3A_1372 = arith.constant 16 : i32
        %mul3A_1373 = arith.muli %add3A_1367, %mul3A_1372 : i32
        %add3A_1374 = vector.broadcast %mul3A_1373 : i32 to vector<16xi32>
        %add3A_1375 = arith.addi %add3A_1374, %iota3A : vector<16xi32>
        %gt3A_1376 = arith.cmpf ogt, %get3A_1371, %select_n3A_1349 : vector<16xf32>
        %select_n3A_1377 = arith.select %gt3A_1376, %select_n3A_1349, %get3A_1371 : vector<16xi1>, vector<16xf32>
        %select_n3A_1378 = arith.select %gt3A_1376, %select_n3A_1350, %add3A_1375 : vector<16xi1>, vector<16xi32>
        %select_n3A_1379 = arith.select %gt3A_1376, %get3A_1371, %select_n3A_1349 : vector<16xi1>, vector<16xf32>
        %select_n3A_1380 = arith.select %gt3A_1376, %add3A_1375, %select_n3A_1350 : vector<16xi1>, vector<16xi32>
        %gt3A_1381 = arith.cmpf ogt, %select_n3A_1377, %select_n3A_1354 : vector<16xf32>
        %select_n3A_1382 = arith.select %gt3A_1381, %select_n3A_1354, %select_n3A_1377 : vector<16xi1>, vector<16xf32>
        %select_n3A_1383 = arith.select %gt3A_1381, %select_n3A_1355, %select_n3A_1378 : vector<16xi1>, vector<16xi32>
        %select_n3A_1384 = arith.select %gt3A_1381, %select_n3A_1377, %select_n3A_1354 : vector<16xi1>, vector<16xf32>
        %select_n3A_1385 = arith.select %gt3A_1381, %select_n3A_1378, %select_n3A_1355 : vector<16xi1>, vector<16xi32>
        %gt3A_1386 = arith.cmpf ogt, %select_n3A_1382, %select_n3A_1359 : vector<16xf32>
        %select_n3A_1387 = arith.select %gt3A_1386, %select_n3A_1359, %select_n3A_1382 : vector<16xi1>, vector<16xf32>
        %select_n3A_1388 = arith.select %gt3A_1386, %select_n3A_1360, %select_n3A_1383 : vector<16xi1>, vector<16xi32>
        %select_n3A_1389 = arith.select %gt3A_1386, %select_n3A_1382, %select_n3A_1359 : vector<16xi1>, vector<16xf32>
        %select_n3A_1390 = arith.select %gt3A_1386, %select_n3A_1383, %select_n3A_1360 : vector<16xi1>, vector<16xi32>
        %gt3A_1391 = arith.cmpf ogt, %select_n3A_1387, %select_n3A_1362 : vector<16xf32>
        %select_n3A_1392 = arith.select %gt3A_1391, %select_n3A_1387, %select_n3A_1362 : vector<16xi1>, vector<16xf32>
        %select_n3A_1393 = arith.select %gt3A_1391, %select_n3A_1388, %select_n3A_1363 : vector<16xi1>, vector<16xi32>
        scf.yield %select_n3A_1379, %select_n3A_1384, %select_n3A_1389, %select_n3A_1392, %select_n3A_1380, %select_n3A_1385, %select_n3A_1390, %select_n3A_1393 : vector<16xf32>, vector<16xf32>, vector<16xf32>, vector<16xf32>, vector<16xi32>, vector<16xi32>, vector<16xi32>, vector<16xi32>
      }
      %scan3A_659 = arith.constant 100 : i32
      %masked_sort3A_660 = arith.constant dense<true> : vector<16xi1>
      %masked_sort3A_661, %masked_sort3A_662, %masked_sort3A_663 = tpu.sort %scan3A_658#0, %scan3A_658#4 masked %masked_sort3A_660 {descending = true} : (vector<16xf32>, vector<16xi32>, vector<16xi1>) -> (vector<16xi1>, vector<16xf32>, vector<16xi32>)
      %masked_sort3A_664 = arith.constant dense<true> : vector<16xi1>
      %masked_sort3A_665, %masked_sort3A_666, %masked_sort3A_667 = tpu.sort %scan3A_658#1, %scan3A_658#5 masked %masked_sort3A_664 : (vector<16xf32>, vector<16xi32>, vector<16xi1>) -> (vector<16xi1>, vector<16xf32>, vector<16xi32>)
      %gt3A_668 = arith.cmpf ogt, %masked_sort3A_662, %masked_sort3A_666 : vector<16xf32>
      %eq3A_669 = arith.cmpf oeq, %masked_sort3A_662, %masked_sort3A_666 : vector<16xf32>
      %lt3A_670 = arith.cmpi slt, %masked_sort3A_663, %masked_sort3A_667 : vector<16xi32>
      %and3A_671 = arith.andi %eq3A_669, %lt3A_670 : vector<16xi1>
      %or3A_672 = arith.ori %gt3A_668, %and3A_671 : vector<16xi1>
      %select_n3A_673 = arith.select %or3A_672, %masked_sort3A_662, %masked_sort3A_666 : vector<16xi1>, vector<16xf32>
      %select_n3A_674 = arith.select %or3A_672, %masked_sort3A_663, %masked_sort3A_667 : vector<16xi1>, vector<16xi32>
      %masked_sort3A_675 = arith.constant dense<true> : vector<16xi1>
      %masked_sort3A_676, %masked_sort3A_677, %masked_sort3A_678 = tpu.sort %select_n3A_673, %select_n3A_674 masked %masked_sort3A_675 {descending = true} : (vector<16xf32>, vector<16xi32>, vector<16xi1>) -> (vector<16xi1>, vector<16xf32>, vector<16xi32>)
      %masked_sort3A_679 = arith.constant dense<true> : vector<16xi1>
      %masked_sort3A_680, %masked_sort3A_681, %masked_sort3A_682 = tpu.sort %scan3A_658#2, %scan3A_658#6 masked %masked_sort3A_679 : (vector<16xf32>, vector<16xi32>, vector<16xi1>) -> (vector<16xi1>, vector<16xf32>, vector<16xi32>)
      %gt3A_683 = arith.cmpf ogt, %masked_sort3A_677, %masked_sort3A_681 : vector<16xf32>
      %eq3A_684 = arith.cmpf oeq, %masked_sort3A_677, %masked_sort3A_681 : vector<16xf32>
      %lt3A_685 = arith.cmpi slt, %masked_sort3A_678, %masked_sort3A_682 : vector<16xi32>
      %and3A_686 = arith.andi %eq3A_684, %lt3A_685 : vector<16xi1>
      %or3A_687 = arith.ori %gt3A_683, %and3A_686 : vector<16xi1>
      %select_n3A_688 = arith.select %or3A_687, %masked_sort3A_677, %masked_sort3A_681 : vector<16xi1>, vector<16xf32>
      %select_n3A_689 = arith.select %or3A_687, %masked_sort3A_678, %masked_sort3A_682 : vector<16xi1>, vector<16xi32>
      %masked_sort3A_690 = arith.constant dense<true> : vector<16xi1>
      %masked_sort3A_691, %masked_sort3A_692, %masked_sort3A_693 = tpu.sort %select_n3A_688, %select_n3A_689 masked %masked_sort3A_690 {descending = true} : (vector<16xf32>, vector<16xi32>, vector<16xi1>) -> (vector<16xi1>, vector<16xf32>, vector<16xi32>)
      %masked_sort3A_694 = arith.constant dense<true> : vector<16xi1>
      %masked_sort3A_695, %masked_sort3A_696, %masked_sort3A_697 = tpu.sort %scan3A_658#3, %scan3A_658#7 masked %masked_sort3A_694 : (vector<16xf32>, vector<16xi32>, vector<16xi1>) -> (vector<16xi1>, vector<16xf32>, vector<16xi32>)
      %gt3A_698 = arith.cmpf ogt, %masked_sort3A_692, %masked_sort3A_696 : vector<16xf32>
      %eq3A_699 = arith.cmpf oeq, %masked_sort3A_692, %masked_sort3A_696 : vector<16xf32>
      %lt3A_700 = arith.cmpi slt, %masked_sort3A_693, %masked_sort3A_697 : vector<16xi32>
      %and3A_701 = arith.andi %eq3A_699, %lt3A_700 : vector<16xi1>
      %or3A_702 = arith.ori %gt3A_698, %and3A_701 : vector<16xi1>
      %select_n3A_703 = arith.select %or3A_702, %masked_sort3A_692, %masked_sort3A_696 : vector<16xi1>, vector<16xf32>
      %select_n3A_704 = arith.select %or3A_702, %masked_sort3A_693, %masked_sort3A_697 : vector<16xi1>, vector<16xi32>
      %masked_sort3A_705 = arith.constant dense<true> : vector<16xi1>
      %masked_sort3A_706, %masked_sort3A_707, %masked_sort3A_708 = tpu.sort %select_n3A_703, %select_n3A_704 masked %masked_sort3A_705 {descending = true} : (vector<16xf32>, vector<16xi32>, vector<16xi1>) -> (vector<16xi1>, vector<16xf32>, vector<16xi32>)
      %eq3A_709 = arith.constant 5 : i32
      %eq3A_710 = vector.broadcast %eq3A_709 : i32 to vector<16xi32>
      %eq3A_711 = arith.cmpi eq, %iota3A, %eq3A_710 : vector<16xi32>
      %jit3A_712 = arith.constant -3.000000e+38 : f32
      %broadcast_in_dim3A_713 = vector.broadcast %jit3A_712 : f32 to vector<16xf32>
      %select_n3A_714 = arith.select %eq3A_711, %masked_sort3A_707, %broadcast_in_dim3A_713 : vector<16xi1>, vector<16xf32>
      %reduce_max3A_715 = arith.constant true
      %reduce_max3A_716 = vector.broadcast %reduce_max3A_715 : i1 to vector<16xi1>
      %reduce_max3A_717 = tpu.scan <max>, %select_n3A_714 masked %reduce_max3A_716 : vector<16xf32>, vector<16xi1> -> vector<16xf32>
      %reduce_max3A_718 = vector.extract %reduce_max3A_717[15] : f32 from vector<16xf32>
      %reduce_max3A_719 = arith.constant true
      %reduce_max3A_720 = vector.broadcast %reduce_max3A_719 : i1 to vector<16xi1>
      %reduce_max3A_721 = tpu.scan <max>, %scan3A_658#3 masked %reduce_max3A_720 : vector<16xf32>, vector<16xi1> -> vector<16xf32>
      %reduce_max3A_722 = vector.extract %reduce_max3A_721[15] : f32 from vector<16xf32>
      %ge3A_723 = arith.cmpf oge, %reduce_max3A_722, %reduce_max3A_718 : f32
      %convert_element_type3A_724 = arith.extui %ge3A_723 : i1 to i32
      %cond3A_725 = arith.constant 0 : i32
      %cond3A_726 = arith.constant 0 : i32
      %cond3A_727 = arith.cmpi ne, %convert_element_type3A_724, %cond3A_726 : i32
      %cond3A_728:2 = scf.if %cond3A_727 -> (vector<16xf32>, vector<16xi32>) {
        %scan3A_1266 = arith.constant 0 : i32
        %scan3A_1267 = arith.constant 400 : i32
        %scan3A_1268 = arith.addi %scan3A_1266, %scan3A_1267 : i32
        %scan3A_1269 = arith.constant 1 : i32
        %scan3A_1270:2 = scf.for %scan3A_1272 = %scan3A_1266 to %scan3A_1268 step %scan3A_1269 iter_args(%scan3A_1273 = %broadcast_in_dim3A_3, %scan3A_1274 = %broadcast_in_dim3A_1) -> (vector<16xf32>, vector<16xi32>)  : i32 {
          %mul3A_1275 = arith.constant 16 : i32
          %mul3A_1276 = arith.muli %scan3A_1272, %mul3A_1275 : i32
          %get3A = arith.index_cast %mul3A_1276 : i32 to index
          %get3A_1277 = tpu.vector_load %arg7[%get3A] {strides = array<i32>} : memref<6400xf32, #tpu.memory_space<vmem>>, vector<16xf32>,
          %mul3A_1278 = arith.constant 16 : i32
          %mul3A_1279 = arith.muli %scan3A_1272, %mul3A_1278 : i32
          %add3A_1280 = vector.broadcast %mul3A_1279 : i32 to vector<16xi32>
          %add3A_1281 = arith.addi %add3A_1280, %iota3A : vector<16xi32>
          %masked_sort3A_1282 = arith.constant dense<true> : vector<16xi1>
          %masked_sort3A_1283, %masked_sort3A_1284, %masked_sort3A_1285 = tpu.sort %get3A_1277, %add3A_1281 masked %masked_sort3A_1282 : (vector<16xf32>, vector<16xi32>, vector<16xi1>) -> (vector<16xi1>, vector<16xf32>, vector<16xi32>)
          %gt3A_1286 = arith.cmpf ogt, %scan3A_1273, %masked_sort3A_1284 : vector<16xf32>
          %eq3A_1287 = arith.cmpf oeq, %scan3A_1273, %masked_sort3A_1284 : vector<16xf32>
          %lt3A_1288 = arith.cmpi slt, %scan3A_1274, %masked_sort3A_1285 : vector<16xi32>
          %and3A_1289 = arith.andi %eq3A_1287, %lt3A_1288 : vector<16xi1>
          %or3A_1290 = arith.ori %gt3A_1286, %and3A_1289 : vector<16xi1>
          %select_n3A_1291 = arith.select %or3A_1290, %scan3A_1273, %masked_sort3A_1284 : vector<16xi1>, vector<16xf32>
          %select_n3A_1292 = arith.select %or3A_1290, %scan3A_1274, %masked_sort3A_1285 : vector<16xi1>, vector<16xi32>
          %masked_sort3A_1293 = arith.constant dense<true> : vector<16xi1>
          %masked_sort3A_1294, %masked_sort3A_1295, %masked_sort3A_1296 = tpu.sort %select_n3A_1291, %select_n3A_1292 masked %masked_sort3A_1293 {descending = true} : (vector<16xf32>, vector<16xi32>, vector<16xi1>) -> (vector<16xi1>, vector<16xf32>, vector<16xi32>)
          scf.yield %masked_sort3A_1295, %masked_sort3A_1296 : vector<16xf32>, vector<16xi32>
        }
        %scan3A_1271 = arith.constant 400 : i32
        scf.yield %scan3A_1270#0, %scan3A_1270#1 : vector<16xf32>, vector<16xi32>
      } else {
        scf.yield %masked_sort3A_707, %masked_sort3A_708 : vector<16xf32>, vector<16xi32>
      }
      %eq3A_729 = arith.constant 0 : i32
      %eq3A_730 = vector.broadcast %eq3A_729 : i32 to vector<16xi32>
      %eq3A_731 = arith.cmpi eq, %iota3A, %eq3A_730 : vector<16xi32>
      %jit3A_732 = arith.constant -1 : i32
      %broadcast_in_dim3A_733 = vector.broadcast %jit3A_732 : i32 to vector<16xi32>
      %select_n3A_734 = arith.select %eq3A_731, %cond3A_728#1, %broadcast_in_dim3A_733 : vector<16xi1>, vector<16xi32>
      %reduce_max3A_735 = arith.constant true
      %reduce_max3A_736 = vector.broadcast %reduce_max3A_735 : i1 to vector<16xi1>
      %reduce_max3A_737 = arith.constant -2147483648 : i32
      %reduce_max3A_738 = vector.broadcast %reduce_max3A_737 : i32 to vector<16xi32>
      %reduce_max3A_739 = arith.xori %select_n3A_734, %reduce_max3A_738 : vector<16xi32>
      %reduce_max3A_740 = tpu.scan <max>, %reduce_max3A_739 masked %reduce_max3A_736 : vector<16xi32>, vector<16xi1> -> vector<16xi32>
      %reduce_max3A_741 = arith.xori %reduce_max3A_740, %reduce_max3A_738 : vector<16xi32>
      %reduce_max3A_742 = vector.extract %reduce_max3A_741[15] : i32 from vector<16xi32>
      %mul3A_743 = arith.constant 16 : i32
      %mul3A_744 = arith.muli %reduce_max3A_742, %mul3A_743 : i32
      %dma_start3A_745 = arith.constant 0 : i32
      %dma_start3A_746 = arith.constant 0 : i32
      %dma_start3A_747 = tpu.memref_slice %arg9[%dma_start3A_745, %dma_start3A_746] : memref<128x64xf32, #tpu.memory_space<vmem>> -> memref<16x64xf32, #tpu.memory_space<vmem>>
      %dma_start3A_748 = arith.constant 0 : i32
      %dma_start3A_749 = tpu.memref_slice %arg3[%mul3A_744, %dma_start3A_748] : memref<102400x64xf32, #tpu.memory_space<hbm>> -> memref<16x64xf32, #tpu.memory_space<hbm>>
      %dma_start3A_750 = arith.constant 0 : i32
      %dma_start3A_751 = arith.constant 0 : i32
      %dma_start3A_752 = tpu.memref_slice %arg9[%dma_start3A_750, %dma_start3A_751] : memref<128x64xf32, #tpu.memory_space<vmem>> -> memref<16x64xf32, #tpu.memory_space<vmem>>
      %dma_start3A_753 = arith.constant 0 : i32
      %dma_start3A_754 = tpu.memref_slice %arg3[%mul3A_744, %dma_start3A_753] : memref<102400x64xf32, #tpu.memory_space<hbm>> -> memref<16x64xf32, #tpu.memory_space<hbm>>
      tpu.enqueue_dma source(%dma_start3A_754 : memref<16x64xf32, #tpu.memory_space<hbm>>) target(%dma_start3A_752 : memref<16x64xf32, #tpu.memory_space<vmem>>) target_semaphore(%arg12 : memref<!tpu.dma_semaphore, #tpu.memory_space<semaphore_mem>>)
      %eq3A_755 = arith.constant 1 : i32
      %eq3A_756 = vector.broadcast %eq3A_755 : i32 to vector<16xi32>
      %eq3A_757 = arith.cmpi eq, %iota3A, %eq3A_756 : vector<16xi32>
      %jit3A_758 = arith.constant -1 : i32
      %broadcast_in_dim3A_759 = vector.broadcast %jit3A_758 : i32 to vector<16xi32>
      %select_n3A_760 = arith.select %eq3A_757, %cond3A_728#1, %broadcast_in_dim3A_759 : vector<16xi1>, vector<16xi32>
      %reduce_max3A_761 = arith.constant true
      %reduce_max3A_762 = vector.broadcast %reduce_max3A_761 : i1 to vector<16xi1>
      %reduce_max3A_763 = arith.constant -2147483648 : i32
      %reduce_max3A_764 = vector.broadcast %reduce_max3A_763 : i32 to vector<16xi32>
      %reduce_max3A_765 = arith.xori %select_n3A_760, %reduce_max3A_764 : vector<16xi32>
      %reduce_max3A_766 = tpu.scan <max>, %reduce_max3A_765 masked %reduce_max3A_762 : vector<16xi32>, vector<16xi1> -> vector<16xi32>
      %reduce_max3A_767 = arith.xori %reduce_max3A_766, %reduce_max3A_764 : vector<16xi32>
      %reduce_max3A_768 = vector.extract %reduce_max3A_767[15] : i32 from vector<16xi32>
      %mul3A_769 = arith.constant 16 : i32
      %mul3A_770 = arith.muli %reduce_max3A_768, %mul3A_769 : i32
      %dma_start3A_771 = arith.constant 16 : i32
      %dma_start3A_772 = arith.constant 0 : i32
      %dma_start3A_773 = tpu.memref_slice %arg9[%dma_start3A_771, %dma_start3A_772] : memref<128x64xf32, #tpu.memory_space<vmem>> -> memref<16x64xf32, #tpu.memory_space<vmem>>
      %dma_start3A_774 = arith.constant 0 : i32
      %dma_start3A_775 = tpu.memref_slice %arg3[%mul3A_770, %dma_start3A_774] : memref<102400x64xf32, #tpu.memory_space<hbm>> -> memref<16x64xf32, #tpu.memory_space<hbm>>
      %dma_start3A_776 = arith.constant 16 : i32
      %dma_start3A_777 = arith.constant 0 : i32
      %dma_start3A_778 = tpu.memref_slice %arg9[%dma_start3A_776, %dma_start3A_777] : memref<128x64xf32, #tpu.memory_space<vmem>> -> memref<16x64xf32, #tpu.memory_space<vmem>>
      %dma_start3A_779 = arith.constant 0 : i32
      %dma_start3A_780 = tpu.memref_slice %arg3[%mul3A_770, %dma_start3A_779] : memref<102400x64xf32, #tpu.memory_space<hbm>> -> memref<16x64xf32, #tpu.memory_space<hbm>>
      tpu.enqueue_dma source(%dma_start3A_780 : memref<16x64xf32, #tpu.memory_space<hbm>>) target(%dma_start3A_778 : memref<16x64xf32, #tpu.memory_space<vmem>>) target_semaphore(%arg12 : memref<!tpu.dma_semaphore, #tpu.memory_space<semaphore_mem>>)
      %eq3A_781 = arith.constant 2 : i32
      %eq3A_782 = vector.broadcast %eq3A_781 : i32 to vector<16xi32>
      %eq3A_783 = arith.cmpi eq, %iota3A, %eq3A_782 : vector<16xi32>
      %jit3A_784 = arith.constant -1 : i32
      %broadcast_in_dim3A_785 = vector.broadcast %jit3A_784 : i32 to vector<16xi32>
      %select_n3A_786 = arith.select %eq3A_783, %cond3A_728#1, %broadcast_in_dim3A_785 : vector<16xi1>, vector<16xi32>
      %reduce_max3A_787 = arith.constant true
      %reduce_max3A_788 = vector.broadcast %reduce_max3A_787 : i1 to vector<16xi1>
      %reduce_max3A_789 = arith.constant -2147483648 : i32
      %reduce_max3A_790 = vector.broadcast %reduce_max3A_789 : i32 to vector<16xi32>
      %reduce_max3A_791 = arith.xori %select_n3A_786, %reduce_max3A_790 : vector<16xi32>
      %reduce_max3A_792 = tpu.scan <max>, %reduce_max3A_791 masked %reduce_max3A_788 : vector<16xi32>, vector<16xi1> -> vector<16xi32>
      %reduce_max3A_793 = arith.xori %reduce_max3A_792, %reduce_max3A_790 : vector<16xi32>
      %reduce_max3A_794 = vector.extract %reduce_max3A_793[15] : i32 from vector<16xi32>
      %mul3A_795 = arith.constant 16 : i32
      %mul3A_796 = arith.muli %reduce_max3A_794, %mul3A_795 : i32
      %dma_start3A_797 = arith.constant 32 : i32
      %dma_start3A_798 = arith.constant 0 : i32
      %dma_start3A_799 = tpu.memref_slice %arg9[%dma_start3A_797, %dma_start3A_798] : memref<128x64xf32, #tpu.memory_space<vmem>> -> memref<16x64xf32, #tpu.memory_space<vmem>>
      %dma_start3A_800 = arith.constant 0 : i32
      %dma_start3A_801 = tpu.memref_slice %arg3[%mul3A_796, %dma_start3A_800] : memref<102400x64xf32, #tpu.memory_space<hbm>> -> memref<16x64xf32, #tpu.memory_space<hbm>>
      %dma_start3A_802 = arith.constant 32 : i32
      %dma_start3A_803 = arith.constant 0 : i32
      %dma_start3A_804 = tpu.memref_slice %arg9[%dma_start3A_802, %dma_start3A_803] : memref<128x64xf32, #tpu.memory_space<vmem>> -> memref<16x64xf32, #tpu.memory_space<vmem>>
      %dma_start3A_805 = arith.constant 0 : i32
      %dma_start3A_806 = tpu.memref_slice %arg3[%mul3A_796, %dma_start3A_805] : memref<102400x64xf32, #tpu.memory_space<hbm>> -> memref<16x64xf32, #tpu.memory_space<hbm>>
      tpu.enqueue_dma source(%dma_start3A_806 : memref<16x64xf32, #tpu.memory_space<hbm>>) target(%dma_start3A_804 : memref<16x64xf32, #tpu.memory_space<vmem>>) target_semaphore(%arg12 : memref<!tpu.dma_semaphore, #tpu.memory_space<semaphore_mem>>)
      %eq3A_807 = arith.constant 3 : i32
      %eq3A_808 = vector.broadcast %eq3A_807 : i32 to vector<16xi32>
      %eq3A_809 = arith.cmpi eq, %iota3A, %eq3A_808 : vector<16xi32>
      %jit3A_810 = arith.constant -1 : i32
      %broadcast_in_dim3A_811 = vector.broadcast %jit3A_810 : i32 to vector<16xi32>
      %select_n3A_812 = arith.select %eq3A_809, %cond3A_728#1, %broadcast_in_dim3A_811 : vector<16xi1>, vector<16xi32>
      %reduce_max3A_813 = arith.constant true
      %reduce_max3A_814 = vector.broadcast %reduce_max3A_813 : i1 to vector<16xi1>
      %reduce_max3A_815 = arith.constant -2147483648 : i32
      %reduce_max3A_816 = vector.broadcast %reduce_max3A_815 : i32 to vector<16xi32>
      %reduce_max3A_817 = arith.xori %select_n3A_812, %reduce_max3A_816 : vector<16xi32>
      %reduce_max3A_818 = tpu.scan <max>, %reduce_max3A_817 masked %reduce_max3A_814 : vector<16xi32>, vector<16xi1> -> vector<16xi32>
      %reduce_max3A_819 = arith.xori %reduce_max3A_818, %reduce_max3A_816 : vector<16xi32>
      %reduce_max3A_820 = vector.extract %reduce_max3A_819[15] : i32 from vector<16xi32>
      %mul3A_821 = arith.constant 16 : i32
      %mul3A_822 = arith.muli %reduce_max3A_820, %mul3A_821 : i32
      %dma_start3A_823 = arith.constant 48 : i32
      %dma_start3A_824 = arith.constant 0 : i32
      %dma_start3A_825 = tpu.memref_slice %arg9[%dma_start3A_823, %dma_start3A_824] : memref<128x64xf32, #tpu.memory_space<vmem>> -> memref<16x64xf32, #tpu.memory_space<vmem>>
      %dma_start3A_826 = arith.constant 0 : i32
      %dma_start3A_827 = tpu.memref_slice %arg3[%mul3A_822, %dma_start3A_826] : memref<102400x64xf32, #tpu.memory_space<hbm>> -> memref<16x64xf32, #tpu.memory_space<hbm>>
      %dma_start3A_828 = arith.constant 48 : i32
      %dma_start3A_829 = arith.constant 0 : i32
      %dma_start3A_830 = tpu.memref_slice %arg9[%dma_start3A_828, %dma_start3A_829] : memref<128x64xf32, #tpu.memory_space<vmem>> -> memref<16x64xf32, #tpu.memory_space<vmem>>
      %dma_start3A_831 = arith.constant 0 : i32
      %dma_start3A_832 = tpu.memref_slice %arg3[%mul3A_822, %dma_start3A_831] : memref<102400x64xf32, #tpu.memory_space<hbm>> -> memref<16x64xf32, #tpu.memory_space<hbm>>
      tpu.enqueue_dma source(%dma_start3A_832 : memref<16x64xf32, #tpu.memory_space<hbm>>) target(%dma_start3A_830 : memref<16x64xf32, #tpu.memory_space<vmem>>) target_semaphore(%arg12 : memref<!tpu.dma_semaphore, #tpu.memory_space<semaphore_mem>>)
      %eq3A_833 = arith.constant 4 : i32
      %eq3A_834 = vector.broadcast %eq3A_833 : i32 to vector<16xi32>
      %eq3A_835 = arith.cmpi eq, %iota3A, %eq3A_834 : vector<16xi32>
      %jit3A_836 = arith.constant -1 : i32
      %broadcast_in_dim3A_837 = vector.broadcast %jit3A_836 : i32 to vector<16xi32>
      %select_n3A_838 = arith.select %eq3A_835, %cond3A_728#1, %broadcast_in_dim3A_837 : vector<16xi1>, vector<16xi32>
      %reduce_max3A_839 = arith.constant true
      %reduce_max3A_840 = vector.broadcast %reduce_max3A_839 : i1 to vector<16xi1>
      %reduce_max3A_841 = arith.constant -2147483648 : i32
      %reduce_max3A_842 = vector.broadcast %reduce_max3A_841 : i32 to vector<16xi32>
      %reduce_max3A_843 = arith.xori %select_n3A_838, %reduce_max3A_842 : vector<16xi32>
      %reduce_max3A_844 = tpu.scan <max>, %reduce_max3A_843 masked %reduce_max3A_840 : vector<16xi32>, vector<16xi1> -> vector<16xi32>
      %reduce_max3A_845 = arith.xori %reduce_max3A_844, %reduce_max3A_842 : vector<16xi32>
      %reduce_max3A_846 = vector.extract %reduce_max3A_845[15] : i32 from vector<16xi32>
      %mul3A_847 = arith.constant 16 : i32
      %mul3A_848 = arith.muli %reduce_max3A_846, %mul3A_847 : i32
      %dma_start3A_849 = arith.constant 64 : i32
      %dma_start3A_850 = arith.constant 0 : i32
      %dma_start3A_851 = tpu.memref_slice %arg9[%dma_start3A_849, %dma_start3A_850] : memref<128x64xf32, #tpu.memory_space<vmem>> -> memref<16x64xf32, #tpu.memory_space<vmem>>
      %dma_start3A_852 = arith.constant 0 : i32
      %dma_start3A_853 = tpu.memref_slice %arg3[%mul3A_848, %dma_start3A_852] : memref<102400x64xf32, #tpu.memory_space<hbm>> -> memref<16x64xf32, #tpu.memory_space<hbm>>
      %dma_start3A_854 = arith.constant 64 : i32
      %dma_start3A_855 = arith.constant 0 : i32
      %dma_start3A_856 = tpu.memref_slice %arg9[%dma_start3A_854, %dma_start3A_855] : memref<128x64xf32, #tpu.memory_space<vmem>> -> memref<16x64xf32, #tpu.memory_space<vmem>>
      %dma_start3A_857 = arith.constant 0 : i32
      %dma_start3A_858 = tpu.memref_slice %arg3[%mul3A_848, %dma_start3A_857] : memref<102400x64xf32, #tpu.memory_space<hbm>> -> memref<16x64xf32, #tpu.memory_space<hbm>>
      tpu.enqueue_dma source(%dma_start3A_858 : memref<16x64xf32, #tpu.memory_space<hbm>>) target(%dma_start3A_856 : memref<16x64xf32, #tpu.memory_space<vmem>>) target_semaphore(%arg12 : memref<!tpu.dma_semaphore, #tpu.memory_space<semaphore_mem>>)
      %eq3A_859 = arith.constant 5 : i32
      %eq3A_860 = vector.broadcast %eq3A_859 : i32 to vector<16xi32>
      %eq3A_861 = arith.cmpi eq, %iota3A, %eq3A_860 : vector<16xi32>
      %jit3A_862 = arith.constant -1 : i32
      %broadcast_in_dim3A_863 = vector.broadcast %jit3A_862 : i32 to vector<16xi32>
      %select_n3A_864 = arith.select %eq3A_861, %cond3A_728#1, %broadcast_in_dim3A_863 : vector<16xi1>, vector<16xi32>
      %reduce_max3A_865 = arith.constant true
      %reduce_max3A_866 = vector.broadcast %reduce_max3A_865 : i1 to vector<16xi1>
      %reduce_max3A_867 = arith.constant -2147483648 : i32
      %reduce_max3A_868 = vector.broadcast %reduce_max3A_867 : i32 to vector<16xi32>
      %reduce_max3A_869 = arith.xori %select_n3A_864, %reduce_max3A_868 : vector<16xi32>
      %reduce_max3A_870 = tpu.scan <max>, %reduce_max3A_869 masked %reduce_max3A_866 : vector<16xi32>, vector<16xi1> -> vector<16xi32>
      %reduce_max3A_871 = arith.xori %reduce_max3A_870, %reduce_max3A_868 : vector<16xi32>
      %reduce_max3A_872 = vector.extract %reduce_max3A_871[15] : i32 from vector<16xi32>
      %mul3A_873 = arith.constant 16 : i32
      %mul3A_874 = arith.muli %reduce_max3A_872, %mul3A_873 : i32
      %dma_start3A_875 = arith.constant 80 : i32
      %dma_start3A_876 = arith.constant 0 : i32
      %dma_start3A_877 = tpu.memref_slice %arg9[%dma_start3A_875, %dma_start3A_876] : memref<128x64xf32, #tpu.memory_space<vmem>> -> memref<16x64xf32, #tpu.memory_space<vmem>>
      %dma_start3A_878 = arith.constant 0 : i32
      %dma_start3A_879 = tpu.memref_slice %arg3[%mul3A_874, %dma_start3A_878] : memref<102400x64xf32, #tpu.memory_space<hbm>> -> memref<16x64xf32, #tpu.memory_space<hbm>>
      %dma_start3A_880 = arith.constant 80 : i32
      %dma_start3A_881 = arith.constant 0 : i32
      %dma_start3A_882 = tpu.memref_slice %arg9[%dma_start3A_880, %dma_start3A_881] : memref<128x64xf32, #tpu.memory_space<vmem>> -> memref<16x64xf32, #tpu.memory_space<vmem>>
      %dma_start3A_883 = arith.constant 0 : i32
      %dma_start3A_884 = tpu.memref_slice %arg3[%mul3A_874, %dma_start3A_883] : memref<102400x64xf32, #tpu.memory_space<hbm>> -> memref<16x64xf32, #tpu.memory_space<hbm>>
      tpu.enqueue_dma source(%dma_start3A_884 : memref<16x64xf32, #tpu.memory_space<hbm>>) target(%dma_start3A_882 : memref<16x64xf32, #tpu.memory_space<vmem>>) target_semaphore(%arg12 : memref<!tpu.dma_semaphore, #tpu.memory_space<semaphore_mem>>)
      %jit3A_885 = arith.constant 128 : i32
      %div3A_886 = arith.divsi %reduce_max3A_742, %jit3A_885 : i32
      %sign3A_887 = arith.constant 0 : i32
      %sign3A_888 = arith.cmpi sgt, %reduce_max3A_742, %sign3A_887 : i32
      %sign3A_889 = arith.extui %sign3A_888 : i1 to i32
      %sign3A_890 = arith.constant 0 : i32
      %sign3A_891 = arith.cmpi slt, %reduce_max3A_742, %sign3A_890 : i32
      %sign3A_892 = arith.extui %sign3A_891 : i1 to i32
      %sign3A_893 = arith.subi %sign3A_889, %sign3A_892 : i32
      %sign3A_894 = arith.constant 0 : i32
      %sign3A_895 = arith.cmpi sgt, %jit3A_885, %sign3A_894 : i32
      %sign3A_896 = arith.extui %sign3A_895 : i1 to i32
      %sign3A_897 = arith.constant 0 : i32
      %sign3A_898 = arith.cmpi slt, %jit3A_885, %sign3A_897 : i32
      %sign3A_899 = arith.extui %sign3A_898 : i1 to i32
      %sign3A_900 = arith.subi %sign3A_896, %sign3A_899 : i32
      %ne3A_901 = arith.cmpi ne, %sign3A_893, %sign3A_900 : i32
      %rem3A_902 = arith.remsi %reduce_max3A_742, %jit3A_885 : i32
      %ne3A_903 = arith.constant 0 : i32
      %ne3A_904 = arith.cmpi ne, %rem3A_902, %ne3A_903 : i32
      %and3A_905 = arith.andi %ne3A_901, %ne3A_904 : i1
      %sub3A_906 = arith.constant 1 : i32
      %sub3A_907 = arith.subi %div3A_886, %sub3A_906 : i32
      %select_n3A_908 = arith.select %and3A_905, %sub3A_907, %div3A_886 : i32
      %jit3A_909 = arith.constant 128 : i32
      %eq3A_910 = arith.constant 0 : i32
      %eq3A_911 = arith.cmpi eq, %jit3A_909, %eq3A_910 : i32
      %jit3A_912 = arith.constant 1 : i32
      %select_n3A_913 = arith.select %eq3A_911, %jit3A_912, %jit3A_909 : i32
      %rem3A_914 = arith.remsi %reduce_max3A_742, %select_n3A_913 : i32
      %ne3A_915 = arith.constant 0 : i32
      %ne3A_916 = arith.cmpi ne, %rem3A_914, %ne3A_915 : i32
      %lt3A_917 = arith.constant 0 : i32
      %lt3A_918 = arith.cmpi slt, %rem3A_914, %lt3A_917 : i32
      %lt3A_919 = arith.constant 0 : i32
      %lt3A_920 = arith.cmpi slt, %select_n3A_913, %lt3A_919 : i32
      %ne3A_921 = arith.xori %lt3A_918, %lt3A_920 : i1
      %and3A_922 = arith.andi %ne3A_921, %ne3A_916 : i1
      %add3A_923 = arith.addi %rem3A_914, %select_n3A_913 : i32
      %select_n3A_924 = arith.select %and3A_922, %add3A_923, %rem3A_914 : i32
      %mul3A_925 = arith.constant 16 : i32
      %mul3A_926 = arith.muli %select_n3A_908, %mul3A_925 : i32
      %add3A_927 = vector.broadcast %mul3A_926 : i32 to vector<16xi32>
      %add3A_928 = arith.addi %add3A_927, %iota3A : vector<16xi32>
      %mul3A_929 = arith.constant 128 : i32
      %mul3A_930 = vector.broadcast %mul3A_929 : i32 to vector<16xi32>
      %mul3A_931 = arith.muli %add3A_928, %mul3A_930 : vector<16xi32>
      %add3A_932 = vector.broadcast %select_n3A_924 : i32 to vector<16xi32>
      %add3A_933 = arith.addi %mul3A_931, %add3A_932 : vector<16xi32>
      %swap3A_934 = arith.constant 0 : index
      %swap3A_935 = tpu.vector_load %arg8[%swap3A_934] {strides = array<i32>} : memref<128xi32, #tpu.memory_space<vmem>>, vector<16xi32>,
      tpu.vector_store %arg8[%swap3A_934], %add3A_933 {strides = array<i32>} : memref<128xi32, #tpu.memory_space<vmem>>, vector<16xi32>,
      %mul3A_936 = arith.constant 16 : i32
      %mul3A_937 = arith.muli %reduce_max3A_742, %mul3A_936 : i32
      %dma_wait3A_938 = arith.constant 0 : i32
      %dma_wait3A_939 = arith.constant 0 : i32
      %dma_wait3A_940 = tpu.memref_slice %arg9[%dma_wait3A_938, %dma_wait3A_939] : memref<128x64xf32, #tpu.memory_space<vmem>> -> memref<16x64xf32, #tpu.memory_space<vmem>>
      %dma_wait3A_941 = arith.constant 0 : i32
      %dma_wait3A_942 = tpu.memref_slice %arg3[%mul3A_937, %dma_wait3A_941] : memref<102400x64xf32, #tpu.memory_space<hbm>> -> memref<16x64xf32, #tpu.memory_space<hbm>>
      %dma_wait3A_943 = arith.constant 0 : i32
      %dma_wait3A_944 = arith.constant 0 : i32
      %dma_wait3A_945 = tpu.memref_slice %arg9[%dma_wait3A_943, %dma_wait3A_944] : memref<128x64xf32, #tpu.memory_space<vmem>> -> memref<16x64xf32, #tpu.memory_space<vmem>>
      %dma_wait3A_946 = arith.constant 0 : i32
      %dma_wait3A_947 = tpu.memref_slice %arg3[%mul3A_937, %dma_wait3A_946] : memref<102400x64xf32, #tpu.memory_space<hbm>> -> memref<16x64xf32, #tpu.memory_space<hbm>>
      tpu.wait_dma2 semaphore(%arg12 : memref<!tpu.dma_semaphore, #tpu.memory_space<semaphore_mem>>) src(%dma_wait3A_947 : memref<16x64xf32, #tpu.memory_space<hbm>>) dst(%dma_wait3A_945 : memref<16x64xf32, #tpu.memory_space<vmem>>)
      %jit3A_948 = arith.constant 128 : i32
      %div3A_949 = arith.divsi %reduce_max3A_768, %jit3A_948 : i32
      %sign3A_950 = arith.constant 0 : i32
      %sign3A_951 = arith.cmpi sgt, %reduce_max3A_768, %sign3A_950 : i32
      %sign3A_952 = arith.extui %sign3A_951 : i1 to i32
      %sign3A_953 = arith.constant 0 : i32
      %sign3A_954 = arith.cmpi slt, %reduce_max3A_768, %sign3A_953 : i32
      %sign3A_955 = arith.extui %sign3A_954 : i1 to i32
      %sign3A_956 = arith.subi %sign3A_952, %sign3A_955 : i32
      %sign3A_957 = arith.constant 0 : i32
      %sign3A_958 = arith.cmpi sgt, %jit3A_948, %sign3A_957 : i32
      %sign3A_959 = arith.extui %sign3A_958 : i1 to i32
      %sign3A_960 = arith.constant 0 : i32
      %sign3A_961 = arith.cmpi slt, %jit3A_948, %sign3A_960 : i32
      %sign3A_962 = arith.extui %sign3A_961 : i1 to i32
      %sign3A_963 = arith.subi %sign3A_959, %sign3A_962 : i32
      %ne3A_964 = arith.cmpi ne, %sign3A_956, %sign3A_963 : i32
      %rem3A_965 = arith.remsi %reduce_max3A_768, %jit3A_948 : i32
      %ne3A_966 = arith.constant 0 : i32
      %ne3A_967 = arith.cmpi ne, %rem3A_965, %ne3A_966 : i32
      %and3A_968 = arith.andi %ne3A_964, %ne3A_967 : i1
      %sub3A_969 = arith.constant 1 : i32
      %sub3A_970 = arith.subi %div3A_949, %sub3A_969 : i32
      %select_n3A_971 = arith.select %and3A_968, %sub3A_970, %div3A_949 : i32
      %jit3A_972 = arith.constant 128 : i32
      %eq3A_973 = arith.constant 0 : i32
      %eq3A_974 = arith.cmpi eq, %jit3A_972, %eq3A_973 : i32
      %jit3A_975 = arith.constant 1 : i32
      %select_n3A_976 = arith.select %eq3A_974, %jit3A_975, %jit3A_972 : i32
      %rem3A_977 = arith.remsi %reduce_max3A_768, %select_n3A_976 : i32
      %ne3A_978 = arith.constant 0 : i32
      %ne3A_979 = arith.cmpi ne, %rem3A_977, %ne3A_978 : i32
      %lt3A_980 = arith.constant 0 : i32
      %lt3A_981 = arith.cmpi slt, %rem3A_977, %lt3A_980 : i32
      %lt3A_982 = arith.constant 0 : i32
      %lt3A_983 = arith.cmpi slt, %select_n3A_976, %lt3A_982 : i32
      %ne3A_984 = arith.xori %lt3A_981, %lt3A_983 : i1
      %and3A_985 = arith.andi %ne3A_984, %ne3A_979 : i1
      %add3A_986 = arith.addi %rem3A_977, %select_n3A_976 : i32
      %select_n3A_987 = arith.select %and3A_985, %add3A_986, %rem3A_977 : i32
      %mul3A_988 = arith.constant 16 : i32
      %mul3A_989 = arith.muli %select_n3A_971, %mul3A_988 : i32
      %add3A_990 = vector.broadcast %mul3A_989 : i32 to vector<16xi32>
      %add3A_991 = arith.addi %add3A_990, %iota3A : vector<16xi32>
      %mul3A_992 = arith.constant 128 : i32
      %mul3A_993 = vector.broadcast %mul3A_992 : i32 to vector<16xi32>
      %mul3A_994 = arith.muli %add3A_991, %mul3A_993 : vector<16xi32>
      %add3A_995 = vector.broadcast %select_n3A_987 : i32 to vector<16xi32>
      %add3A_996 = arith.addi %mul3A_994, %add3A_995 : vector<16xi32>
      %swap3A_997 = arith.constant 16 : index
      %swap3A_998 = tpu.vector_load %arg8[%swap3A_997] {strides = array<i32>} : memref<128xi32, #tpu.memory_space<vmem>>, vector<16xi32>,
      tpu.vector_store %arg8[%swap3A_997], %add3A_996 {strides = array<i32>} : memref<128xi32, #tpu.memory_space<vmem>>, vector<16xi32>,
      %mul3A_999 = arith.constant 16 : i32
      %mul3A_1000 = arith.muli %reduce_max3A_768, %mul3A_999 : i32
      %dma_wait3A_1001 = arith.constant 16 : i32
      %dma_wait3A_1002 = arith.constant 0 : i32
      %dma_wait3A_1003 = tpu.memref_slice %arg9[%dma_wait3A_1001, %dma_wait3A_1002] : memref<128x64xf32, #tpu.memory_space<vmem>> -> memref<16x64xf32, #tpu.memory_space<vmem>>
      %dma_wait3A_1004 = arith.constant 0 : i32
      %dma_wait3A_1005 = tpu.memref_slice %arg3[%mul3A_1000, %dma_wait3A_1004] : memref<102400x64xf32, #tpu.memory_space<hbm>> -> memref<16x64xf32, #tpu.memory_space<hbm>>
      %dma_wait3A_1006 = arith.constant 16 : i32
      %dma_wait3A_1007 = arith.constant 0 : i32
      %dma_wait3A_1008 = tpu.memref_slice %arg9[%dma_wait3A_1006, %dma_wait3A_1007] : memref<128x64xf32, #tpu.memory_space<vmem>> -> memref<16x64xf32, #tpu.memory_space<vmem>>
      %dma_wait3A_1009 = arith.constant 0 : i32
      %dma_wait3A_1010 = tpu.memref_slice %arg3[%mul3A_1000, %dma_wait3A_1009] : memref<102400x64xf32, #tpu.memory_space<hbm>> -> memref<16x64xf32, #tpu.memory_space<hbm>>
      tpu.wait_dma2 semaphore(%arg12 : memref<!tpu.dma_semaphore, #tpu.memory_space<semaphore_mem>>) src(%dma_wait3A_1010 : memref<16x64xf32, #tpu.memory_space<hbm>>) dst(%dma_wait3A_1008 : memref<16x64xf32, #tpu.memory_space<vmem>>)
      %jit3A_1011 = arith.constant 128 : i32
      %div3A_1012 = arith.divsi %reduce_max3A_794, %jit3A_1011 : i32
      %sign3A_1013 = arith.constant 0 : i32
      %sign3A_1014 = arith.cmpi sgt, %reduce_max3A_794, %sign3A_1013 : i32
      %sign3A_1015 = arith.extui %sign3A_1014 : i1 to i32
      %sign3A_1016 = arith.constant 0 : i32
      %sign3A_1017 = arith.cmpi slt, %reduce_max3A_794, %sign3A_1016 : i32
      %sign3A_1018 = arith.extui %sign3A_1017 : i1 to i32
      %sign3A_1019 = arith.subi %sign3A_1015, %sign3A_1018 : i32
      %sign3A_1020 = arith.constant 0 : i32
      %sign3A_1021 = arith.cmpi sgt, %jit3A_1011, %sign3A_1020 : i32
      %sign3A_1022 = arith.extui %sign3A_1021 : i1 to i32
      %sign3A_1023 = arith.constant 0 : i32
      %sign3A_1024 = arith.cmpi slt, %jit3A_1011, %sign3A_1023 : i32
      %sign3A_1025 = arith.extui %sign3A_1024 : i1 to i32
      %sign3A_1026 = arith.subi %sign3A_1022, %sign3A_1025 : i32
      %ne3A_1027 = arith.cmpi ne, %sign3A_1019, %sign3A_1026 : i32
      %rem3A_1028 = arith.remsi %reduce_max3A_794, %jit3A_1011 : i32
      %ne3A_1029 = arith.constant 0 : i32
      %ne3A_1030 = arith.cmpi ne, %rem3A_1028, %ne3A_1029 : i32
      %and3A_1031 = arith.andi %ne3A_1027, %ne3A_1030 : i1
      %sub3A_1032 = arith.constant 1 : i32
      %sub3A_1033 = arith.subi %div3A_1012, %sub3A_1032 : i32
      %select_n3A_1034 = arith.select %and3A_1031, %sub3A_1033, %div3A_1012 : i32
      %jit3A_1035 = arith.constant 128 : i32
      %eq3A_1036 = arith.constant 0 : i32
      %eq3A_1037 = arith.cmpi eq, %jit3A_1035, %eq3A_1036 : i32
      %jit3A_1038 = arith.constant 1 : i32
      %select_n3A_1039 = arith.select %eq3A_1037, %jit3A_1038, %jit3A_1035 : i32
      %rem3A_1040 = arith.remsi %reduce_max3A_794, %select_n3A_1039 : i32
      %ne3A_1041 = arith.constant 0 : i32
      %ne3A_1042 = arith.cmpi ne, %rem3A_1040, %ne3A_1041 : i32
      %lt3A_1043 = arith.constant 0 : i32
      %lt3A_1044 = arith.cmpi slt, %rem3A_1040, %lt3A_1043 : i32
      %lt3A_1045 = arith.constant 0 : i32
      %lt3A_1046 = arith.cmpi slt, %select_n3A_1039, %lt3A_1045 : i32
      %ne3A_1047 = arith.xori %lt3A_1044, %lt3A_1046 : i1
      %and3A_1048 = arith.andi %ne3A_1047, %ne3A_1042 : i1
      %add3A_1049 = arith.addi %rem3A_1040, %select_n3A_1039 : i32
      %select_n3A_1050 = arith.select %and3A_1048, %add3A_1049, %rem3A_1040 : i32
      %mul3A_1051 = arith.constant 16 : i32
      %mul3A_1052 = arith.muli %select_n3A_1034, %mul3A_1051 : i32
      %add3A_1053 = vector.broadcast %mul3A_1052 : i32 to vector<16xi32>
      %add3A_1054 = arith.addi %add3A_1053, %iota3A : vector<16xi32>
      %mul3A_1055 = arith.constant 128 : i32
      %mul3A_1056 = vector.broadcast %mul3A_1055 : i32 to vector<16xi32>
      %mul3A_1057 = arith.muli %add3A_1054, %mul3A_1056 : vector<16xi32>
      %add3A_1058 = vector.broadcast %select_n3A_1050 : i32 to vector<16xi32>
      %add3A_1059 = arith.addi %mul3A_1057, %add3A_1058 : vector<16xi32>
      %swap3A_1060 = arith.constant 32 : index
      %swap3A_1061 = tpu.vector_load %arg8[%swap3A_1060] {strides = array<i32>} : memref<128xi32, #tpu.memory_space<vmem>>, vector<16xi32>,
      tpu.vector_store %arg8[%swap3A_1060], %add3A_1059 {strides = array<i32>} : memref<128xi32, #tpu.memory_space<vmem>>, vector<16xi32>,
      %mul3A_1062 = arith.constant 16 : i32
      %mul3A_1063 = arith.muli %reduce_max3A_794, %mul3A_1062 : i32
      %dma_wait3A_1064 = arith.constant 32 : i32
      %dma_wait3A_1065 = arith.constant 0 : i32
      %dma_wait3A_1066 = tpu.memref_slice %arg9[%dma_wait3A_1064, %dma_wait3A_1065] : memref<128x64xf32, #tpu.memory_space<vmem>> -> memref<16x64xf32, #tpu.memory_space<vmem>>
      %dma_wait3A_1067 = arith.constant 0 : i32
      %dma_wait3A_1068 = tpu.memref_slice %arg3[%mul3A_1063, %dma_wait3A_1067] : memref<102400x64xf32, #tpu.memory_space<hbm>> -> memref<16x64xf32, #tpu.memory_space<hbm>>
      %dma_wait3A_1069 = arith.constant 32 : i32
      %dma_wait3A_1070 = arith.constant 0 : i32
      %dma_wait3A_1071 = tpu.memref_slice %arg9[%dma_wait3A_1069, %dma_wait3A_1070] : memref<128x64xf32, #tpu.memory_space<vmem>> -> memref<16x64xf32, #tpu.memory_space<vmem>>
      %dma_wait3A_1072 = arith.constant 0 : i32
      %dma_wait3A_1073 = tpu.memref_slice %arg3[%mul3A_1063, %dma_wait3A_1072] : memref<102400x64xf32, #tpu.memory_space<hbm>> -> memref<16x64xf32, #tpu.memory_space<hbm>>
      tpu.wait_dma2 semaphore(%arg12 : memref<!tpu.dma_semaphore, #tpu.memory_space<semaphore_mem>>) src(%dma_wait3A_1073 : memref<16x64xf32, #tpu.memory_space<hbm>>) dst(%dma_wait3A_1071 : memref<16x64xf32, #tpu.memory_space<vmem>>)
      %jit3A_1074 = arith.constant 128 : i32
      %div3A_1075 = arith.divsi %reduce_max3A_820, %jit3A_1074 : i32
      %sign3A_1076 = arith.constant 0 : i32
      %sign3A_1077 = arith.cmpi sgt, %reduce_max3A_820, %sign3A_1076 : i32
      %sign3A_1078 = arith.extui %sign3A_1077 : i1 to i32
      %sign3A_1079 = arith.constant 0 : i32
      %sign3A_1080 = arith.cmpi slt, %reduce_max3A_820, %sign3A_1079 : i32
      %sign3A_1081 = arith.extui %sign3A_1080 : i1 to i32
      %sign3A_1082 = arith.subi %sign3A_1078, %sign3A_1081 : i32
      %sign3A_1083 = arith.constant 0 : i32
      %sign3A_1084 = arith.cmpi sgt, %jit3A_1074, %sign3A_1083 : i32
      %sign3A_1085 = arith.extui %sign3A_1084 : i1 to i32
      %sign3A_1086 = arith.constant 0 : i32
      %sign3A_1087 = arith.cmpi slt, %jit3A_1074, %sign3A_1086 : i32
      %sign3A_1088 = arith.extui %sign3A_1087 : i1 to i32
      %sign3A_1089 = arith.subi %sign3A_1085, %sign3A_1088 : i32
      %ne3A_1090 = arith.cmpi ne, %sign3A_1082, %sign3A_1089 : i32
      %rem3A_1091 = arith.remsi %reduce_max3A_820, %jit3A_1074 : i32
      %ne3A_1092 = arith.constant 0 : i32
      %ne3A_1093 = arith.cmpi ne, %rem3A_1091, %ne3A_1092 : i32
      %and3A_1094 = arith.andi %ne3A_1090, %ne3A_1093 : i1
      %sub3A_1095 = arith.constant 1 : i32
      %sub3A_1096 = arith.subi %div3A_1075, %sub3A_1095 : i32
      %select_n3A_1097 = arith.select %and3A_1094, %sub3A_1096, %div3A_1075 : i32
      %jit3A_1098 = arith.constant 128 : i32
      %eq3A_1099 = arith.constant 0 : i32
      %eq3A_1100 = arith.cmpi eq, %jit3A_1098, %eq3A_1099 : i32
      %jit3A_1101 = arith.constant 1 : i32
      %select_n3A_1102 = arith.select %eq3A_1100, %jit3A_1101, %jit3A_1098 : i32
      %rem3A_1103 = arith.remsi %reduce_max3A_820, %select_n3A_1102 : i32
      %ne3A_1104 = arith.constant 0 : i32
      %ne3A_1105 = arith.cmpi ne, %rem3A_1103, %ne3A_1104 : i32
      %lt3A_1106 = arith.constant 0 : i32
      %lt3A_1107 = arith.cmpi slt, %rem3A_1103, %lt3A_1106 : i32
      %lt3A_1108 = arith.constant 0 : i32
      %lt3A_1109 = arith.cmpi slt, %select_n3A_1102, %lt3A_1108 : i32
      %ne3A_1110 = arith.xori %lt3A_1107, %lt3A_1109 : i1
      %and3A_1111 = arith.andi %ne3A_1110, %ne3A_1105 : i1
      %add3A_1112 = arith.addi %rem3A_1103, %select_n3A_1102 : i32
      %select_n3A_1113 = arith.select %and3A_1111, %add3A_1112, %rem3A_1103 : i32
      %mul3A_1114 = arith.constant 16 : i32
      %mul3A_1115 = arith.muli %select_n3A_1097, %mul3A_1114 : i32
      %add3A_1116 = vector.broadcast %mul3A_1115 : i32 to vector<16xi32>
      %add3A_1117 = arith.addi %add3A_1116, %iota3A : vector<16xi32>
      %mul3A_1118 = arith.constant 128 : i32
      %mul3A_1119 = vector.broadcast %mul3A_1118 : i32 to vector<16xi32>
      %mul3A_1120 = arith.muli %add3A_1117, %mul3A_1119 : vector<16xi32>
      %add3A_1121 = vector.broadcast %select_n3A_1113 : i32 to vector<16xi32>
      %add3A_1122 = arith.addi %mul3A_1120, %add3A_1121 : vector<16xi32>
      %swap3A_1123 = arith.constant 48 : index
      %swap3A_1124 = tpu.vector_load %arg8[%swap3A_1123] {strides = array<i32>} : memref<128xi32, #tpu.memory_space<vmem>>, vector<16xi32>,
      tpu.vector_store %arg8[%swap3A_1123], %add3A_1122 {strides = array<i32>} : memref<128xi32, #tpu.memory_space<vmem>>, vector<16xi32>,
      %mul3A_1125 = arith.constant 16 : i32
      %mul3A_1126 = arith.muli %reduce_max3A_820, %mul3A_1125 : i32
      %dma_wait3A_1127 = arith.constant 48 : i32
      %dma_wait3A_1128 = arith.constant 0 : i32
      %dma_wait3A_1129 = tpu.memref_slice %arg9[%dma_wait3A_1127, %dma_wait3A_1128] : memref<128x64xf32, #tpu.memory_space<vmem>> -> memref<16x64xf32, #tpu.memory_space<vmem>>
      %dma_wait3A_1130 = arith.constant 0 : i32
      %dma_wait3A_1131 = tpu.memref_slice %arg3[%mul3A_1126, %dma_wait3A_1130] : memref<102400x64xf32, #tpu.memory_space<hbm>> -> memref<16x64xf32, #tpu.memory_space<hbm>>
      %dma_wait3A_1132 = arith.constant 48 : i32
      %dma_wait3A_1133 = arith.constant 0 : i32
      %dma_wait3A_1134 = tpu.memref_slice %arg9[%dma_wait3A_1132, %dma_wait3A_1133] : memref<128x64xf32, #tpu.memory_space<vmem>> -> memref<16x64xf32, #tpu.memory_space<vmem>>
      %dma_wait3A_1135 = arith.constant 0 : i32
      %dma_wait3A_1136 = tpu.memref_slice %arg3[%mul3A_1126, %dma_wait3A_1135] : memref<102400x64xf32, #tpu.memory_space<hbm>> -> memref<16x64xf32, #tpu.memory_space<hbm>>
      tpu.wait_dma2 semaphore(%arg12 : memref<!tpu.dma_semaphore, #tpu.memory_space<semaphore_mem>>) src(%dma_wait3A_1136 : memref<16x64xf32, #tpu.memory_space<hbm>>) dst(%dma_wait3A_1134 : memref<16x64xf32, #tpu.memory_space<vmem>>)
      %jit3A_1137 = arith.constant 128 : i32
      %div3A_1138 = arith.divsi %reduce_max3A_846, %jit3A_1137 : i32
      %sign3A_1139 = arith.constant 0 : i32
      %sign3A_1140 = arith.cmpi sgt, %reduce_max3A_846, %sign3A_1139 : i32
      %sign3A_1141 = arith.extui %sign3A_1140 : i1 to i32
      %sign3A_1142 = arith.constant 0 : i32
      %sign3A_1143 = arith.cmpi slt, %reduce_max3A_846, %sign3A_1142 : i32
      %sign3A_1144 = arith.extui %sign3A_1143 : i1 to i32
      %sign3A_1145 = arith.subi %sign3A_1141, %sign3A_1144 : i32
      %sign3A_1146 = arith.constant 0 : i32
      %sign3A_1147 = arith.cmpi sgt, %jit3A_1137, %sign3A_1146 : i32
      %sign3A_1148 = arith.extui %sign3A_1147 : i1 to i32
      %sign3A_1149 = arith.constant 0 : i32
      %sign3A_1150 = arith.cmpi slt, %jit3A_1137, %sign3A_1149 : i32
      %sign3A_1151 = arith.extui %sign3A_1150 : i1 to i32
      %sign3A_1152 = arith.subi %sign3A_1148, %sign3A_1151 : i32
      %ne3A_1153 = arith.cmpi ne, %sign3A_1145, %sign3A_1152 : i32
      %rem3A_1154 = arith.remsi %reduce_max3A_846, %jit3A_1137 : i32
      %ne3A_1155 = arith.constant 0 : i32
      %ne3A_1156 = arith.cmpi ne, %rem3A_1154, %ne3A_1155 : i32
      %and3A_1157 = arith.andi %ne3A_1153, %ne3A_1156 : i1
      %sub3A_1158 = arith.constant 1 : i32
      %sub3A_1159 = arith.subi %div3A_1138, %sub3A_1158 : i32
      %select_n3A_1160 = arith.select %and3A_1157, %sub3A_1159, %div3A_1138 : i32
      %jit3A_1161 = arith.constant 128 : i32
      %eq3A_1162 = arith.constant 0 : i32
      %eq3A_1163 = arith.cmpi eq, %jit3A_1161, %eq3A_1162 : i32
      %jit3A_1164 = arith.constant 1 : i32
      %select_n3A_1165 = arith.select %eq3A_1163, %jit3A_1164, %jit3A_1161 : i32
      %rem3A_1166 = arith.remsi %reduce_max3A_846, %select_n3A_1165 : i32
      %ne3A_1167 = arith.constant 0 : i32
      %ne3A_1168 = arith.cmpi ne, %rem3A_1166, %ne3A_1167 : i32
      %lt3A_1169 = arith.constant 0 : i32
      %lt3A_1170 = arith.cmpi slt, %rem3A_1166, %lt3A_1169 : i32
      %lt3A_1171 = arith.constant 0 : i32
      %lt3A_1172 = arith.cmpi slt, %select_n3A_1165, %lt3A_1171 : i32
      %ne3A_1173 = arith.xori %lt3A_1170, %lt3A_1172 : i1
      %and3A_1174 = arith.andi %ne3A_1173, %ne3A_1168 : i1
      %add3A_1175 = arith.addi %rem3A_1166, %select_n3A_1165 : i32
      %select_n3A_1176 = arith.select %and3A_1174, %add3A_1175, %rem3A_1166 : i32
      %mul3A_1177 = arith.constant 16 : i32
      %mul3A_1178 = arith.muli %select_n3A_1160, %mul3A_1177 : i32
      %add3A_1179 = vector.broadcast %mul3A_1178 : i32 to vector<16xi32>
      %add3A_1180 = arith.addi %add3A_1179, %iota3A : vector<16xi32>
      %mul3A_1181 = arith.constant 128 : i32
      %mul3A_1182 = vector.broadcast %mul3A_1181 : i32 to vector<16xi32>
      %mul3A_1183 = arith.muli %add3A_1180, %mul3A_1182 : vector<16xi32>
      %add3A_1184 = vector.broadcast %select_n3A_1176 : i32 to vector<16xi32>
      %add3A_1185 = arith.addi %mul3A_1183, %add3A_1184 : vector<16xi32>
      %swap3A_1186 = arith.constant 64 : index
      %swap3A_1187 = tpu.vector_load %arg8[%swap3A_1186] {strides = array<i32>} : memref<128xi32, #tpu.memory_space<vmem>>, vector<16xi32>,
      tpu.vector_store %arg8[%swap3A_1186], %add3A_1185 {strides = array<i32>} : memref<128xi32, #tpu.memory_space<vmem>>, vector<16xi32>,
      %mul3A_1188 = arith.constant 16 : i32
      %mul3A_1189 = arith.muli %reduce_max3A_846, %mul3A_1188 : i32
      %dma_wait3A_1190 = arith.constant 64 : i32
      %dma_wait3A_1191 = arith.constant 0 : i32
      %dma_wait3A_1192 = tpu.memref_slice %arg9[%dma_wait3A_1190, %dma_wait3A_1191] : memref<128x64xf32, #tpu.memory_space<vmem>> -> memref<16x64xf32, #tpu.memory_space<vmem>>
      %dma_wait3A_1193 = arith.constant 0 : i32
      %dma_wait3A_1194 = tpu.memref_slice %arg3[%mul3A_1189, %dma_wait3A_1193] : memref<102400x64xf32, #tpu.memory_space<hbm>> -> memref<16x64xf32, #tpu.memory_space<hbm>>
      %dma_wait3A_1195 = arith.constant 64 : i32
      %dma_wait3A_1196 = arith.constant 0 : i32
      %dma_wait3A_1197 = tpu.memref_slice %arg9[%dma_wait3A_1195, %dma_wait3A_1196] : memref<128x64xf32, #tpu.memory_space<vmem>> -> memref<16x64xf32, #tpu.memory_space<vmem>>
      %dma_wait3A_1198 = arith.constant 0 : i32
      %dma_wait3A_1199 = tpu.memref_slice %arg3[%mul3A_1189, %dma_wait3A_1198] : memref<102400x64xf32, #tpu.memory_space<hbm>> -> memref<16x64xf32, #tpu.memory_space<hbm>>
      tpu.wait_dma2 semaphore(%arg12 : memref<!tpu.dma_semaphore, #tpu.memory_space<semaphore_mem>>) src(%dma_wait3A_1199 : memref<16x64xf32, #tpu.memory_space<hbm>>) dst(%dma_wait3A_1197 : memref<16x64xf32, #tpu.memory_space<vmem>>)
      %jit3A_1200 = arith.constant 128 : i32
      %div3A_1201 = arith.divsi %reduce_max3A_872, %jit3A_1200 : i32
      %sign3A_1202 = arith.constant 0 : i32
      %sign3A_1203 = arith.cmpi sgt, %reduce_max3A_872, %sign3A_1202 : i32
      %sign3A_1204 = arith.extui %sign3A_1203 : i1 to i32
      %sign3A_1205 = arith.constant 0 : i32
      %sign3A_1206 = arith.cmpi slt, %reduce_max3A_872, %sign3A_1205 : i32
      %sign3A_1207 = arith.extui %sign3A_1206 : i1 to i32
      %sign3A_1208 = arith.subi %sign3A_1204, %sign3A_1207 : i32
      %sign3A_1209 = arith.constant 0 : i32
      %sign3A_1210 = arith.cmpi sgt, %jit3A_1200, %sign3A_1209 : i32
      %sign3A_1211 = arith.extui %sign3A_1210 : i1 to i32
      %sign3A_1212 = arith.constant 0 : i32
      %sign3A_1213 = arith.cmpi slt, %jit3A_1200, %sign3A_1212 : i32
      %sign3A_1214 = arith.extui %sign3A_1213 : i1 to i32
      %sign3A_1215 = arith.subi %sign3A_1211, %sign3A_1214 : i32
      %ne3A_1216 = arith.cmpi ne, %sign3A_1208, %sign3A_1215 : i32
      %rem3A_1217 = arith.remsi %reduce_max3A_872, %jit3A_1200 : i32
      %ne3A_1218 = arith.constant 0 : i32
      %ne3A_1219 = arith.cmpi ne, %rem3A_1217, %ne3A_1218 : i32
      %and3A_1220 = arith.andi %ne3A_1216, %ne3A_1219 : i1
      %sub3A_1221 = arith.constant 1 : i32
      %sub3A_1222 = arith.subi %div3A_1201, %sub3A_1221 : i32
      %select_n3A_1223 = arith.select %and3A_1220, %sub3A_1222, %div3A_1201 : i32
      %jit3A_1224 = arith.constant 128 : i32
      %eq3A_1225 = arith.constant 0 : i32
      %eq3A_1226 = arith.cmpi eq, %jit3A_1224, %eq3A_1225 : i32
      %jit3A_1227 = arith.constant 1 : i32
      %select_n3A_1228 = arith.select %eq3A_1226, %jit3A_1227, %jit3A_1224 : i32
      %rem3A_1229 = arith.remsi %reduce_max3A_872, %select_n3A_1228 : i32
      %ne3A_1230 = arith.constant 0 : i32
      %ne3A_1231 = arith.cmpi ne, %rem3A_1229, %ne3A_1230 : i32
      %lt3A_1232 = arith.constant 0 : i32
      %lt3A_1233 = arith.cmpi slt, %rem3A_1229, %lt3A_1232 : i32
      %lt3A_1234 = arith.constant 0 : i32
      %lt3A_1235 = arith.cmpi slt, %select_n3A_1228, %lt3A_1234 : i32
      %ne3A_1236 = arith.xori %lt3A_1233, %lt3A_1235 : i1
      %and3A_1237 = arith.andi %ne3A_1236, %ne3A_1231 : i1
      %add3A_1238 = arith.addi %rem3A_1229, %select_n3A_1228 : i32
      %select_n3A_1239 = arith.select %and3A_1237, %add3A_1238, %rem3A_1229 : i32
      %mul3A_1240 = arith.constant 16 : i32
      %mul3A_1241 = arith.muli %select_n3A_1223, %mul3A_1240 : i32
      %add3A_1242 = vector.broadcast %mul3A_1241 : i32 to vector<16xi32>
      %add3A_1243 = arith.addi %add3A_1242, %iota3A : vector<16xi32>
      %mul3A_1244 = arith.constant 128 : i32
      %mul3A_1245 = vector.broadcast %mul3A_1244 : i32 to vector<16xi32>
      %mul3A_1246 = arith.muli %add3A_1243, %mul3A_1245 : vector<16xi32>
      %add3A_1247 = vector.broadcast %select_n3A_1239 : i32 to vector<16xi32>
      %add3A_1248 = arith.addi %mul3A_1246, %add3A_1247 : vector<16xi32>
      %swap3A_1249 = arith.constant 80 : index
      %swap3A_1250 = tpu.vector_load %arg8[%swap3A_1249] {strides = array<i32>} : memref<128xi32, #tpu.memory_space<vmem>>, vector<16xi32>,
      tpu.vector_store %arg8[%swap3A_1249], %add3A_1248 {strides = array<i32>} : memref<128xi32, #tpu.memory_space<vmem>>, vector<16xi32>,
      %mul3A_1251 = arith.constant 16 : i32
      %mul3A_1252 = arith.muli %reduce_max3A_872, %mul3A_1251 : i32
      %dma_wait3A_1253 = arith.constant 80 : i32
      %dma_wait3A_1254 = arith.constant 0 : i32
      %dma_wait3A_1255 = tpu.memref_slice %arg9[%dma_wait3A_1253, %dma_wait3A_1254] : memref<128x64xf32, #tpu.memory_space<vmem>> -> memref<16x64xf32, #tpu.memory_space<vmem>>
      %dma_wait3A_1256 = arith.constant 0 : i32
      %dma_wait3A_1257 = tpu.memref_slice %arg3[%mul3A_1252, %dma_wait3A_1256] : memref<102400x64xf32, #tpu.memory_space<hbm>> -> memref<16x64xf32, #tpu.memory_space<hbm>>
      %dma_wait3A_1258 = arith.constant 80 : i32
      %dma_wait3A_1259 = arith.constant 0 : i32
      %dma_wait3A_1260 = tpu.memref_slice %arg9[%dma_wait3A_1258, %dma_wait3A_1259] : memref<128x64xf32, #tpu.memory_space<vmem>> -> memref<16x64xf32, #tpu.memory_space<vmem>>
      %dma_wait3A_1261 = arith.constant 0 : i32
      %dma_wait3A_1262 = tpu.memref_slice %arg3[%mul3A_1252, %dma_wait3A_1261] : memref<102400x64xf32, #tpu.memory_space<hbm>> -> memref<16x64xf32, #tpu.memory_space<hbm>>
      tpu.wait_dma2 semaphore(%arg12 : memref<!tpu.dma_semaphore, #tpu.memory_space<semaphore_mem>>) src(%dma_wait3A_1262 : memref<16x64xf32, #tpu.memory_space<hbm>>) dst(%dma_wait3A_1260 : memref<16x64xf32, #tpu.memory_space<vmem>>)
      %mul3A_1263 = arith.constant 128 : i32
      %mul3A_1264 = arith.muli %add3A_31, %mul3A_1263 : i32
      "tpu.region"() ({
        %run_scoped3A = tpu.sem_alloc : memref<!tpu.dma_semaphore, #tpu.memory_space<semaphore_mem>>
        %dma_start3A_1266 = arith.constant 0 : i32
        %dma_start3A_1267 = arith.constant 0 : i32
        %dma_start3A_1268 = tpu.memref_slice %arg9[%dma_start3A_1266, %dma_start3A_1267] : memref<128x64xf32, #tpu.memory_space<vmem>> -> memref<96x64xf32, #tpu.memory_space<vmem>>
        %dma_start3A_1269 = arith.constant 0 : i32
        %dma_start3A_1270 = tpu.memref_slice %arg4[%mul3A_1264, %dma_start3A_1269] : memref<131072x64xf32, #tpu.memory_space<hbm>> -> memref<96x64xf32, #tpu.memory_space<hbm>>
        %dma_start3A_1271 = arith.constant 0 : i32
        %dma_start3A_1272 = tpu.memref_slice %arg4[%mul3A_1264, %dma_start3A_1271] : memref<131072x64xf32, #tpu.memory_space<hbm>> -> memref<96x64xf32, #tpu.memory_space<hbm>>
        %dma_start3A_1273 = arith.constant 0 : i32
        %dma_start3A_1274 = arith.constant 0 : i32
        %dma_start3A_1275 = tpu.memref_slice %arg9[%dma_start3A_1273, %dma_start3A_1274] : memref<128x64xf32, #tpu.memory_space<vmem>> -> memref<96x64xf32, #tpu.memory_space<vmem>>
        tpu.enqueue_dma source(%dma_start3A_1275 : memref<96x64xf32, #tpu.memory_space<vmem>>) target(%dma_start3A_1272 : memref<96x64xf32, #tpu.memory_space<hbm>>) target_semaphore(%run_scoped3A : memref<!tpu.dma_semaphore, #tpu.memory_space<semaphore_mem>>)
        %dma_wait3A_1276 = arith.constant 0 : i32
        %dma_wait3A_1277 = arith.constant 0 : i32
        %dma_wait3A_1278 = tpu.memref_slice %arg9[%dma_wait3A_1276, %dma_wait3A_1277] : memref<128x64xf32, #tpu.memory_space<vmem>> -> memref<96x64xf32, #tpu.memory_space<vmem>>
        %dma_wait3A_1279 = arith.constant 0 : i32
        %dma_wait3A_1280 = tpu.memref_slice %arg4[%mul3A_1264, %dma_wait3A_1279] : memref<131072x64xf32, #tpu.memory_space<hbm>> -> memref<96x64xf32, #tpu.memory_space<hbm>>
        %dma_wait3A_1281 = arith.constant 0 : i32
        %dma_wait3A_1282 = tpu.memref_slice %arg4[%mul3A_1264, %dma_wait3A_1281] : memref<131072x64xf32, #tpu.memory_space<hbm>> -> memref<96x64xf32, #tpu.memory_space<hbm>>
        %dma_wait3A_1283 = arith.constant 0 : i32
        %dma_wait3A_1284 = arith.constant 0 : i32
        %dma_wait3A_1285 = tpu.memref_slice %arg9[%dma_wait3A_1283, %dma_wait3A_1284] : memref<128x64xf32, #tpu.memory_space<vmem>> -> memref<96x64xf32, #tpu.memory_space<vmem>>
        tpu.wait_dma2 semaphore(%run_scoped3A : memref<!tpu.dma_semaphore, #tpu.memory_space<semaphore_mem>>) src(%dma_wait3A_1285 : memref<96x64xf32, #tpu.memory_space<vmem>>) dst(%dma_wait3A_1282 : memref<96x64xf32, #tpu.memory_space<hbm>>)
        tpu.yield
      }) : () -> ()
      "tpu.region"() ({
        %run_scoped3A = tpu.sem_alloc : memref<!tpu.dma_semaphore, #tpu.memory_space<semaphore_mem>>
        %dma_start3A_1266 = arith.constant 0 : i32
        %dma_start3A_1267 = tpu.memref_slice %arg5[%add3A_31, %dma_start3A_1266] : memref<1024x128xi32, #tpu.memory_space<hbm>> -> memref<1x128xi32, #tpu.memory_space<hbm>>
        %dma_start3A_1268 = tpu.memref_squeeze %dma_start3A_1267 : memref<1x128xi32, #tpu.memory_space<hbm>> -> memref<128xi32, #tpu.memory_space<hbm>>
        %dma_start3A_1269 = arith.constant 0 : i32
        %dma_start3A_1270 = tpu.memref_slice %arg5[%add3A_31, %dma_start3A_1269] : memref<1024x128xi32, #tpu.memory_space<hbm>> -> memref<1x128xi32, #tpu.memory_space<hbm>>
        %dma_start3A_1271 = tpu.memref_squeeze %dma_start3A_1270 : memref<1x128xi32, #tpu.memory_space<hbm>> -> memref<128xi32, #tpu.memory_space<hbm>>
        tpu.enqueue_dma source(%arg8 : memref<128xi32, #tpu.memory_space<vmem>>) target(%dma_start3A_1271 : memref<128xi32, #tpu.memory_space<hbm>>) target_semaphore(%run_scoped3A : memref<!tpu.dma_semaphore, #tpu.memory_space<semaphore_mem>>)
        %dma_wait3A_1272 = arith.constant 0 : i32
        %dma_wait3A_1273 = tpu.memref_slice %arg5[%add3A_31, %dma_wait3A_1272] : memref<1024x128xi32, #tpu.memory_space<hbm>> -> memref<1x128xi32, #tpu.memory_space<hbm>>
        %dma_wait3A_1274 = tpu.memref_squeeze %dma_wait3A_1273 : memref<1x128xi32, #tpu.memory_space<hbm>> -> memref<128xi32, #tpu.memory_space<hbm>>
        %dma_wait3A_1275 = arith.constant 0 : i32
        %dma_wait3A_1276 = tpu.memref_slice %arg5[%add3A_31, %dma_wait3A_1275] : memref<1024x128xi32, #tpu.memory_space<hbm>> -> memref<1x128xi32, #tpu.memory_space<hbm>>
        %dma_wait3A_1277 = tpu.memref_squeeze %dma_wait3A_1276 : memref<1x128xi32, #tpu.memory_space<hbm>> -> memref<128xi32, #tpu.memory_space<hbm>>
        tpu.wait_dma2 semaphore(%run_scoped3A : memref<!tpu.dma_semaphore, #tpu.memory_space<semaphore_mem>>) src(%arg8 : memref<128xi32, #tpu.memory_space<vmem>>) dst(%dma_wait3A_1277 : memref<128xi32, #tpu.memory_space<hbm>>)
        tpu.yield
      }) : () -> ()
      %scan3A_1265 = arith.constant 0 : i32
      scf.yield %scan3A_1265 : i32
    }
    %scan3A_19 = arith.constant 16 : i32
    %dma_wait3A = arith.constant 0 : i32
    %dma_wait3A_20 = tpu.memref_slice %arg2[%mul3A_5, %dma_wait3A] : memref<1024x6400xf32, #tpu.memory_space<hbm>> -> memref<1x6400xf32, #tpu.memory_space<hbm>>
    %dma_wait3A_21 = tpu.memref_squeeze %dma_wait3A_20 : memref<1x6400xf32, #tpu.memory_space<hbm>> -> memref<6400xf32, #tpu.memory_space<hbm>>
    %dma_wait3A_22 = arith.constant 0 : i32
    %dma_wait3A_23 = tpu.memref_slice %arg2[%mul3A_5, %dma_wait3A_22] : memref<1024x6400xf32, #tpu.memory_space<hbm>> -> memref<1x6400xf32, #tpu.memory_space<hbm>>
    %dma_wait3A_24 = tpu.memref_squeeze %dma_wait3A_23 : memref<1x6400xf32, #tpu.memory_space<hbm>> -> memref<6400xf32, #tpu.memory_space<hbm>>
    tpu.wait_dma2 semaphore(%arg10 : memref<!tpu.dma_semaphore, #tpu.memory_space<semaphore_mem>>) src(%dma_wait3A_24 : memref<6400xf32, #tpu.memory_space<hbm>>) dst(%arg6 : memref<6400xf32, #tpu.memory_space<vmem>>)
    return
  }
}

module attributes {stable_mosaic.version = 14 : i64} {
  func.func @_k1_body(%arg0: i32, %arg1: memref<1024x64xf32, #tpu.memory_space<vmem>>, %arg2: memref<2048x64xf32, #tpu.memory_space<vmem>>, %arg3: memref<1024x128xf32, #tpu.memory_space<vmem>>) attributes {dimension_semantics = [#tpu.dimension_semantics<arbitrary>], iteration_bounds = array<i64: 50>, scalar_prefetch = 0 : i64, scratch_operands = 0 : i64, tpu.core_type = #tpu.core_type<tc>, window_params = [{pipeline_mode = #tpu.pipeline_mode<synchronous>, transform_indices = @transform_0, window_bounds = array<i64: 1024, 64>}, {transform_indices = @transform_1, window_bounds = array<i64: 2048, 64>}, {transform_indices = @transform_2, window_bounds = array<i64: 1024, 128>}]} {
    %get3A = arith.constant 0 : index
    %get3A_0 = arith.constant 0 : index
    %get3A_1 = vector.load %arg1[%get3A, %get3A_0] : memref<1024x64xf32, #tpu.memory_space<vmem>>, vector<1024x64xf32>
    %get3A_2 = arith.constant 0 : index
    %get3A_3 = arith.constant 0 : index
    %get3A_4 = vector.load %arg2[%get3A_2, %get3A_3] : memref<2048x64xf32, #tpu.memory_space<vmem>>, vector<2048x64xf32>
    %dot_general3A = arith.constant dense<0.000000e+00> : vector<1024x2048xf32>
    %dot_general3A_5 = tpu.matmul %get3A_1, %get3A_4, %dot_general3A {dimension_numbers = #tpu.dot_dimension_numbers<[1], [1], [0], [0], [0, 0, 1, 0], [], []>, transpose_lhs_hint = false} : vector<1024x64xf32>, vector<2048x64xf32>, vector<1024x2048xf32> -> vector<1024x2048xf32>
    %mul3A = arith.constant 2048 : i32
    %mul3A_6 = arith.muli %arg0, %mul3A : i32
    %iota3A = tpu.iota {dimensions = array<i32: 1>} : vector<1024x2048xi32>
    %add3A = vector.broadcast %mul3A_6 : i32 to vector<1024x2048xi32>
    %add3A_7 = arith.addi %add3A, %iota3A : vector<1024x2048xi32>
    %lt3A = arith.constant 100000 : i32
    %lt3A_8 = vector.broadcast %lt3A : i32 to vector<1024x2048xi32>
    %lt3A_9 = arith.cmpi slt, %add3A_7, %lt3A_8 : vector<1024x2048xi32>
    %jit3A = arith.constant -3.000000e+38 : f32
    %broadcast_in_dim3A = vector.broadcast %jit3A : f32 to vector<1024x2048xf32>
    %select_n3A = arith.select %lt3A_9, %dot_general3A_5, %broadcast_in_dim3A : vector<1024x2048xi1>, vector<1024x2048xf32>
    %reshape3A = vector.shape_cast %select_n3A : vector<1024x2048xf32> to vector<1024x1x16x128xf32>
    %reduce_max3A = arith.constant dense<0xFF800000> : vector<1024x1x128xf32>
    %reduce_max3A_10 = vector.multi_reduction <maximumf>, %reshape3A, %reduce_max3A [2] : vector<1024x1x16x128xf32> to vector<1024x1x128xf32>
    %reshape3A_11 = vector.shape_cast %reduce_max3A_10 : vector<1024x1x128xf32> to vector<1024x128xf32>
    %swap3A = arith.constant 0 : index
    %swap3A_12 = arith.constant 0 : index
    %swap3A_13 = vector.load %arg3[%swap3A, %swap3A_12] : memref<1024x128xf32, #tpu.memory_space<vmem>>, vector<1024x128xf32>
    tpu.vector_store %arg3[%swap3A, %swap3A_12], %reshape3A_11 {strides = array<i32>} : memref<1024x128xf32, #tpu.memory_space<vmem>>, vector<1024x128xf32>,
    return
  }
  func.func @transform_0(%arg0: i32) -> (i32, i32) {
    %c0_i32 = arith.constant 0 : i32
    %c0_i32_0 = arith.constant 0 : i32
    %c0_i32_1 = arith.constant 0 : i32
    return %c0_i32, %c0_i32_0 : i32, i32
  }
  func.func @transform_1(%arg0: i32) -> (i32, i32) {
    %c0_i32 = arith.constant 0 : i32
    %c0_i32_0 = arith.constant 0 : i32
    return %arg0, %c0_i32 : i32, i32
  }
  func.func @transform_2(%arg0: i32) -> (i32, i32) {
    %c0_i32 = arith.constant 0 : i32
    %c0_i32_0 = arith.constant 0 : i32
    return %c0_i32, %arg0 : i32, i32
  }
}

module attributes {stable_mosaic.version = 14 : i64} {
  func.func @_k3_body(%arg0: i32, %arg1: memref<64x64xf32, #tpu.memory_space<vmem>>, %arg2: memref<8192x64xf32, #tpu.memory_space<vmem>>, %arg3: memref<64x128xi32, #tpu.memory_space<vmem>>, %arg4: memref<64x128xf32, #tpu.memory_space<vmem>>, %arg5: memref<64x128xi32, #tpu.memory_space<vmem>>) attributes {dimension_semantics = [#tpu.dimension_semantics<arbitrary>], iteration_bounds = array<i64: 16>, scalar_prefetch = 0 : i64, scratch_operands = 0 : i64, tpu.core_type = #tpu.core_type<tc>, window_params = [{transform_indices = @transform_0, window_bounds = array<i64: 64, 64>}, {transform_indices = @transform_1, window_bounds = array<i64: 8192, 64>}, {transform_indices = @transform_2, window_bounds = array<i64: 64, 128>}, {transform_indices = @transform_3, window_bounds = array<i64: 64, 128>}, {transform_indices = @transform_4, window_bounds = array<i64: 64, 128>}]} {
    %get3A = arith.constant 0 : index
    %get3A_0 = arith.constant 0 : index
    %get3A_1 = vector.load %arg1[%get3A, %get3A_0] : memref<64x64xf32, #tpu.memory_space<vmem>>, vector<64x64xf32>
    %get3A_2 = arith.constant 0 : index
    %get3A_3 = arith.constant 0 : index
    %get3A_4 = vector.load %arg2[%get3A_2, %get3A_3] : memref<8192x64xf32, #tpu.memory_space<vmem>>, vector<8192x64xf32>
    %dot_general3A = arith.constant dense<0.000000e+00> : vector<64x8192xf32>
    %dot_general3A_5 = tpu.matmul %get3A_1, %get3A_4, %dot_general3A {dimension_numbers = #tpu.dot_dimension_numbers<[1], [1], [0], [0], [0, 0, 1, 0], [], []>, transpose_lhs_hint = false} : vector<64x64xf32>, vector<8192x64xf32>, vector<64x8192xf32> -> vector<64x8192xf32>
    %reshape3A = vector.shape_cast %dot_general3A_5 : vector<64x8192xf32> to vector<64x64x128xf32>
    %iota3A = tpu.iota {dimensions = array<i32: 0>} : vector<64x64x128xi32>
    %iota3A_6 = tpu.iota {dimensions = array<i32: 1>} : vector<64x64x128xi32>
    %eq3A = arith.cmpi eq, %iota3A, %iota3A_6 : vector<64x64x128xi32>
    %jit3A = arith.constant -3.000000e+38 : f32
    %broadcast_in_dim3A = vector.broadcast %jit3A : f32 to vector<64x64x128xf32>
    %select_n3A = arith.select %eq3A, %reshape3A, %broadcast_in_dim3A : vector<64x64x128xi1>, vector<64x64x128xf32>
    %reduce_max3A = arith.constant dense<0xFF800000> : vector<64x128xf32>
    %reduce_max3A_7 = vector.multi_reduction <maximumf>, %select_n3A, %reduce_max3A [1] : vector<64x64x128xf32> to vector<64x128xf32>
    %get3A_8 = arith.constant 0 : index
    %get3A_9 = arith.constant 0 : index
    %get3A_10 = vector.load %arg3[%get3A_8, %get3A_9] : memref<64x128xi32, #tpu.memory_space<vmem>>, vector<64x128xi32>
    %iota3A_11 = tpu.iota {dimensions = array<i32: 1>} : vector<64x128xi32>
    %lt3A = arith.constant 100000 : i32
    %lt3A_12 = vector.broadcast %lt3A : i32 to vector<64x128xi32>
    %lt3A_13 = arith.cmpi slt, %get3A_10, %lt3A_12 : vector<64x128xi32>
    %lt3A_14 = arith.constant 96 : i32
    %lt3A_15 = vector.broadcast %lt3A_14 : i32 to vector<64x128xi32>
    %lt3A_16 = arith.cmpi slt, %iota3A_11, %lt3A_15 : vector<64x128xi32>
    %and3A = arith.andi %lt3A_13, %lt3A_16 : vector<64x128xi1>
    %jit3A_17 = arith.constant -3.000000e+38 : f32
    %broadcast_in_dim3A_18 = vector.broadcast %jit3A_17 : f32 to vector<64x128xf32>
    %select_n3A_19 = arith.select %and3A, %reduce_max3A_7, %broadcast_in_dim3A_18 : vector<64x128xi1>, vector<64x128xf32>
    %broadcast_in_dim3A_20 = arith.constant 0.000000e+00 : f32
    %broadcast_in_dim3A_21 = vector.broadcast %broadcast_in_dim3A_20 : f32 to vector<64x128xf32>
    %broadcast_in_dim3A_22 = arith.constant 0 : i32
    %broadcast_in_dim3A_23 = vector.broadcast %broadcast_in_dim3A_22 : i32 to vector<64x128xi32>
    %reduce_max3A_24 = arith.constant dense<0xFF800000> : vector<64xf32>
    %reduce_max3A_25 = vector.multi_reduction <maximumf>, %select_n3A_19, %reduce_max3A_24 [1] : vector<64x128xf32> to vector<64xf32>
    %broadcast_in_dim3A_26 = vector.shape_cast %reduce_max3A_25 : vector<64xf32> to vector<64x1xf32>
    %eq3A_27 = vector.broadcast %broadcast_in_dim3A_26 : vector<64x1xf32> to vector<64x128xf32>
    %eq3A_28 = arith.cmpf oeq, %select_n3A_19, %eq3A_27 : vector<64x128xf32>
    %jit3A_29 = arith.constant 1073741824 : i32
    %broadcast_in_dim3A_30 = vector.broadcast %jit3A_29 : i32 to vector<64x128xi32>
    %select_n3A_31 = arith.select %eq3A_28, %get3A_10, %broadcast_in_dim3A_30 : vector<64x128xi1>, vector<64x128xi32>
    %reduce_min3A = arith.constant dense<2147483647> : vector<64xi32>
    %reduce_min3A_32 = vector.multi_reduction <minsi>, %select_n3A_31, %reduce_min3A [1] : vector<64x128xi32> to vector<64xi32>
    %broadcast_in_dim3A_33 = vector.shape_cast %reduce_min3A_32 : vector<64xi32> to vector<64x1xi32>
    %eq3A_34 = arith.constant 0 : i32
    %eq3A_35 = vector.broadcast %eq3A_34 : i32 to vector<64x128xi32>
    %eq3A_36 = arith.cmpi eq, %iota3A_11, %eq3A_35 : vector<64x128xi32>
    %broadcast_in_dim3A_37 = vector.shape_cast %broadcast_in_dim3A_26 : vector<64x1xf32> to vector<64x1xf32>
    %broadcast_in_dim3A_38 = vector.broadcast %broadcast_in_dim3A_37 : vector<64x1xf32> to vector<64x128xf32>
    %select_n3A_39 = arith.select %eq3A_36, %broadcast_in_dim3A_38, %broadcast_in_dim3A_21 : vector<64x128xi1>, vector<64x128xf32>
    %eq3A_40 = arith.constant 0 : i32
    %eq3A_41 = vector.broadcast %eq3A_40 : i32 to vector<64x128xi32>
    %eq3A_42 = arith.cmpi eq, %iota3A_11, %eq3A_41 : vector<64x128xi32>
    %broadcast_in_dim3A_43 = vector.shape_cast %broadcast_in_dim3A_33 : vector<64x1xi32> to vector<64x1xi32>
    %broadcast_in_dim3A_44 = vector.broadcast %broadcast_in_dim3A_43 : vector<64x1xi32> to vector<64x128xi32>
    %select_n3A_45 = arith.select %eq3A_42, %broadcast_in_dim3A_44, %broadcast_in_dim3A_23 : vector<64x128xi1>, vector<64x128xi32>
    %eq3A_46 = vector.broadcast %broadcast_in_dim3A_33 : vector<64x1xi32> to vector<64x128xi32>
    %eq3A_47 = arith.cmpi eq, %get3A_10, %eq3A_46 : vector<64x128xi32>
    %eq3A_48 = vector.broadcast %broadcast_in_dim3A_26 : vector<64x1xf32> to vector<64x128xf32>
    %eq3A_49 = arith.cmpf oeq, %select_n3A_19, %eq3A_48 : vector<64x128xf32>
    %and3A_50 = arith.andi %eq3A_47, %eq3A_49 : vector<64x128xi1>
    %jit3A_51 = arith.constant -3.000000e+38 : f32
    %broadcast_in_dim3A_52 = vector.broadcast %jit3A_51 : f32 to vector<64x128xf32>
    %select_n3A_53 = arith.select %and3A_50, %broadcast_in_dim3A_52, %select_n3A_19 : vector<64x128xi1>, vector<64x128xf32>
    %reduce_max3A_54 = arith.constant dense<0xFF800000> : vector<64xf32>
    %reduce_max3A_55 = vector.multi_reduction <maximumf>, %select_n3A_53, %reduce_max3A_54 [1] : vector<64x128xf32> to vector<64xf32>
    %broadcast_in_dim3A_56 = vector.shape_cast %reduce_max3A_55 : vector<64xf32> to vector<64x1xf32>
    %eq3A_57 = vector.broadcast %broadcast_in_dim3A_56 : vector<64x1xf32> to vector<64x128xf32>
    %eq3A_58 = arith.cmpf oeq, %select_n3A_53, %eq3A_57 : vector<64x128xf32>
    %jit3A_59 = arith.constant 1073741824 : i32
    %broadcast_in_dim3A_60 = vector.broadcast %jit3A_59 : i32 to vector<64x128xi32>
    %select_n3A_61 = arith.select %eq3A_58, %get3A_10, %broadcast_in_dim3A_60 : vector<64x128xi1>, vector<64x128xi32>
    %reduce_min3A_62 = arith.constant dense<2147483647> : vector<64xi32>
    %reduce_min3A_63 = vector.multi_reduction <minsi>, %select_n3A_61, %reduce_min3A_62 [1] : vector<64x128xi32> to vector<64xi32>
    %broadcast_in_dim3A_64 = vector.shape_cast %reduce_min3A_63 : vector<64xi32> to vector<64x1xi32>
    %eq3A_65 = arith.constant 1 : i32
    %eq3A_66 = vector.broadcast %eq3A_65 : i32 to vector<64x128xi32>
    %eq3A_67 = arith.cmpi eq, %iota3A_11, %eq3A_66 : vector<64x128xi32>
    %broadcast_in_dim3A_68 = vector.shape_cast %broadcast_in_dim3A_56 : vector<64x1xf32> to vector<64x1xf32>
    %broadcast_in_dim3A_69 = vector.broadcast %broadcast_in_dim3A_68 : vector<64x1xf32> to vector<64x128xf32>
    %select_n3A_70 = arith.select %eq3A_67, %broadcast_in_dim3A_69, %select_n3A_39 : vector<64x128xi1>, vector<64x128xf32>
    %eq3A_71 = arith.constant 1 : i32
    %eq3A_72 = vector.broadcast %eq3A_71 : i32 to vector<64x128xi32>
    %eq3A_73 = arith.cmpi eq, %iota3A_11, %eq3A_72 : vector<64x128xi32>
    %broadcast_in_dim3A_74 = vector.shape_cast %broadcast_in_dim3A_64 : vector<64x1xi32> to vector<64x1xi32>
    %broadcast_in_dim3A_75 = vector.broadcast %broadcast_in_dim3A_74 : vector<64x1xi32> to vector<64x128xi32>
    %select_n3A_76 = arith.select %eq3A_73, %broadcast_in_dim3A_75, %select_n3A_45 : vector<64x128xi1>, vector<64x128xi32>
    %eq3A_77 = vector.broadcast %broadcast_in_dim3A_64 : vector<64x1xi32> to vector<64x128xi32>
    %eq3A_78 = arith.cmpi eq, %get3A_10, %eq3A_77 : vector<64x128xi32>
    %eq3A_79 = vector.broadcast %broadcast_in_dim3A_56 : vector<64x1xf32> to vector<64x128xf32>
    %eq3A_80 = arith.cmpf oeq, %select_n3A_53, %eq3A_79 : vector<64x128xf32>
    %and3A_81 = arith.andi %eq3A_78, %eq3A_80 : vector<64x128xi1>
    %jit3A_82 = arith.constant -3.000000e+38 : f32
    %broadcast_in_dim3A_83 = vector.broadcast %jit3A_82 : f32 to vector<64x128xf32>
    %select_n3A_84 = arith.select %and3A_81, %broadcast_in_dim3A_83, %select_n3A_53 : vector<64x128xi1>, vector<64x128xf32>
    %reduce_max3A_85 = arith.constant dense<0xFF800000> : vector<64xf32>
    %reduce_max3A_86 = vector.multi_reduction <maximumf>, %select_n3A_84, %reduce_max3A_85 [1] : vector<64x128xf32> to vector<64xf32>
    %broadcast_in_dim3A_87 = vector.shape_cast %reduce_max3A_86 : vector<64xf32> to vector<64x1xf32>
    %eq3A_88 = vector.broadcast %broadcast_in_dim3A_87 : vector<64x1xf32> to vector<64x128xf32>
    %eq3A_89 = arith.cmpf oeq, %select_n3A_84, %eq3A_88 : vector<64x128xf32>
    %jit3A_90 = arith.constant 1073741824 : i32
    %broadcast_in_dim3A_91 = vector.broadcast %jit3A_90 : i32 to vector<64x128xi32>
    %select_n3A_92 = arith.select %eq3A_89, %get3A_10, %broadcast_in_dim3A_91 : vector<64x128xi1>, vector<64x128xi32>
    %reduce_min3A_93 = arith.constant dense<2147483647> : vector<64xi32>
    %reduce_min3A_94 = vector.multi_reduction <minsi>, %select_n3A_92, %reduce_min3A_93 [1] : vector<64x128xi32> to vector<64xi32>
    %broadcast_in_dim3A_95 = vector.shape_cast %reduce_min3A_94 : vector<64xi32> to vector<64x1xi32>
    %eq3A_96 = arith.constant 2 : i32
    %eq3A_97 = vector.broadcast %eq3A_96 : i32 to vector<64x128xi32>
    %eq3A_98 = arith.cmpi eq, %iota3A_11, %eq3A_97 : vector<64x128xi32>
    %broadcast_in_dim3A_99 = vector.shape_cast %broadcast_in_dim3A_87 : vector<64x1xf32> to vector<64x1xf32>
    %broadcast_in_dim3A_100 = vector.broadcast %broadcast_in_dim3A_99 : vector<64x1xf32> to vector<64x128xf32>
    %select_n3A_101 = arith.select %eq3A_98, %broadcast_in_dim3A_100, %select_n3A_70 : vector<64x128xi1>, vector<64x128xf32>
    %eq3A_102 = arith.constant 2 : i32
    %eq3A_103 = vector.broadcast %eq3A_102 : i32 to vector<64x128xi32>
    %eq3A_104 = arith.cmpi eq, %iota3A_11, %eq3A_103 : vector<64x128xi32>
    %broadcast_in_dim3A_105 = vector.shape_cast %broadcast_in_dim3A_95 : vector<64x1xi32> to vector<64x1xi32>
    %broadcast_in_dim3A_106 = vector.broadcast %broadcast_in_dim3A_105 : vector<64x1xi32> to vector<64x128xi32>
    %select_n3A_107 = arith.select %eq3A_104, %broadcast_in_dim3A_106, %select_n3A_76 : vector<64x128xi1>, vector<64x128xi32>
    %eq3A_108 = vector.broadcast %broadcast_in_dim3A_95 : vector<64x1xi32> to vector<64x128xi32>
    %eq3A_109 = arith.cmpi eq, %get3A_10, %eq3A_108 : vector<64x128xi32>
    %eq3A_110 = vector.broadcast %broadcast_in_dim3A_87 : vector<64x1xf32> to vector<64x128xf32>
    %eq3A_111 = arith.cmpf oeq, %select_n3A_84, %eq3A_110 : vector<64x128xf32>
    %and3A_112 = arith.andi %eq3A_109, %eq3A_111 : vector<64x128xi1>
    %jit3A_113 = arith.constant -3.000000e+38 : f32
    %broadcast_in_dim3A_114 = vector.broadcast %jit3A_113 : f32 to vector<64x128xf32>
    %select_n3A_115 = arith.select %and3A_112, %broadcast_in_dim3A_114, %select_n3A_84 : vector<64x128xi1>, vector<64x128xf32>
    %reduce_max3A_116 = arith.constant dense<0xFF800000> : vector<64xf32>
    %reduce_max3A_117 = vector.multi_reduction <maximumf>, %select_n3A_115, %reduce_max3A_116 [1] : vector<64x128xf32> to vector<64xf32>
    %broadcast_in_dim3A_118 = vector.shape_cast %reduce_max3A_117 : vector<64xf32> to vector<64x1xf32>
    %eq3A_119 = vector.broadcast %broadcast_in_dim3A_118 : vector<64x1xf32> to vector<64x128xf32>
    %eq3A_120 = arith.cmpf oeq, %select_n3A_115, %eq3A_119 : vector<64x128xf32>
    %jit3A_121 = arith.constant 1073741824 : i32
    %broadcast_in_dim3A_122 = vector.broadcast %jit3A_121 : i32 to vector<64x128xi32>
    %select_n3A_123 = arith.select %eq3A_120, %get3A_10, %broadcast_in_dim3A_122 : vector<64x128xi1>, vector<64x128xi32>
    %reduce_min3A_124 = arith.constant dense<2147483647> : vector<64xi32>
    %reduce_min3A_125 = vector.multi_reduction <minsi>, %select_n3A_123, %reduce_min3A_124 [1] : vector<64x128xi32> to vector<64xi32>
    %broadcast_in_dim3A_126 = vector.shape_cast %reduce_min3A_125 : vector<64xi32> to vector<64x1xi32>
    %eq3A_127 = arith.constant 3 : i32
    %eq3A_128 = vector.broadcast %eq3A_127 : i32 to vector<64x128xi32>
    %eq3A_129 = arith.cmpi eq, %iota3A_11, %eq3A_128 : vector<64x128xi32>
    %broadcast_in_dim3A_130 = vector.shape_cast %broadcast_in_dim3A_118 : vector<64x1xf32> to vector<64x1xf32>
    %broadcast_in_dim3A_131 = vector.broadcast %broadcast_in_dim3A_130 : vector<64x1xf32> to vector<64x128xf32>
    %select_n3A_132 = arith.select %eq3A_129, %broadcast_in_dim3A_131, %select_n3A_101 : vector<64x128xi1>, vector<64x128xf32>
    %eq3A_133 = arith.constant 3 : i32
    %eq3A_134 = vector.broadcast %eq3A_133 : i32 to vector<64x128xi32>
    %eq3A_135 = arith.cmpi eq, %iota3A_11, %eq3A_134 : vector<64x128xi32>
    %broadcast_in_dim3A_136 = vector.shape_cast %broadcast_in_dim3A_126 : vector<64x1xi32> to vector<64x1xi32>
    %broadcast_in_dim3A_137 = vector.broadcast %broadcast_in_dim3A_136 : vector<64x1xi32> to vector<64x128xi32>
    %select_n3A_138 = arith.select %eq3A_135, %broadcast_in_dim3A_137, %select_n3A_107 : vector<64x128xi1>, vector<64x128xi32>
    %eq3A_139 = vector.broadcast %broadcast_in_dim3A_126 : vector<64x1xi32> to vector<64x128xi32>
    %eq3A_140 = arith.cmpi eq, %get3A_10, %eq3A_139 : vector<64x128xi32>
    %eq3A_141 = vector.broadcast %broadcast_in_dim3A_118 : vector<64x1xf32> to vector<64x128xf32>
    %eq3A_142 = arith.cmpf oeq, %select_n3A_115, %eq3A_141 : vector<64x128xf32>
    %and3A_143 = arith.andi %eq3A_140, %eq3A_142 : vector<64x128xi1>
    %jit3A_144 = arith.constant -3.000000e+38 : f32
    %broadcast_in_dim3A_145 = vector.broadcast %jit3A_144 : f32 to vector<64x128xf32>
    %select_n3A_146 = arith.select %and3A_143, %broadcast_in_dim3A_145, %select_n3A_115 : vector<64x128xi1>, vector<64x128xf32>
    %reduce_max3A_147 = arith.constant dense<0xFF800000> : vector<64xf32>
    %reduce_max3A_148 = vector.multi_reduction <maximumf>, %select_n3A_146, %reduce_max3A_147 [1] : vector<64x128xf32> to vector<64xf32>
    %broadcast_in_dim3A_149 = vector.shape_cast %reduce_max3A_148 : vector<64xf32> to vector<64x1xf32>
    %eq3A_150 = vector.broadcast %broadcast_in_dim3A_149 : vector<64x1xf32> to vector<64x128xf32>
    %eq3A_151 = arith.cmpf oeq, %select_n3A_146, %eq3A_150 : vector<64x128xf32>
    %jit3A_152 = arith.constant 1073741824 : i32
    %broadcast_in_dim3A_153 = vector.broadcast %jit3A_152 : i32 to vector<64x128xi32>
    %select_n3A_154 = arith.select %eq3A_151, %get3A_10, %broadcast_in_dim3A_153 : vector<64x128xi1>, vector<64x128xi32>
    %reduce_min3A_155 = arith.constant dense<2147483647> : vector<64xi32>
    %reduce_min3A_156 = vector.multi_reduction <minsi>, %select_n3A_154, %reduce_min3A_155 [1] : vector<64x128xi32> to vector<64xi32>
    %broadcast_in_dim3A_157 = vector.shape_cast %reduce_min3A_156 : vector<64xi32> to vector<64x1xi32>
    %eq3A_158 = arith.constant 4 : i32
    %eq3A_159 = vector.broadcast %eq3A_158 : i32 to vector<64x128xi32>
    %eq3A_160 = arith.cmpi eq, %iota3A_11, %eq3A_159 : vector<64x128xi32>
    %broadcast_in_dim3A_161 = vector.shape_cast %broadcast_in_dim3A_149 : vector<64x1xf32> to vector<64x1xf32>
    %broadcast_in_dim3A_162 = vector.broadcast %broadcast_in_dim3A_161 : vector<64x1xf32> to vector<64x128xf32>
    %select_n3A_163 = arith.select %eq3A_160, %broadcast_in_dim3A_162, %select_n3A_132 : vector<64x128xi1>, vector<64x128xf32>
    %eq3A_164 = arith.constant 4 : i32
    %eq3A_165 = vector.broadcast %eq3A_164 : i32 to vector<64x128xi32>
    %eq3A_166 = arith.cmpi eq, %iota3A_11, %eq3A_165 : vector<64x128xi32>
    %broadcast_in_dim3A_167 = vector.shape_cast %broadcast_in_dim3A_157 : vector<64x1xi32> to vector<64x1xi32>
    %broadcast_in_dim3A_168 = vector.broadcast %broadcast_in_dim3A_167 : vector<64x1xi32> to vector<64x128xi32>
    %select_n3A_169 = arith.select %eq3A_166, %broadcast_in_dim3A_168, %select_n3A_138 : vector<64x128xi1>, vector<64x128xi32>
    %eq3A_170 = vector.broadcast %broadcast_in_dim3A_157 : vector<64x1xi32> to vector<64x128xi32>
    %eq3A_171 = arith.cmpi eq, %get3A_10, %eq3A_170 : vector<64x128xi32>
    %eq3A_172 = vector.broadcast %broadcast_in_dim3A_149 : vector<64x1xf32> to vector<64x128xf32>
    %eq3A_173 = arith.cmpf oeq, %select_n3A_146, %eq3A_172 : vector<64x128xf32>
    %and3A_174 = arith.andi %eq3A_171, %eq3A_173 : vector<64x128xi1>
    %jit3A_175 = arith.constant -3.000000e+38 : f32
    %broadcast_in_dim3A_176 = vector.broadcast %jit3A_175 : f32 to vector<64x128xf32>
    %select_n3A_177 = arith.select %and3A_174, %broadcast_in_dim3A_176, %select_n3A_146 : vector<64x128xi1>, vector<64x128xf32>
    %reduce_max3A_178 = arith.constant dense<0xFF800000> : vector<64xf32>
    %reduce_max3A_179 = vector.multi_reduction <maximumf>, %select_n3A_177, %reduce_max3A_178 [1] : vector<64x128xf32> to vector<64xf32>
    %broadcast_in_dim3A_180 = vector.shape_cast %reduce_max3A_179 : vector<64xf32> to vector<64x1xf32>
    %eq3A_181 = vector.broadcast %broadcast_in_dim3A_180 : vector<64x1xf32> to vector<64x128xf32>
    %eq3A_182 = arith.cmpf oeq, %select_n3A_177, %eq3A_181 : vector<64x128xf32>
    %jit3A_183 = arith.constant 1073741824 : i32
    %broadcast_in_dim3A_184 = vector.broadcast %jit3A_183 : i32 to vector<64x128xi32>
    %select_n3A_185 = arith.select %eq3A_182, %get3A_10, %broadcast_in_dim3A_184 : vector<64x128xi1>, vector<64x128xi32>
    %reduce_min3A_186 = arith.constant dense<2147483647> : vector<64xi32>
    %reduce_min3A_187 = vector.multi_reduction <minsi>, %select_n3A_185, %reduce_min3A_186 [1] : vector<64x128xi32> to vector<64xi32>
    %broadcast_in_dim3A_188 = vector.shape_cast %reduce_min3A_187 : vector<64xi32> to vector<64x1xi32>
    %eq3A_189 = arith.constant 5 : i32
    %eq3A_190 = vector.broadcast %eq3A_189 : i32 to vector<64x128xi32>
    %eq3A_191 = arith.cmpi eq, %iota3A_11, %eq3A_190 : vector<64x128xi32>
    %broadcast_in_dim3A_192 = vector.shape_cast %broadcast_in_dim3A_180 : vector<64x1xf32> to vector<64x1xf32>
    %broadcast_in_dim3A_193 = vector.broadcast %broadcast_in_dim3A_192 : vector<64x1xf32> to vector<64x128xf32>
    %select_n3A_194 = arith.select %eq3A_191, %broadcast_in_dim3A_193, %select_n3A_163 : vector<64x128xi1>, vector<64x128xf32>
    %eq3A_195 = arith.constant 5 : i32
    %eq3A_196 = vector.broadcast %eq3A_195 : i32 to vector<64x128xi32>
    %eq3A_197 = arith.cmpi eq, %iota3A_11, %eq3A_196 : vector<64x128xi32>
    %broadcast_in_dim3A_198 = vector.shape_cast %broadcast_in_dim3A_188 : vector<64x1xi32> to vector<64x1xi32>
    %broadcast_in_dim3A_199 = vector.broadcast %broadcast_in_dim3A_198 : vector<64x1xi32> to vector<64x128xi32>
    %select_n3A_200 = arith.select %eq3A_197, %broadcast_in_dim3A_199, %select_n3A_169 : vector<64x128xi1>, vector<64x128xi32>
    %swap3A = arith.constant 0 : index
    %swap3A_201 = arith.constant 0 : index
    %swap3A_202 = vector.load %arg4[%swap3A, %swap3A_201] : memref<64x128xf32, #tpu.memory_space<vmem>>, vector<64x128xf32>
    tpu.vector_store %arg4[%swap3A, %swap3A_201], %select_n3A_194 {strides = array<i32>} : memref<64x128xf32, #tpu.memory_space<vmem>>, vector<64x128xf32>,
    %swap3A_203 = arith.constant 0 : index
    %swap3A_204 = arith.constant 0 : index
    %swap3A_205 = vector.load %arg5[%swap3A_203, %swap3A_204] : memref<64x128xi32, #tpu.memory_space<vmem>>, vector<64x128xi32>
    tpu.vector_store %arg5[%swap3A_203, %swap3A_204], %select_n3A_200 {strides = array<i32>} : memref<64x128xi32, #tpu.memory_space<vmem>>, vector<64x128xi32>,
    return
  }
  func.func @transform_0(%arg0: i32) -> (i32, i32) {
    %c0_i32 = arith.constant 0 : i32
    %c0_i32_0 = arith.constant 0 : i32
    return %arg0, %c0_i32 : i32, i32
  }
  func.func @transform_1(%arg0: i32) -> (i32, i32) {
    %c0_i32 = arith.constant 0 : i32
    %c0_i32_0 = arith.constant 0 : i32
    return %arg0, %c0_i32 : i32, i32
  }
  func.func @transform_2(%arg0: i32) -> (i32, i32) {
    %c0_i32 = arith.constant 0 : i32
    %c0_i32_0 = arith.constant 0 : i32
    return %arg0, %c0_i32 : i32, i32
  }
  func.func @transform_3(%arg0: i32) -> (i32, i32) {
    %c0_i32 = arith.constant 0 : i32
    %c0_i32_0 = arith.constant 0 : i32
    return %arg0, %c0_i32 : i32, i32
  }
  func.func @transform_4(%arg0: i32) -> (i32, i32) {
    %c0_i32 = arith.constant 0 : i32
    %c0_i32_0 = arith.constant 0 : i32
    return %arg0, %c0_i32 : i32, i32
  }
}

</mosaic_0001>

<sc_bundles>
// kernel: kernel.5.cloned.1.call-start
scs
__scs_entry_jumppad:
0x0: {  	(pc) =	sbr.rel $0x88, $3  }
0x1: {  	(tag) =	ssettag $0x0;
	lr =	simm.s32 $0x1  }
0x2: {  	[smem:$0x3F9E] =	sst lr;
	_ =	strace $0xD0000000  }
0x3: {  	_ = 	snop  }
0x4: {  	_ = 	snop  }
0x5: {  	_ = 	snop  }
0x6: {  	_ = 	snop  }
0x7: {  	_ = 	snop  }
__scs_overlays_trampoline_lowered:
0x8: {  	[smem:$0x3FAD] =	sst s0  }
0x9: {  	[smem:$0x3FAE] =	sst s1  }
0xa: {  	[smem:$0x3FAF] =	sst s2  }
0xb: {  	[smem:$0x3FB0] =	sst s3  }
0xc: {  	[smem:$0x3FB1] =	sst s4  }
0xd: {  	[smem:$0x3FB2] =	sst s5  }
0xe: {  	[smem:$0x3FB3] =	sst s6  }
0xf: {  	[smem:$0x3FB4] =	sst s7  }
0x10: {  	[smem:$0x3FB5] =	sst s8  }
0x11: {  	[smem:$0x3FB6] =	sst s9;
	s0 =	simm.s32 @!p0 $0x0  }
0x12: {  	s1 =	sld [smem:$0x3F9C];
	s0 =	simm.s32 @p0 $0x1  }
0x13: {  	[smem:$0x3FB7] =	sst s0;
	s0 =	simm.s32 @!p1 $0x0  }
0x14: {  	s2 =	sld [smem:$0x3F9B];
	s0 =	simm.s32 @p1 $0x1  }
0x15: {  	[smem:$0x3FB8] =	sst s0;
	s0 =	simm.s32 @!p2 $0x0  }
0x16: {  	s3 =	sld [smem:$0x3FDB];
	s0 =	simm.s32 @p2 $0x1  }
0x17: {  	s4 =	simm.s32 $0x1BF5;
	[smem:$0x3FBA] =	sst s0  }
0x18: {  	s0 =	sld [smem:$0x3F9D];
	_ =	swait.ge [sflag:s4], $0x0  }
0x19: {  	s7 =	sld [smem:$0x3F9E]  }
0x1a: {  	s8 =	sadd.s32 $0xFFFFE003, lr  }
0x1b: {  	s9 =	sadd.s32 $0xFFFFFEF7, lr;
	s5 =	simm.s32 $0xFFFFFFFF;
	p2 =	slt.u32 s8, $0xFFFFF086  }
0x1c: {  	p1 =	slt.u32 s9, $0xF7A;
	s5 =	simm.s32 @!p2 $0x0  }
0x1d: {  	s5 =	simm.s32 @p1 $0x1;
	p0 =	seq.s32 s7, s2  }
0x1e: {  	s7 =	smul.u32 @!p0 $0xF7A, s2;
	p2 =	seq.s32 @!p0 s5, $0x0  }
0x1f: {  	s9 =	smul.u32 $0xF7A, s1;
	s8 =	simm.s32 @!p0 $0x1BF5;
	p2 =	por !p2, p0  }
0x20: {  	[sflag:s8] =	ssyncset.s32 @!p0 $0xFFFFF086;
	s6 =	sadd.s32 @!p0 s3, s7;
	s7 =	simm.s32 @!p0 $0x108  }
0x21: {  	s3 =	sadd.s32 s3, s9;
	s6 =	sadd.s32 @!p0 $0x88, s6;
	s7 =	simm.s32 @p2 $0x1082  }
0x22: {  	[simem:s7], [sflag:s8] =	dma.local @!p0 [hbm:s6], $0xF7A  }
0x23: {  	s9 =	sor.u32 $0xD0000000, s2;
	s6 =	simm.s32 $0x108;
	_ =	swait.ge @!p0 [sflag:s8], $0x0  }
0x24: {  	s3 =	sadd.s32 $0x88, s3;
	s6 =	simm.s32 @!p1 $0x1082;
	[sflag:s4] =	ssyncset.s32 $0xFFFFF086  }
0x25: {  	[simem:s6], [sflag:s4] =	dma.local [hbm:s3], $0xF7A  }
0x26: {  	[smem:$0x3F9E] =	sst s1;
	(tag) =	ssettag s2;
	_ =	strace s9  }
0x27: {  	s1 =	sld [smem:$0x3FAE]  }
0x28: {  	s2 =	sld [smem:$0x3FAF]  }
0x29: {  	s4 =	sld [smem:$0x3FB1]  }
0x2a: {  	p0 =	seq.s32 s5, $0x0;
	s5 =	sld [smem:$0x3FB2]  }
0x2b: {  	s6 =	sld [smem:$0x3FB3]  }
0x2c: {  	s7 =	sld [smem:$0x3FB4]  }
0x2d: {  	s3 =	simm.s32 $0x108;
	s8 =	sld [smem:$0x3FB5]  }
0x2e: {  	s3 =	simm.s32 @!p0 $0x1082;
	s9 =	sld [smem:$0x3FB6]  }
0x2f: {  	lr =	sadd.s32 s0, s3;
	s0 =	sld [smem:$0x3FAD]  }
0x30: {  	s3 =	sld [smem:$0x3FB0]  }
0x31: {  	[smem:$0x3FB9] =	sst s10  }
0x32: {  	s10 =	sld [smem:$0x3FB7];
	_ =	sdelay $0x3  }
0x33: {  	p0 =	seq.s32 s10, $0x1;
	s10 =	sld [smem:$0x3FB9];
	_ =	sdelay $0x3  }
0x34: {  	[smem:$0x3FB9] =	sst s10  }
0x35: {  	s10 =	sld [smem:$0x3FB8];
	_ =	sdelay $0x3  }
0x36: {  	p1 =	seq.s32 s10, $0x1;
	s10 =	sld [smem:$0x3FB9];
	_ =	sdelay $0x3  }
0x37: {  	[smem:$0x3FB9] =	sst s10  }
0x38: {  	s10 =	sld [smem:$0x3FBA]  }
0x39: {  	_ = 	snop;
	(pc) =	sbr.ind lr, $3  }
0x3a: {  	_ = 	snop  }
0x3b: {  	_ = 	snop  }
0x3c: {  	p2 =	seq.s32 s10, $0x1;
	s10 =	sld [smem:$0x3FB9]  }
0x3d: {  	_ =	shalt  }
0x3e: {  	_ =	shalt  }
0x3f: {  	_ =	shalt  }
0x40: {  	_ =	shalt  }
0x41: {  	_ =	shalt  }
0x42: {  	_ =	shalt  }
0x43: {  	_ =	shalt  }
0x44: {  	_ =	shalt  }
0x45: {  	_ =	shalt  }
0x46: {  	_ =	shalt  }
0x47: {  	_ =	shalt  }
0x48: {  	_ =	shalt  }
0x49: {  	_ =	shalt  }
0x4a: {  	_ =	shalt  }
0x4b: {  	_ =	shalt  }
0x4c: {  	_ =	shalt  }
0x4d: {  	_ =	shalt  }
0x4e: {  	_ =	shalt  }
0x4f: {  	_ =	shalt  }
0x50: {  	_ =	shalt  }
0x51: {  	_ =	shalt  }
0x52: {  	_ =	shalt  }
0x53: {  	_ =	shalt  }
0x54: {  	_ =	shalt  }
0x55: {  	_ =	shalt  }
0x56: {  	_ =	shalt  }
0x57: {  	_ =	shalt  }
0x58: {  	_ =	shalt  }
0x59: {  	_ =	shalt  }
0x5a: {  	_ =	shalt  }
0x5b: {  	_ =	shalt  }
0x5c: {  	_ =	shalt  }
0x5d: {  	_ =	shalt  }
0x5e: {  	_ =	shalt  }
0x5f: {  	_ =	shalt  }
0x60: {  	_ =	shalt  }
0x61: {  	_ =	shalt  }
0x62: {  	_ =	shalt  }
0x63: {  	_ =	shalt  }
0x64: {  	_ =	shalt  }
0x65: {  	_ =	shalt  }
0x66: {  	_ =	shalt  }
0x67: {  	_ =	shalt  }
0x68: {  	_ =	shalt  }
0x69: {  	_ =	shalt  }
0x6a: {  	_ =	shalt  }
0x6b: {  	_ =	shalt  }
0x6c: {  	_ =	shalt  }
0x6d: {  	_ =	shalt  }
0x6e: {  	_ =	shalt  }
0x6f: {  	_ =	shalt  }
0x70: {  	_ =	shalt  }
0x71: {  	_ =	shalt  }
0x72: {  	_ =	shalt  }
0x73: {  	_ =	shalt  }
0x74: {  	_ =	shalt  }
0x75: {  	_ =	shalt  }
0x76: {  	_ =	shalt  }
0x77: {  	_ =	shalt  }
0x78: {  	_ =	shalt  }
0x79: {  	_ =	shalt  }
0x7a: {  	_ =	shalt  }
0x7b: {  	_ =	shalt  }
0x7c: {  	_ =	shalt  }
0x7d: {  	_ =	shalt  }
0x7e: {  	_ =	shalt  }
0x7f: {  	_ =	shalt  }
0x80: {  	_ =	shalt  }
0x81: {  	_ =	shalt  }
0x82: {  	_ =	shalt  }
0x83: {  	_ =	shalt  }
0x84: {  	_ =	shalt  }
0x85: {  	_ =	shalt  }
0x86: {  	_ =	shalt  }
0x87: {  	_ =	shalt  }
.Lfunc_end0:
.L_simem_size_0:
called_computation_lowered:
.L_overlay_start_0:
0x88: {  	s2 =	sld [smem:$0x3FD9]  }
0x89: {  	s3 =	sld [smem:$0x3FFE];
	_ =	sdelay $0x1  }
0x8a: {  	s1 =	srdreg.scid  }
0x8b: {  	s0 =	sand.u32 $0x1, s1  }
0x8c: {  	s16 =	sshll.u32 s0, $0xA;
	s2 =	sadd.s32 s3, s2  }
0x8d: {  	s2 =	sadd.s32 s2, s16  }
0x8e: {  	[smem:$0x3FC5] =	sst s2  }
0x8f: {  	_ = 	snop  }
0x90: {  	(tm) =	ssettm $0x1  }
0x91: {  	s17 =	sld [smem:$0x3FFB];
	_ =	sdelay $0x3  }
0x92: {  	_ =	strace s17  }
0x93: {  	s2 =	sld [smem:$0x3FFC];
	_ =	sdelay $0x3  }
0x94: {  	_ =	strace s2  }
0x95: {  	s2 =	sld [smem:$0x3FFD];
	_ =	sdelay $0x3  }
0x96: {  	_ =	strace s2  }
0x97: {  	_ =	strace $0x8FFFFFFF  }
0x98: {  	s18 =	sld [smem:$0x3FDB];
	_ =	sdelay $0x1  }
0x99: {  	s19 =	simm.s32 $_scs_section_size  }
0x9a: {  	s4 =	simm.s32 $_size__tile_overlayer_lowered;
	s5 =	simm.s32 $_tile_overlayer_lowered  }
0x9b: {  	s22 =	simm.s32 $0x1BFF;
	s21 =	sshll.u32 s5, $0x1;
	s2 =	sadd.s32 s19, s18  }
0x9c: {  	s6 =	simm.s32 $0x0;
	s20 =	sshll.u32 s4, $0x1;
	s4 =	sadd.s32 s21, s2  }
0x9d: {  	[timem:s6], [sflag:s22] =	dma.local [hbm:s4], s20  }
0x9e: {  	_ =	swait.ge [sflag:s22], s20  }
0x9f: {  	s3 =	ssub.s32 $0x0, s20;
	[sflag:s22] =	ssyncset.done $0x0  }
0xa0: {  	[sflag:s22] =	ssyncadd.s32 s3;
	_ =	sdelay $0x1  }
0xa1: {  	s23 =	simm.s32 $0x1B8B  }
0xa2: {  	_ =	swait.ge [sflag:s23], $0x1  }
0xa3: {  	[sflag:s23] =	ssyncset.done $0x0  }
0xa4: {  	s25 =	simm.s32 $0x1B8E;
	s24 =	sld [smem:$0x3FFE];
	[sflag:s23] =	ssyncadd.s32 $0xFFFFFFFF  }
0xa5: {  	s26 =	simm.s32 $execute0_lowered;
	[smem:$0x3FD2] =	sst s25  }
0xa6: {  	s4 =	sshll.u32 s26, $0x1;
	_ =	strace $0x80000046;
	[dreg:$0x1] =	wrdreg $0xFFFFFFFF  }
0xa7: {  	s28 =	simm.s32 $_size_execute0_lowered;
	s2 =	sadd.s32 s2, s4;
	[dreg:$0x0] =	wrdreg $0x0  }
0xa8: {  	s4 =	sshll.u32 s28, $0x1;
	[dreg:$0x2] =	wrdreg s2  }
0xa9: {  	[dreg:$0x3] =	wrdreg s4  }
0xaa: {  	[dreg:$0x4] =	wrdreg $0xC0  }
0xab: {  	_ =	task [dreg:s6], $0x5FFFF  }
0xac: {  	[dreg:$0x1] =	wrdreg $0xFFFFFFFF  }
0xad: {  	[dreg:$0x0] =	wrdreg $0x60  }
0xae: {  	[dreg:$0x2] =	wrdreg s24  }
0xaf: {  	[dreg:$0x3] =	wrdreg $0x9  }
0xb0: {  	_ =	task.clear_ibuf [dreg:s6], $0x4FFFF;
	_ =	strace $0x90000046  }
0xb1: {  	s29 =	simm.s32 $0x9;
	_ =	strace $0x80000048  }
0xb2: {  	_ =	swait.ge [sflag:s29], $0x1  }
0xb3: {  	[sflag:s29] =	ssyncadd.s32 $0xFFFFFFFF  }
0xb4: {  	_ =	strace $0x90000048  }
0xb5: {  	_ =	sfence  }
0xb6: {  	s30 =	sld [smem:$0x0];
	_ =	sdelay $0x2  }
0xb7: {  	s31 =	sshll.u32 s1, $0xD;
	s1 =	sshrl.u32 s1, $0x2  }
0xb8: {  	s3 =	sand.u32 $0x4000, s31;
	s1 =	sadd.s32 s1, s30  }
0xb9: {  	s0 =	sor.u32 s3, s0;
	s1 =	sshll.u32 s1, $0x11  }
0xba: {  	s0 =	sor.u32 s1, s0  }
0xbb: {  	s0 =	sadd.s32 $0x8F2B, s0  }
0xbc: {  	[sflag:s0] =	ssyncadd.remote.s32 $0x1  }
0xbd: {  	_ =	sfence.sel $0xFFFF  }
0xbe: {  	[dreg:$0x0] =	wrdreg $0xFFFFFFFF;
	(pc) =	sbr.abs _section_cstart, $3  }
0xbf: {  	[dreg:$0x1] =	wrdreg $0xFFFFFFFF  }
0xc0: {  	_ =	task.clear_ibuf [dreg:s6], $0x2FFFF;
	_ =	strace $0x9FFFFFFF  }
0xc1: {  	(tm) =	ssettm $0x7FFFFFFF  }
tec
execute0_lowered:
.L_overlay_start_1:
0x0: {  	(tag) =	ssettag $0x1  }
0x1: {  	s0 =	rddreg [dreg:$0x0]  }
0x2: {  	s1 =	srdreg.scid;
	s2 =	simm.s32 $0x0;
	s3 =	stileid.u32  }
0x3: {  	s11 =	simm.s32 $0x80;
	s12 =	simm.s32 $0x400;
	s13 =	simm.s32 $0x1  }
0x4: {  	s15 =	simm.s32 $0x3280;
	s20 =	simm.s32 $0x5A80;
	s21 =	simm.s32 $0x3  }
0x5: {  	s22 =	simm.s32 $0x4;
	s1 =	sand.u32 $0x1, s1;
	[smem:$0x7FF] =	sst s2  }
0x6: {  	s3 =	sshll.u32 s3, $0x6;
	s5 =	sadd.s32 $0x316C00, s0;
	s6 =	sadd.s32 $0xCC200, s0  }
0x7: {  	s7 =	sadd.s32 $0xC8200, s0;
	s4 =	sshll.u32 s1, $0x5;
	s1 =	ssub.s32 $0x2, s1  }
0x8: {  	_ =	strace $0x80000047;
	s9 =	sor.u32 s4, s3;
	s8 =	sshrl.u32 s1, $0x1  }
.Ltmp0:
0x9: {  	s3 =	sshrl.u32 s9, $0x3;
	s29 =	ssub.s32 s1, s8;
	(pc) =	sbr.rel .LBB2_1-.Ltmp0, $4  }
0xa: {  	[dreg:$0x2] =	wrdreg s9;
	s31 =	sor.u32 $0x1E, s9;
	s3 =	smul.u32 $0x1900, s3  }
0xb: {  	v0 =	vimm.s32 $0x0;
	s4 =	sadd.s32 $0x200, s0;
	[dreg:$0x4] =	wrdreg s31;
	s0 =	smax.u32 s29, $0x1  }
0xc: {  	v1 =	vlaneseq.u32;
	vm0 =	vcmask $0x1318;
	vm1 =	vcmask $0x308;
	s23 =	simm.s32 $0x3200;
	[dreg:$0x5] =	wrdreg s0;
	s30 =	sadd.s32 s4, s3  }
0xd: {  	vm2 =	vcmask $0x70C;
	vm3 =	vcmask $0xB10;
	vm4 =	vcmask $0xF14;
	s24 =	simm.s32 $0x2;
	s1 =	simm.s32 $0x0;
	[dreg:$0x3] =	wrdreg s30  }
.LBB2_15:
0xe: {  	_ =	swait.ge [sflag:s13], $0x1900  }
0xf: {  	s1 =	rddreg [dreg:$0x6]  }
0x10: {  	s0 =	rddreg [dreg:$0x5];
	s1 =	sadd.s32 $0x1, s1  }
0x11: {  	p0 =	sne.s32 s1, s0  }
.Ltmp1:
0x12: {  	_ = 	snop;
	(pc) =	sbr.rel @!p0 .LBB2_16-.Ltmp1, $3  }
0x13: {  	_ =	sdelay $0x1  }
0x14: {  	[sflag:s13] =	ssyncset.done $0x0  }
0x15: {  	[sflag:s13] =	ssyncadd.s32 $0xFFFFE700  }
.LBB2_1:
.Ltmp2:
0x16: {  	(pc) =	sbr.rel .LBB2_2-.Ltmp2, $4  }
0x17: {  	_ = 	snop  }
0x18: {  	[dreg:$0x6] =	wrdreg s1;
	[tilespmem:$0x3260] =	vst v0  }
0x19: {  	[tilespmem:$0x3270] =	vst v0;
	s0 =	rddreg [dreg:$0x3];
	s26 =	simm.s32 $0x0  }
0x1a: {  	[tilespmem:s2], [sflag:$0x1] =	stream.strided.gather [hbm4b:s0+s11], $0x1900, s12, s11, $0x38;
	[tilespmem:$0x7280] =	vst v63  }
.LBB2_14:
0x1b: {  	v4 =	vnsel vm5, $0xFFFFFFFF, v3  }
0x1c: {  	v4 =	vxor.u32 $0x80000000, v4  }
0x1d: {  	v52 =	vsel vm1, $0xFFFFFFFF, v3;
	(xrf0) =	vmax.scan.msk.u32 $0xffff, v4  }
0x1e: {  	v4 =	vxor.u32 $0x80000000, v52  }
0x1f: {  	(xrf0) =	vmax.scan.msk.u32 $0xffff, v4;
	_ =	sdelay $0x1  }
0x20: {  	v5 =	vsel vm2, $0xFFFFFFFF, v3  }
0x21: {  	v54 =	vxor.u32 $0x80000000, v5  }
0x22: {  	v53, _, _ =	vpop (xrf0);
	(xrf0) =	vmax.scan.msk.u32 $0xffff, v54  }
0x23: {  	v55 =	vsel vm3, $0xFFFFFFFF, v3;
	(v2sf) =	vpush v53, $0xF  }
0x24: {  	v4 =	vxor.u32 $0x80000000, v55;
	v56, _, _ =	vpop (xrf0)  }
0x25: {  	(xrf0) =	vmax.scan.msk.u32 $0xffff, v4;
	(v2sf) =	vpush v56, $0xF;
	_ =	sdelay $0x2  }
0x26: {  	v58 =	vsel vm4, $0xFFFFFFFF, v3;
	v57, _, _ =	vpop (xrf0)  }
0x27: {  	v59 =	vxor.u32 $0x80000000, v58;
	(v2sf) =	vpush v57, $0xF  }
0x28: {  	(xrf0) =	vmax.scan.msk.u32 $0xffff, v59  }
0x29: {  	v60, _, _ =	vpop (xrf0)  }
0x2a: {  	(v2sf) =	vpush v60, $0xF;
	_ =	sdelay $0x1  }
0x2b: {  	v3 =	vsel vm0, $0xFFFFFFFF, v3  }
0x2c: {  	v3 =	vxor.u32 $0x80000000, v3  }
0x2d: {  	v61, _, _ =	vpop (xrf0);
	(xrf0) =	vmax.scan.msk.u32 $0xffff, v3;
	_ =	sdelay $0x1  }
0x2e: {  	s3 =	spop (v2sf);
	(v2sf) =	vpush v61, $0xF  }
0x2f: {  	s0 =	sshll.u32 s3, $0x8  }
0x30: {  	s14 =	spop (v2sf);
	s0 =	sand.u32 $0x1FFFFF00, s0  }
0x31: {  	s1 =	sshll.u32 s14, $0x8;
	s0 =	sadd.s32 s5, s0  }
0x32: {  	v3, _, _ =	vpop (xrf0);
	[tilespmem:s15], [sflag:$0x3] =	stream.linear.gather [hbm4b:s0+s2], $0x800, $0x38;
	[tilespmem:$0x7280] =	vst v63  }
0x33: {  	(v2sf) =	vpush v3, $0xF;
	s0 =	sand.u32 $0x1FFFFF00, s1  }
0x34: {  	s1 =	simm.s32 $0x3A80;
	s0 =	sadd.s32 s5, s0;
	s10 =	spop (v2sf)  }
0x35: {  	[tilespmem:s1], [sflag:$0x3] =	stream.linear.gather [hbm4b:s0+s2], $0x800, $0x38;
	[tilespmem:$0x7280] =	vst v63  }
0x36: {  	s8 =	sshll.u32 s10, $0x8  }
0x37: {  	s0 =	sand.u32 $0x1FFFFF00, s8;
	s8 =	spop (v2sf)  }
0x38: {  	s9 =	simm.s32 $0x4280;
	s0 =	sadd.s32 s5, s0;
	s16 =	sshll.u32 s8, $0x8  }
0x39: {  	[tilespmem:s9], [sflag:$0x3] =	stream.linear.gather [hbm4b:s0+s2], $0x800, $0x38;
	[tilespmem:$0x7280] =	vst v63  }
0x3a: {  	s0 =	sand.u32 $0x1FFFFF00, s16  }
0x3b: {  	s9 =	simm.s32 $0x4A80;
	s0 =	sadd.s32 s5, s0  }
0x3c: {  	[tilespmem:s9], [sflag:$0x3] =	stream.linear.gather [hbm4b:s0+s2], $0x800, $0x38;
	[tilespmem:$0x7280] =	vst v63  }
0x3d: {  	s1 =	spop (v2sf)  }
0x3e: {  	s17 =	sshll.u32 s1, $0x8  }
0x3f: {  	s0 =	sand.u32 $0x1FFFFF00, s17  }
0x40: {  	s18 =	simm.s32 $0x5280;
	s0 =	sadd.s32 s5, s0  }
0x41: {  	[tilespmem:s18], [sflag:$0x3] =	stream.linear.gather [hbm4b:s0+s2], $0x800, $0x38;
	[tilespmem:$0x7280] =	vst v63  }
0x42: {  	s0 =	spop (v2sf)  }
0x43: {  	s19 =	sshll.u32 s0, $0x8  }
0x44: {  	p1 =	sgt.s32 s3, $0xFFFFFFFF;
	s16 =	sxor.u32 $0x80000000, s3;
	s9 =	sand.u32 $0x1FFFFF00, s19  }
0x45: {  	p4 =	sgt.s32 s14, $0xFFFFFFFF;
	s25 =	sshra.s32 s16, $0x1F;
	s9 =	sadd.s32 s5, s9  }
0x46: {  	[tilespmem:s20], [sflag:$0x3] =	stream.linear.gather [hbm4b:s9+s2], $0x800, $0x38;
	[tilespmem:$0x7280] =	vst v63  }
0x47: {  	s3 =	sand.u32 $0x7F, s3;
	p0 =	slt.s32 s16, $0x1;
	s9 =	sshrl.u32 s25, $0x19  }
0x48: {  	p0 =	por p1, p0;
	s18 =	sxor.u32 $0x80000000, s14;
	s9 =	sadd.s32 s9, s16  }
0x49: {  	s14 =	sand.u32 $0x7F, s14;
	s31 =	sshra.s32 s18, $0x1F;
	s17 =	sand.u32 $0xFFFFFF80, s9  }
0x4a: {  	p3 =	slt.s32 s18, $0x1;
	s9 =	sshra.s32 s9, $0x7;
	p2 =	sne.s32 s16, s17  }
0x4b: {  	s17 =	simm.s32 $0x1;
	s16 =	sshrl.u32 s31, $0x19;
	p0 =	por !p0, !p2  }
0x4c: {  	s16 =	sadd.s32 s16, s18;
	p2 =	sgt.s32 s10, $0xFFFFFFFF;
	p0 =	por !p0, !p0  }
0x4d: {  	s19 =	sand.u32 $0xFFFFFF80, s16;
	s16 =	sshra.s32 s16, $0x7;
	s17 =	simm.s32 @!p0 $0x0  }
0x4e: {  	p0 =	por p4, p3;
	p5 =	sne.s32 s18, s19;
	s9 =	ssub.s32 s9, s17  }
0x4f: {  	s18 =	sxor.u32 $0x80000000, s1;
	p0 =	por !p0, !p5;
	s9 =	sshll.u32 s9, $0x4  }
0x50: {  	s17 =	sxor.u32 $0x80000000, s10;
	p0 =	por !p0, !p0;
	v3 =	vmov s9;
	s9 =	simm.s32 $0x1  }
0x51: {  	s10 =	sand.u32 $0x7F, s10;
	p3 =	slt.s32 s17, $0x1;
	v3 =	vshll.u32 v3, $0x7;
	s9 =	simm.s32 @!p0 $0x0  }
0x52: {  	s19 =	sshra.s32 s17, $0x1F;
	p1 =	por p2, p3;
	v3 =	vor.u32 v2, v3;
	s9 =	ssub.s32 s16, s9  }
0x53: {  	p2 =	sgt.s32 s1, $0xFFFFFFFF;
	s16 =	sxor.u32 $0x80000000, s8;
	v3 =	vor.u32 s3, v3;
	s9 =	sshll.u32 s9, $0x4  }
0x54: {  	s3 =	sxor.u32 $0x80000000, s0;
	s31 =	sshra.s32 s16, $0x1F;
	[tilespmem:$0x3200] =	vst v3;
	v3 =	vmov s9;
	s9 =	sshrl.u32 s19, $0x19  }
0x55: {  	p5 =	slt.s32 s16, $0x1;
	_ =	swait.ge [sflag:s21], $0x800;
	v3 =	vshll.u32 v3, $0x7;
	s9 =	sadd.s32 s9, s17  }
0x56: {  	[sflag:s21] =	ssyncset.done $0x0;
	v3 =	vor.u32 v2, v3;
	s25 =	sand.u32 $0xFFFFFF80, s9;
	s9 =	sshra.s32 s9, $0x7  }
0x57: {  	v3 =	vor.u32 s14, v3;
	[sflag:s21] =	ssyncadd.s32 $0xFFFFF800;
	p6 =	sne.s32 s17, s25;
	s14 =	sshrl.u32 s31, $0x19  }
0x58: {  	s17 =	simm.s32 $0x1;
	s25 =	sshra.s32 s18, $0x1F;
	s14 =	sadd.s32 s14, s16  }
0x59: {  	[tilespmem:$0x3210] =	vst v3;
	p0 =	por !p1, !p6;
	p6 =	sgt.s32 s8, $0xFFFFFFFF;
	p1 =	slt.s32 s18, $0x1  }
0x5a: {  	_ =	swait.ge [sflag:s21], $0x800;
	s19 =	sand.u32 $0xFFFFFF80, s14;
	p0 =	por !p0, !p0  }
0x5b: {  	s14 =	sshra.s32 s14, $0x7;
	[sflag:s21] =	ssyncset.done $0x0;
	p4 =	sne.s32 s16, s19  }
0x5c: {  	s17 =	simm.s32 @!p0 $0x0;
	p0 =	por p6, p5;
	s16 =	simm.s32 $0x1  }
0x5d: {  	s19 =	sshra.s32 s3, $0x1F;
	p5 =	slt.s32 s3, $0x1;
	p6 =	sgt.s32 s0, $0xFFFFFFFF  }
0x5e: {  	s9 =	ssub.s32 s9, s17;
	p0 =	por !p0, !p4;
	s17 =	sshrl.u32 s25, $0x19  }
0x5f: {  	p0 =	por !p0, !p0;
	s9 =	sshll.u32 s9, $0x4;
	s31 =	sadd.s32 s17, s18  }
0x60: {  	[sflag:s21] =	ssyncadd.s32 $0xFFFFF800;
	s16 =	simm.s32 @!p0 $0x0;
	s17 =	sand.u32 $0xFFFFFF80, s31;
	v3 =	vmov s9  }
0x61: {  	p0 =	por p2, p1;
	s9 =	sshrl.u32 s19, $0x19;
	s25 =	sshra.s32 s31, $0x7;
	v3 =	vshll.u32 v3, $0x7  }
0x62: {  	p1 =	por p6, p5;
	s14 =	ssub.s32 s14, s16;
	p3 =	sne.s32 s18, s17;
	v3 =	vor.u32 v2, v3  }
0x63: {  	s9 =	sadd.s32 s9, s3;
	s14 =	sshll.u32 s14, $0x4;
	p0 =	por !p0, !p3;
	v3 =	vor.u32 s10, v3  }
0x64: {  	s17 =	simm.s32 $0x1;
	s31 =	sand.u32 $0xFFFFFF80, s9;
	p0 =	por !p0, !p0;
	v62 =	vmov s14;
	[tilespmem:$0x3220] =	vst v3  }
0x65: {  	p4 =	sne.s32 s3, s31;
	s17 =	simm.s32 @!p0 $0x0;
	v3 =	vshll.u32 v62, $0x7;
	_ =	swait.ge [sflag:s21], $0x800  }
0x66: {  	s10 =	ssub.s32 s25, s17;
	s17 =	sand.u32 $0x7F, s8;
	v3 =	vor.u32 v2, v3;
	[sflag:s21] =	ssyncset.done $0x0  }
0x67: {  	p0 =	por !p1, !p4;
	v3 =	vor.u32 s17, v3;
	s18 =	sshll.u32 s10, $0x4;
	[sflag:s21] =	ssyncadd.s32 $0xFFFFF800  }
0x68: {  	s3 =	simm.s32 $0x1;
	p0 =	por !p0, !p0;
	[tilespmem:$0x3230] =	vst v3;
	v3 =	vmov s18  }
0x69: {  	s19 =	sshra.s32 s9, $0x7;
	s3 =	simm.s32 @!p0 $0x0;
	_ =	swait.ge [sflag:s21], $0x800;
	v3 =	vshll.u32 v3, $0x7  }
0x6a: {  	s1 =	sand.u32 $0x7F, s1;
	s3 =	ssub.s32 s19, s3;
	[sflag:s21] =	ssyncset.done $0x0;
	v3 =	vor.u32 v2, v3  }
0x6b: {  	s25 =	sshll.u32 s3, $0x4;
	v3 =	vor.u32 s1, v3;
	[sflag:s21] =	ssyncadd.s32 $0xFFFFF800  }
0x6c: {  	v63 =	vmov s25;
	[tilespmem:$0x3240] =	vst v3  }
0x6d: {  	v3 =	vshll.u32 v63, $0x7;
	_ =	swait.ge [sflag:s21], $0x800  }
0x6e: {  	s0 =	sand.u32 $0x7F, s0;
	v2 =	vor.u32 v2, v3;
	[sflag:s21] =	ssyncset.done $0x0  }
0x6f: {  	v2 =	vor.u32 s0, v2;
	[sflag:s21] =	ssyncadd.s32 $0xFFFFF800  }
0x70: {  	[tilespmem:$0x3250] =	vst v2  }
0x71: {  	s30 =	sshll.u32 s30, $0xB;
	_ =	swait.ge [sflag:s21], $0x800  }
0x72: {  	s0 =	sand.u32 $0x1FFFF800, s30;
	[sflag:s21] =	ssyncset.done $0x0  }
0x73: {  	s31 =	sshll.u32 s28, $0xA;
	s0 =	sadd.s32 s6, s0;
	[sflag:s21] =	ssyncadd.s32 $0xFFFFF800  }
0x74: {  	[hbm4b:s0+s2] =	stream.linear.scatter [tilespmem:s15], [sflag:$0x4], $0x3000, $0x38;
	[tilespmem:$0x7280] =	vst v63  }
0x75: {  	s26 =	sadd.s32 $0x1, s26;
	s0 =	sor.u32 s31, s29;
	_ =	swait.ge [sflag:s22], $0x3000  }
0x76: {  	p0 =	sne.s32 s26, $0x10;
	s0 =	sshrl.u32 s0, $0x3;
	[sflag:s22] =	ssyncset.done $0x0  }
.Ltmp3:
0x77: {  	s0 =	sadd.s32 s7, s0;
	[sflag:s22] =	ssyncadd.s32 $0xFFFFD000;
	(pc) =	sbr.rel @!p0 .LBB2_15-.Ltmp3, $4  }
0x78: {  	[hbm4b:s0+s2] =	stream.linear.scatter [tilespmem:s23], [sflag:$0x4], $0x80, $0x38;
	[tilespmem:$0x7280] =	vst v63  }
0x79: {  	_ =	swait.ge [sflag:s22], $0x80  }
0x7a: {  	[sflag:s22] =	ssyncset.done $0x0  }
0x7b: {  	[sflag:s22] =	ssyncadd.s32 $0xFFFFFF80  }
.LBB2_2:
0x7c: {  	s0 =	sshll.u32 s26, $0x1;
	s1 =	rddreg [dreg:$0x2]  }
0x7d: {  	s31 =	sadd.s32 s1, s0  }
0x7e: {  	s30 =	sor.u32 $0x1, s31;
	s28 =	sshrl.u32 s31, $0x3  }
0x7f: {  	s14 =	sshll.u32 s30, $0x7;
	s16 =	smul.u32 $0xC800, s28  }
0x80: {  	s29 =	sand.u32 $0x380, s14  }
0x81: {  	_ =	swait.ge [sflag:s13], $0x1900;
	s0 =	sor.u32 s16, s29  }
0x82: {  	s17 =	simm.s32 $0x1900;
	[sflag:s13] =	ssyncset.done $0x0;
	s0 =	sshrl.u32 s0, $0x3  }
0x83: {  	s18 =	simm.s32 $0x20;
	[sflag:s13] =	ssyncadd.s32 $0xFFFFE700;
	s0 =	sadd.s32 s4, s0  }
0x84: {  	[tilespmem:s17], [sflag:$0x2] =	stream.strided.gather [hbm4b:s0+s11], $0x1900, s12, s11, $0x38;
	[tilespmem:$0x7280] =	vst v63  }
0x85: {  	v2 =	vld [tilespmem:s18+$0xFFFFFFE0];
	_ =	sdelay $0x2  }
0x86: {  	v3 =	vld [tilespmem:s18+$0xFFFFFFF0]  }
0x87: {  	v4 =	vimm.f32 $-3.000000010e+38;
	v6 =	vimm.s32 $0x0;
	s19 =	simm.s32 $0x30;
	s3 =	simm.s32 $0x10  }
0x88: {  	s8 =	simm.s32 $0x20;
	s25 =	simm.s32 $0x0;
	v9 =	vor.u32 s19, v1;
	v5 =	vor.u32 s3, v1;
	vm5 =	vgt.f32 v2, v4  }
0x89: {  	v8 =	vor.u32 s8, v1;
	v10 =	vor.u32 s25, v1;
	v7 =	vld [tilespmem:s18+$0x0];
	v11 =	vsel vm5, v4, v2  }
0x8a: {  	v2 =	vsel vm5, v2, v4;
	v12 =	vsel vm5, v6, v10;
	vm6 =	vgt.f32 v11, v4  }
0x8b: {  	v13 =	vld [tilespmem:s18+$0x10];
	v10 =	vsel vm5, v10, v6;
	vm7 =	vgt.f32 v3, v2;
	v14 =	vsel vm6, v4, v11  }
0x8c: {  	v11 =	vsel vm6, v11, v4;
	v15 =	vsel vm6, v12, v6;
	v16 =	vsel vm7, v3, v2  }
0x8d: {  	v18 =	vsel vm7, v5, v10;
	v10 =	vsel vm7, v10, v5;
	vm8 =	vgt.f32 v14, v4  }
0x8e: {  	v3 =	vsel vm7, v2, v3;
	vm5 =	vgt.f32 v7, v16;
	v17 =	vsel vm8, v14, v4  }
0x8f: {  	v19 =	vsel vm5, v16, v7;
	v5 =	vsel vm5, v7, v16;
	v7 =	vsel vm6, v6, v12  }
0x90: {  	vm6 =	vgt.f32 v3, v11;
	v14 =	vsel vm8, v4, v14;
	vm7 =	vgt.f32 v13, v5  }
0x91: {  	v12 =	vsel vm8, v6, v7;
	v16 =	vsel vm6, v11, v3;
	vm9 =	vgt.f32 v14, v4  }
0x92: {  	v3 =	vsel vm6, v3, v11;
	v11 =	vsel vm6, v15, v10;
	v10 =	vsel vm6, v10, v15  }
0x93: {  	v2 =	vsel vm7, v13, v5;
	v20 =	vsel vm7, v5, v13;
	vm10 =	vgt.f32 v16, v17  }
0x94: {  	v4 =	vsel vm9, v14, v4;
	v14 =	vsel vm5, v18, v8;
	v13 =	vsel vm8, v7, v6  }
0x95: {  	vm11 =	vgt.f32 v19, v3;
	v18 =	vsel vm5, v8, v18;
	v8 =	vsel vm9, v12, v6  }
0x96: {  	v5 =	vsel vm11, v3, v19;
	v19 =	vsel vm11, v19, v3;
	v3 =	vsel vm7, v9, v18  }
0x97: {  	v21 =	vsel vm10, v17, v16;
	v7 =	vsel vm10, v16, v17;
	v15 =	vsel vm11, v14, v10  }
0x98: {  	v16 =	vsel vm7, v18, v9;
	v17 =	vsel vm10, v11, v13;
	v13 =	vsel vm10, v13, v11  }
0x99: {  	v11 =	vsel vm11, v10, v14;
	vm5 =	vgt.f32 v21, v4;
	vm8 =	vgt.f32 v20, v19  }
0x9a: {  	vm6 =	vgt.f32 v5, v7;
	v9 =	vsel vm5, v21, v4;
	v4 =	vsel vm8, v15, v16  }
0x9b: {  	v12 =	vsel vm6, v7, v5;
	v6 =	vsel vm8, v19, v20;
	v10 =	vsel vm8, v20, v19  }
0x9c: {  	s1 =	simm.s32 $0x60;
	s0 =	simm.s32 $0x70;
	v14 =	vsel vm6, v17, v11;
	v11 =	vsel vm6, v11, v17;
	vm7 =	vgt.f32 v12, v9  }
.LBB2_3:
0x9d: {  	v17 =	vld [tilespmem:s1+$0xFFFFFFE0];
	p0 =	sne.s32 s0, $0x18F0;
	v8 =	vsel vm5, v13, v8;
	v5 =	vsel vm6, v5, v7;
	v7 =	vsel vm8, v16, v15;
	s3 =	smov.u32 s0;
	s0 =	sadd.s32 $0x40, s0  }
0x9e: {  	v9 =	vsel vm7, v12, v9;
	v8 =	vsel vm7, v14, v8;
	vm5 =	vgt.f32 v6, v5  }
0x9f: {  	v12 =	vld [tilespmem:s1+$0xFFFFFFF0];
	v13 =	vsel vm5, v5, v6;
	v14 =	vsel vm5, v11, v4;
	v5 =	vsel vm5, v6, v5  }
0xa0: {  	v4 =	vsel vm5, v4, v11;
	vm5 =	vgt.f32 v13, v9  }
0xa1: {  	s8 =	sadd.s32 $0xFFFFFFE0, s3;
	s10 =	sadd.s32 $0xFFFFFFF0, s3;
	v6 =	vor.u32 s3, v1;
	v9 =	vsel vm5, v13, v9;
	v8 =	vsel vm5, v14, v8  }
0xa2: {  	s3 =	sadd.s32 $0xFFFFFFD0, s3;
	v11 =	vor.u32 s8, v1;
	v14 =	vor.u32 s10, v1;
	vm5 =	vgt.f32 v17, v2;
	v13 =	vld [tilespmem:s1+$0x0]  }
0xa3: {  	v15 =	vor.u32 s3, v1;
	v16 =	vsel vm5, v2, v17;
	v2 =	vsel vm5, v17, v2  }
0xa4: {  	v17 =	vsel vm5, v3, v15;
	vm6 =	vgt.f32 v16, v10;
	vm7 =	vgt.f32 v12, v2;
	v18 =	vld [tilespmem:s1+$0x10]  }
0xa5: {  	v19 =	vsel vm6, v10, v16;
	v10 =	vsel vm6, v16, v10;
	v16 =	vsel vm6, v17, v7  }
0xa6: {  	v3 =	vsel vm5, v15, v3;
	v15 =	vsel vm7, v12, v2;
	vm5 =	vgt.f32 v19, v5  }
0xa7: {  	v21 =	vsel vm7, v11, v3;
	v20 =	vsel vm5, v19, v5;
	vm8 =	vgt.f32 v13, v15  }
0xa8: {  	v11 =	vsel vm7, v3, v11;
	v3 =	vsel vm8, v15, v13;
	v13 =	vsel vm8, v13, v15  }
0xa9: {  	v7 =	vsel vm6, v7, v17;
	v12 =	vsel vm7, v2, v12;
	vm7 =	vgt.f32 v18, v13  }
0xaa: {  	vm6 =	vgt.f32 v12, v10;
	v15 =	vsel vm5, v4, v7;
	v2 =	vsel vm7, v18, v13  }
0xab: {  	v5 =	vsel vm5, v5, v19;
	v17 =	vsel vm6, v10, v12;
	v18 =	vsel vm7, v13, v18  }
0xac: {  	v10 =	vsel vm6, v12, v10;
	vm9 =	vgt.f32 v5, v9;
	vm10 =	vgt.f32 v17, v20  }
0xad: {  	v12 =	vsel vm6, v16, v11;
	v19 =	vsel vm8, v21, v14;
	v9 =	vsel vm9, v5, v9  }
0xae: {  	vm11 =	vgt.f32 v3, v10;
	v13 =	vsel vm5, v7, v4;
	v4 =	vsel vm8, v14, v21  }
0xaf: {  	v5 =	vsel vm11, v10, v3;
	v10 =	vsel vm11, v3, v10;
	v3 =	vsel vm7, v6, v4  }
0xb0: {  	v11 =	vsel vm6, v11, v16;
	v14 =	vsel vm10, v20, v17;
	v7 =	vsel vm10, v17, v20  }
0xb1: {  	vm5 =	vgt.f32 v14, v9;
	vm6 =	vgt.f32 v5, v7;
	vm8 =	vgt.f32 v18, v10  }
.Ltmp4:
0xb2: {  	v8 =	vsel vm9, v15, v8;
	v15 =	vsel vm11, v19, v11;
	v16 =	vsel vm7, v4, v6;
	(pc) =	sbr.rel @p0 .LBB2_3-.Ltmp4, $4  }
0xb3: {  	v17 =	vsel vm10, v12, v13;
	v9 =	vsel vm5, v14, v9;
	v4 =	vsel vm8, v15, v16  }
0xb4: {  	v13 =	vsel vm10, v13, v12;
	v12 =	vsel vm6, v7, v5;
	v6 =	vsel vm8, v10, v18  }
0xb5: {  	v11 =	vsel vm11, v11, v19;
	v10 =	vsel vm8, v18, v10;
	vm7 =	vgt.f32 v12, v9  }
0xb6: {  	s1 =	sadd.s32 $0x40, s1;
	v14 =	vsel vm6, v17, v11;
	v11 =	vsel vm6, v11, v17  }
0xb7: {  	v15 =	vsel vm8, v16, v15;
	(xrf1) =	vsort.dscd.msk.f32 $0xffff, v2, v3  }
0xb8: {  	(xrf1) =	vsort.ascd.msk.f32 $0xffff, v10, v15;
	_ =	sdelay $0xc  }
0xb9: {  	v2, v3, _ =	vpop (xrf1)  }
0xba: {  	v10, v15, _ =	vpop (xrf1)  }
0xbb: {  	vm13 =	veq.f32 v2, v10;
	vm9 =	vlt.s32 v3, v15  }
0xbc: {  	vm14 =	vgt.f32 v2, v10;
	vm8 =	vmand vm13, vm9  }
0xbd: {  	v5 =	vsel vm6, v5, v7;
	vm6 =	vmor vm14, vm8  }
0xbe: {  	vm15 =	vgt.f32 v6, v5;
	v2 =	vsel vm6, v2, v10;
	v3 =	vsel vm6, v3, v15  }
0xbf: {  	v7 =	vsel vm15, v6, v5;
	v59 =	vsel vm15, v4, v11;
	(xrf1) =	vsort.dscd.msk.f32 $0xffff, v2, v3  }
0xc0: {  	(xrf1) =	vsort.ascd.msk.f32 $0xffff, v7, v59;
	_ =	sdelay $0xc  }
0xc1: {  	v2, v3, _ =	vpop (xrf1)  }
0xc2: {  	v60 =	vsel vm5, v13, v8;
	v61, v10, _ =	vpop (xrf1)  }
0xc3: {  	v9 =	vsel vm7, v12, v9;
	vm5 =	veq.f32 v2, v61;
	vm6 =	vlt.s32 v3, v10  }
0xc4: {  	v7 =	vsel vm7, v14, v60;
	vm7 =	vgt.f32 v2, v61;
	vm5 =	vmand vm5, vm6  }
0xc5: {  	v5 =	vsel vm15, v5, v6;
	v62 =	vsel vm15, v11, v4;
	vm5 =	vmor vm7, vm5  }
0xc6: {  	vm6 =	vgt.f32 v5, v9;
	v2 =	vsel vm5, v2, v61;
	v3 =	vsel vm5, v3, v10  }
0xc7: {  	v5 =	vsel vm6, v5, v9;
	v4 =	vsel vm6, v62, v7;
	(xrf1) =	vsort.dscd.msk.f32 $0xffff, v2, v3  }
0xc8: {  	(xrf1) =	vsort.ascd.msk.f32 $0xffff, v5, v4;
	_ =	sdelay $0xc  }
0xc9: {  	v2, v3, _ =	vpop (xrf1)  }
0xca: {  	v4, v63, _ =	vpop (xrf1)  }
0xcb: {  	vm5 =	veq.f32 v2, v4;
	vm6 =	vlt.s32 v3, v63  }
0xcc: {  	vm7 =	vgt.f32 v2, v4;
	vm5 =	vmand vm5, vm6  }
0xcd: {  	vm5 =	vmor vm7, vm5  }
0xce: {  	v2 =	vsel vm5, v2, v4;
	v3 =	vsel vm5, v3, v63  }
0xcf: {  	(xrf1) =	vsort.dscd.msk.f32 $0xffff, v2, v3;
	_ =	sdelay $0xd  }
0xd0: {  	v3, v2, _ =	vpop (xrf1)  }
0xd1: {  	v3 =	vsel vm0, $0xFF61B1E6, v3  }
0xd2: {  	(xrf0) =	vmax.scan.msk.f32 $0xffff, v3  }
0xd3: {  	(xrf0) =	vmax.scan.msk.f32 $0xffff, v5;
	_ =	sdelay $0x4  }
0xd4: {  	v3, _, _ =	vpop (xrf0)  }
0xd5: {  	(v2sf) =	vpush v3, $0xF;
	v3, _, _ =	vpop (xrf0)  }
0xd6: {  	(v2sf) =	vpush v3, $0xF;
	_ =	sdelay $0xd  }
0xd7: {  	s0 =	spop (v2sf)  }
0xd8: {  	s1 =	spop (v2sf)  }
0xd9: {  	p0 =	sge.f32 s1, s0  }
.Ltmp5:
0xda: {  	_ = 	snop;
	(pc) =	sbr.rel @!p0 .LBB2_8-.Ltmp5, $3  }
0xdb: {  	_ =	sdelay $0x1  }
0xdc: {  	s25 =	sshll.u32 s26, $0x5  }
0xdd: {  	s0 =	sand.u32 $0x60, s25  }
0xde: {  	s1 =	simm.s32 $0x0  }
0xdf: {  	v2 =	vld [tilespmem:s1+$0x0];
	_ =	sdelay $0x3  }
0xe0: {  	v3 =	vor.u32 s1, v1  }
0xe1: {  	(xrf1) =	vsort.ascd.msk.f32 $0xffff, v2, v3;
	_ =	sdelay $0xb  }
0xe2: {  	s1 =	simm.s32 $0x10  }
0xe3: {  	v6 =	vld [tilespmem:s1+$0x0]  }
0xe4: {  	v4 =	vimm.f32 $-3.000000010e+38;
	s3 =	simm.s32 $0x20;
	s8 =	simm.s32 $0x10;
	v3 =	vimm.s32 $0x0;
	v5, v2, _ =	vpop (xrf1)  }
.LBB2_6:
0xe5: {  	p0 =	sne.s32 s3, $0x18F0;
	vm5 =	veq.f32 v4, v5;
	vm6 =	vlt.s32 v3, v2  }
0xe6: {  	vm7 =	vgt.f32 v4, v5;
	vm5 =	vmand vm5, vm6  }
0xe7: {  	v7 =	vor.u32 s1, v1;
	s1 =	smov.u32 s3;
	vm5 =	vmor vm7, vm5  }
0xe8: {  	(xrf1) =	vsort.ascd.msk.f32 $0xffff, v6, v7;
	v4 =	vsel vm5, v4, v5;
	v2 =	vsel vm5, v3, v2  }
0xe9: {  	(xrf1) =	vsort.dscd.msk.f32 $0xffff, v4, v2;
	_ =	sdelay $0x9  }
.Ltmp6:
0xea: {  	(pc) =	sbr.rel @p0 .LBB2_6-.Ltmp6, $4  }
0xeb: {  	_ = 	snop  }
0xec: {  	s8 =	sadd.s32 $0x10, s8  }
0xed: {  	v6 =	vld [tilespmem:s8+$0x0];
	v5, v2, _ =	vpop (xrf1)  }
0xee: {  	s3 =	sadd.s32 $0x10, s3;
	v4, v3, _ =	vpop (xrf1)  }
0xef: {  	vm5 =	veq.f32 v4, v5;
	vm6 =	vlt.s32 v3, v2  }
0xf0: {  	vm7 =	vgt.f32 v4, v5;
	vm5 =	vmand vm5, vm6  }
0xf1: {  	v7 =	vor.u32 s1, v1;
	vm5 =	vmor vm7, vm5  }
0xf2: {  	(xrf1) =	vsort.ascd.msk.f32 $0xffff, v6, v7;
	v63 =	vsel vm5, v4, v5;
	v2 =	vsel vm5, v3, v2  }
0xf3: {  	(xrf1) =	vsort.dscd.msk.f32 $0xffff, v63, v2;
	_ =	sdelay $0xc  }
0xf4: {  	v2, v3, _ =	vpop (xrf1)  }
0xf5: {  	v4, v5, _ =	vpop (xrf1)  }
0xf6: {  	vm5 =	veq.f32 v4, v2;
	vm6 =	vlt.s32 v5, v3  }
0xf7: {  	vm7 =	vgt.f32 v4, v2;
	vm5 =	vmand vm5, vm6  }
0xf8: {  	vm5 =	vmor vm7, vm5  }
0xf9: {  	v2 =	vsel vm5, v4, v2;
	v3 =	vsel vm5, v5, v3  }
0xfa: {  	(xrf1) =	vsort.dscd.msk.f32 $0xffff, v2, v3;
	_ =	sdelay $0xd  }
0xfb: {  	v3, v2, _ =	vpop (xrf1)  }
.LBB2_8:
0xfc: {  	vm5 =	vmmov $0x1  }
0xfd: {  	v3 =	vnsel vm5, $0xFFFFFFFF, v2  }
0xfe: {  	v3 =	vxor.u32 $0x80000000, v3  }
0xff: {  	(xrf0) =	vmax.scan.msk.u32 $0xffff, v3  }
0x100: {  	v3 =	vsel vm1, $0xFFFFFFFF, v2  }
0x101: {  	v3 =	vxor.u32 $0x80000000, v3  }
0x102: {  	(xrf0) =	vmax.scan.msk.u32 $0xffff, v3;
	_ =	sdelay $0x2  }
0x103: {  	v4 =	vsel vm2, $0xFFFFFFFF, v2;
	v3, _, _ =	vpop (xrf0)  }
0x104: {  	(v2sf) =	vpush v3, $0xF;
	v3 =	vxor.u32 $0x80000000, v4  }
0x105: {  	(xrf0) =	vmax.scan.msk.u32 $0xffff, v3  }
0x106: {  	v4, _, _ =	vpop (xrf0)  }
0x107: {  	v3 =	vsel vm3, $0xFFFFFFFF, v2;
	(v2sf) =	vpush v4, $0xF  }
0x108: {  	v3 =	vxor.u32 $0x80000000, v3  }
0x109: {  	(xrf0) =	vmax.scan.msk.u32 $0xffff, v3;
	_ =	sdelay $0x1  }
0x10a: {  	v4 =	vsel vm4, $0xFFFFFFFF, v2;
	v3, _, _ =	vpop (xrf0)  }
0x10b: {  	(v2sf) =	vpush v3, $0xF;
	v3 =	vxor.u32 $0x80000000, v4  }
0x10c: {  	(xrf0) =	vmax.scan.msk.u32 $0xffff, v3;
	_ =	sdelay $0x1  }
0x10d: {  	v3, _, _ =	vpop (xrf0)  }
0x10e: {  	(v2sf) =	vpush v3, $0xF  }
0x10f: {  	v2 =	vsel vm0, $0xFFFFFFFF, v2  }
0x110: {  	v2 =	vxor.u32 $0x80000000, v2  }
0x111: {  	v3, _, _ =	vpop (xrf0);
	(xrf0) =	vmax.scan.msk.u32 $0xffff, v2  }
0x112: {  	s3 =	spop (v2sf);
	(v2sf) =	vpush v3, $0xF  }
0x113: {  	s1 =	sshll.u32 s3, $0x8  }
0x114: {  	s1 =	sand.u32 $0x1FFFFF00, s1;
	s14 =	spop (v2sf)  }
0x115: {  	s1 =	sadd.s32 s5, s1;
	s17 =	sshll.u32 s14, $0x8  }
0x116: {  	[tilespmem:s15], [sflag:$0x3] =	stream.linear.gather [hbm4b:s1+s2], $0x800, $0x38;
	[tilespmem:$0x7280] =	vst v63  }
0x117: {  	s1 =	sand.u32 $0x1FFFFF00, s17;
	v2, _, _ =	vpop (xrf0)  }
0x118: {  	s8 =	simm.s32 $0x3A80;
	s1 =	sadd.s32 s5, s1;
	(v2sf) =	vpush v2, $0xF  }
0x119: {  	[tilespmem:s8], [sflag:$0x3] =	stream.linear.gather [hbm4b:s1+s2], $0x800, $0x38;
	[tilespmem:$0x7280] =	vst v63  }
0x11a: {  	s25 =	spop (v2sf)  }
0x11b: {  	s18 =	sshll.u32 s25, $0x8  }
0x11c: {  	s1 =	sand.u32 $0x1FFFFF00, s18  }
0x11d: {  	s19 =	simm.s32 $0x4280;
	s1 =	sadd.s32 s5, s1;
	s10 =	spop (v2sf)  }
0x11e: {  	[tilespmem:s19], [sflag:$0x3] =	stream.linear.gather [hbm4b:s1+s2], $0x800, $0x38;
	[tilespmem:$0x7280] =	vst v63  }
0x11f: {  	s8 =	sshll.u32 s10, $0x8  }
0x120: {  	s1 =	sand.u32 $0x1FFFFF00, s8  }
0x121: {  	s9 =	simm.s32 $0x4A80;
	s1 =	sadd.s32 s5, s1;
	s8 =	spop (v2sf)  }
0x122: {  	[tilespmem:s9], [sflag:$0x3] =	stream.linear.gather [hbm4b:s1+s2], $0x800, $0x38;
	[tilespmem:$0x7280] =	vst v63  }
0x123: {  	s9 =	sshll.u32 s8, $0x8  }
0x124: {  	s1 =	sand.u32 $0x1FFFFF00, s9  }
0x125: {  	s16 =	simm.s32 $0x5280;
	s1 =	sadd.s32 s5, s1  }
0x126: {  	[tilespmem:s16], [sflag:$0x3] =	stream.linear.gather [hbm4b:s1+s2], $0x800, $0x38;
	[tilespmem:$0x7280] =	vst v63  }
0x127: {  	s1 =	spop (v2sf)  }
0x128: {  	s17 =	sshll.u32 s1, $0x8  }
0x129: {  	s16 =	sxor.u32 $0x80000000, s3;
	s9 =	sand.u32 $0x1FFFFF00, s17  }
0x12a: {  	s18 =	sshra.s32 s16, $0x1F;
	s9 =	sadd.s32 s5, s9  }
0x12b: {  	[tilespmem:s20], [sflag:$0x3] =	stream.linear.gather [hbm4b:s9+s2], $0x800, $0x38;
	[tilespmem:$0x7280] =	vst v63  }
0x12c: {  	p1 =	sgt.s32 s3, $0xFFFFFFFF;
	s9 =	sshrl.u32 s18, $0x19  }
0x12d: {  	p4 =	sgt.s32 s14, $0xFFFFFFFF;
	s3 =	sand.u32 $0x7F, s3;
	s9 =	sadd.s32 s9, s16  }
0x12e: {  	p0 =	slt.s32 s16, $0x1;
	s18 =	sxor.u32 $0x80000000, s14;
	s17 =	sand.u32 $0xFFFFFF80, s9  }
0x12f: {  	p0 =	por p1, p0;
	s19 =	sshra.s32 s18, $0x1F;
	p2 =	sne.s32 s16, s17  }
0x130: {  	p3 =	slt.s32 s18, $0x1;
	s16 =	sshrl.u32 s19, $0x19;
	p0 =	por !p0, !p2  }
0x131: {  	s17 =	simm.s32 $0x1;
	s16 =	sadd.s32 s16, s18;
	p0 =	por !p0, !p0  }
0x132: {  	s9 =	sshra.s32 s9, $0x7;
	s19 =	sand.u32 $0xFFFFFF80, s16;
	s17 =	simm.s32 @!p0 $0x0  }
0x133: {  	p0 =	por p4, p3;
	p5 =	sne.s32 s18, s19;
	s9 =	ssub.s32 s9, s17  }
0x134: {  	s14 =	sand.u32 $0x7F, s14;
	p0 =	por !p0, !p5;
	s9 =	sshll.u32 s9, $0x4  }
0x135: {  	v2 =	vmul.u32 $0x80, v1;
	p2 =	sgt.s32 s25, $0xFFFFFFFF;
	p0 =	por !p0, !p0;
	v3 =	vmov s9;
	s9 =	simm.s32 $0x1  }
0x136: {  	s16 =	sshra.s32 s16, $0x7;
	s17 =	sxor.u32 $0x80000000, s25;
	v3 =	vshll.u32 v3, $0x7;
	s9 =	simm.s32 @!p0 $0x0  }
0x137: {  	s18 =	sxor.u32 $0x80000000, s8;
	p3 =	slt.s32 s17, $0x1;
	v3 =	vor.u32 v2, v3;
	s9 =	ssub.s32 s16, s9  }
0x138: {  	s19 =	sshra.s32 s17, $0x1F;
	p1 =	por p2, p3;
	v3 =	vor.u32 s3, v3;
	s9 =	sshll.u32 s9, $0x4  }
0x139: {  	p2 =	sgt.s32 s8, $0xFFFFFFFF;
	s16 =	sxor.u32 $0x80000000, s10;
	[tilespmem:$0x3200] =	vst v3;
	v3 =	vmov s9;
	s9 =	sshrl.u32 s19, $0x19  }
0x13a: {  	s3 =	sxor.u32 $0x80000000, s1;
	_ =	swait.ge [sflag:s21], $0x800;
	s9 =	sadd.s32 s9, s17  }
0x13b: {  	p5 =	slt.s32 s16, $0x1;
	v3 =	vshll.u32 v3, $0x7;
	[sflag:s21] =	ssyncset.done $0x0;
	s19 =	sand.u32 $0xFFFFFF80, s9  }
0x13c: {  	v3 =	vor.u32 v2, v3;
	s9 =	sshra.s32 s9, $0x7;
	p6 =	sne.s32 s17, s19;
	s19 =	sshra.s32 s16, $0x1F  }
0x13d: {  	v3 =	vor.u32 s14, v3;
	[sflag:s21] =	ssyncadd.s32 $0xFFFFF800;
	s17 =	simm.s32 $0x1;
	s14 =	sshrl.u32 s19, $0x19  }
0x13e: {  	[tilespmem:$0x3210] =	vst v3;
	p0 =	por !p1, !p6;
	p6 =	sgt.s32 s10, $0xFFFFFFFF;
	p1 =	slt.s32 s18, $0x1  }
0x13f: {  	_ =	swait.ge [sflag:s21], $0x800;
	s14 =	sadd.s32 s14, s16;
	p0 =	por !p0, !p0  }
0x140: {  	[sflag:s21] =	ssyncset.done $0x0;
	s19 =	sand.u32 $0xFFFFFF80, s14;
	s17 =	simm.s32 @!p0 $0x0  }
0x141: {  	p0 =	por p6, p5;
	s14 =	sshra.s32 s14, $0x7;
	p5 =	slt.s32 s3, $0x1  }
0x142: {  	p6 =	sgt.s32 s1, $0xFFFFFFFF;
	p4 =	sne.s32 s16, s19;
	[sflag:s21] =	ssyncadd.s32 $0xFFFFF800  }
0x143: {  	s9 =	ssub.s32 s9, s17;
	s16 =	sand.u32 $0x7F, s25;
	s25 =	sshra.s32 s18, $0x1F  }
0x144: {  	s17 =	simm.s32 $0x1;
	p0 =	por !p0, !p4;
	s19 =	sshrl.u32 s25, $0x19  }
0x145: {  	s9 =	sshll.u32 s9, $0x4;
	p0 =	por !p0, !p0;
	s25 =	sadd.s32 s19, s18  }
0x146: {  	v3 =	vmov s9;
	s17 =	simm.s32 @!p0 $0x0;
	s19 =	sand.u32 $0xFFFFFF80, s25;
	p0 =	por p2, p1  }
0x147: {  	v3 =	vshll.u32 v3, $0x7;
	p1 =	por p6, p5;
	s14 =	ssub.s32 s14, s17;
	p3 =	sne.s32 s18, s19  }
0x148: {  	s18 =	sshra.s32 s3, $0x1F;
	v3 =	vor.u32 v2, v3;
	s14 =	sshll.u32 s14, $0x4;
	p0 =	por !p0, !p3  }
0x149: {  	s9 =	sshrl.u32 s18, $0x19;
	s18 =	simm.s32 $0x1;
	v3 =	vor.u32 s16, v3;
	p0 =	por !p0, !p0  }
0x14a: {  	s19 =	sshra.s32 s25, $0x7;
	s9 =	sadd.s32 s9, s3;
	v4 =	vmov s14;
	[tilespmem:$0x3220] =	vst v3;
	s18 =	simm.s32 @!p0 $0x0  }
0x14b: {  	s25 =	sand.u32 $0xFFFFFF80, s9;
	_ =	swait.ge [sflag:s21], $0x800;
	v3 =	vshll.u32 v4, $0x7;
	s18 =	ssub.s32 s19, s18  }
0x14c: {  	p4 =	sne.s32 s3, s25;
	[sflag:s21] =	ssyncset.done $0x0;
	s19 =	sand.u32 $0x7F, s10;
	v3 =	vor.u32 v2, v3  }
0x14d: {  	v3 =	vor.u32 s19, v3;
	[sflag:s21] =	ssyncadd.s32 $0xFFFFF800;
	s25 =	sshll.u32 s18, $0x4;
	p0 =	por !p1, !p4  }
0x14e: {  	s3 =	simm.s32 $0x1;
	[tilespmem:$0x3230] =	vst v3;
	v3 =	vmov s25;
	p0 =	por !p0, !p0  }
0x14f: {  	s9 =	sshra.s32 s9, $0x7;
	_ =	swait.ge [sflag:s21], $0x800;
	v3 =	vshll.u32 v3, $0x7;
	s3 =	simm.s32 @!p0 $0x0  }
0x150: {  	s8 =	sand.u32 $0x7F, s8;
	s3 =	ssub.s32 s9, s3;
	[sflag:s21] =	ssyncset.done $0x0;
	v3 =	vor.u32 v2, v3  }
0x151: {  	v3 =	vor.u32 s8, v3;
	[sflag:s21] =	ssyncadd.s32 $0xFFFFF800;
	s3 =	sshll.u32 s3, $0x4  }
0x152: {  	v4 =	vmov s3;
	[tilespmem:$0x3240] =	vst v3  }
0x153: {  	_ =	swait.ge [sflag:s21], $0x800;
	v3 =	vshll.u32 v4, $0x7  }
0x154: {  	s1 =	sand.u32 $0x7F, s1;
	[sflag:s21] =	ssyncset.done $0x0;
	v3 =	vor.u32 v2, v3  }
0x155: {  	[sflag:s21] =	ssyncadd.s32 $0xFFFFF800;
	v3 =	vor.u32 s1, v3  }
0x156: {  	[tilespmem:$0x3250] =	vst v3  }
0x157: {  	_ =	swait.ge [sflag:s21], $0x800  }
0x158: {  	s9 =	sshll.u32 s31, $0xB;
	[sflag:s21] =	ssyncset.done $0x0  }
0x159: {  	s1 =	sadd.s32 s6, s9;
	[sflag:s21] =	ssyncadd.s32 $0xFFFFF800  }
0x15a: {  	[hbm4b:s1+s2] =	stream.linear.scatter [tilespmem:s15], [sflag:$0x4], $0x3000, $0x38;
	[tilespmem:$0x7280] =	vst v63  }
0x15b: {  	s0 =	sadd.s32 s7, s0;
	s10 =	sshll.u32 s31, $0x4;
	_ =	swait.ge [sflag:s22], $0x3000  }
0x15c: {  	s14 =	sadd.s32 $0x2, s31;
	s1 =	sand.u32 $0x3F80, s10;
	[sflag:s22] =	ssyncset.done $0x0  }
0x15d: {  	s0 =	sadd.s32 s1, s0;
	s16 =	rddreg [dreg:$0x4];
	[sflag:s22] =	ssyncadd.s32 $0xFFFFD000  }
0x15e: {  	[hbm4b:s0+s2] =	stream.linear.scatter [tilespmem:s23], [sflag:$0x4], $0x80, $0x38;
	[tilespmem:$0x7280] =	vst v63  }
0x15f: {  	s0 =	smin.u32 s14, s16  }
0x160: {  	s1 =	sshrl.u32 s0, $0x3  }
0x161: {  	s0 =	sshll.u32 s0, $0x7;
	s1 =	smul.u32 $0xC800, s1  }
0x162: {  	s0 =	sand.u32 $0x300, s0  }
0x163: {  	_ =	swait.ge [sflag:s22], $0x80;
	s0 =	sor.u32 s0, s1  }
0x164: {  	[sflag:s22] =	ssyncset.done $0x0;
	s0 =	sshrl.u32 s0, $0x3  }
0x165: {  	[sflag:s22] =	ssyncadd.s32 $0xFFFFFF80;
	s0 =	sadd.s32 s4, s0  }
0x166: {  	[tilespmem:s2], [sflag:$0x1] =	stream.strided.gather [hbm4b:s0+s11], $0x1900, s12, s11, $0x38;
	[tilespmem:$0x7280] =	vst v63  }
0x167: {  	_ =	swait.ge [sflag:s24], $0x1900  }
0x168: {  	[sflag:s24] =	ssyncset.done $0x0  }
0x169: {  	s17 =	simm.s32 $0x1920;
	[sflag:s24] =	ssyncadd.s32 $0xFFFFE700  }
0x16a: {  	v3 =	vld [tilespmem:s17+$0xFFFFFFE0];
	_ =	sdelay $0x2  }
0x16b: {  	v4 =	vld [tilespmem:s17+$0xFFFFFFF0]  }
0x16c: {  	v5 =	vimm.f32 $-3.000000010e+38;
	v10 =	vimm.s32 $0x0;
	s18 =	simm.s32 $0x30;
	s19 =	simm.s32 $0x10  }
0x16d: {  	v7 =	vor.u32 s18, v1;
	s25 =	simm.s32 $0x20;
	v6 =	vor.u32 s19, v1;
	s31 =	simm.s32 $0x0;
	vm6 =	vgt.f32 v3, v5  }
0x16e: {  	v8 =	vor.u32 s25, v1;
	v11 =	vor.u32 s31, v1;
	v9 =	vld [tilespmem:s17+$0x0];
	v12 =	vsel vm6, v5, v3  }
0x16f: {  	v3 =	vsel vm6, v3, v5;
	v13 =	vsel vm6, v10, v11;
	vm7 =	vgt.f32 v12, v5  }
0x170: {  	v14 =	vld [tilespmem:s17+$0x10];
	v11 =	vsel vm6, v11, v10;
	vm8 =	vgt.f32 v4, v3;
	v15 =	vsel vm7, v5, v12  }
0x171: {  	v12 =	vsel vm7, v12, v5;
	v16 =	vsel vm7, v13, v10;
	v17 =	vsel vm8, v4, v3  }
0x172: {  	v19 =	vsel vm8, v6, v11;
	v11 =	vsel vm8, v11, v6;
	vm9 =	vgt.f32 v15, v5  }
0x173: {  	v4 =	vsel vm8, v3, v4;
	vm6 =	vgt.f32 v9, v17;
	v18 =	vsel vm9, v15, v5  }
0x174: {  	v20 =	vsel vm6, v17, v9;
	v6 =	vsel vm6, v9, v17;
	v9 =	vsel vm7, v10, v13  }
0x175: {  	vm7 =	vgt.f32 v4, v12;
	v15 =	vsel vm9, v5, v15;
	vm8 =	vgt.f32 v14, v6  }
0x176: {  	v13 =	vsel vm9, v10, v9;
	v17 =	vsel vm7, v12, v4;
	vm10 =	vgt.f32 v15, v5  }
0x177: {  	v4 =	vsel vm7, v4, v12;
	v12 =	vsel vm7, v16, v11;
	v11 =	vsel vm7, v11, v16  }
0x178: {  	v3 =	vsel vm8, v14, v6;
	v21 =	vsel vm8, v6, v14;
	vm11 =	vgt.f32 v17, v18  }
0x179: {  	v5 =	vsel vm10, v15, v5;
	v15 =	vsel vm6, v19, v8;
	v14 =	vsel vm9, v9, v10  }
0x17a: {  	vm12 =	vgt.f32 v20, v4;
	v19 =	vsel vm6, v8, v19;
	v9 =	vsel vm10, v13, v10  }
0x17b: {  	v6 =	vsel vm12, v4, v20;
	v20 =	vsel vm12, v20, v4;
	v4 =	vsel vm8, v7, v19  }
0x17c: {  	v22 =	vsel vm11, v18, v17;
	v8 =	vsel vm11, v17, v18;
	v16 =	vsel vm12, v15, v11  }
0x17d: {  	v17 =	vsel vm8, v19, v7;
	v18 =	vsel vm11, v12, v14;
	v14 =	vsel vm11, v14, v12  }
0x17e: {  	v12 =	vsel vm12, v11, v15;
	vm6 =	vgt.f32 v22, v5;
	vm9 =	vgt.f32 v21, v20  }
0x17f: {  	vm7 =	vgt.f32 v6, v8;
	v10 =	vsel vm6, v22, v5;
	v5 =	vsel vm9, v16, v17  }
0x180: {  	v13 =	vsel vm7, v8, v6;
	v7 =	vsel vm9, v20, v21;
	v11 =	vsel vm9, v21, v20  }
0x181: {  	s1 =	simm.s32 $0x1960;
	s0 =	simm.s32 $0x70;
	v15 =	vsel vm7, v18, v12;
	v12 =	vsel vm7, v12, v18;
	vm8 =	vgt.f32 v13, v10  }
.LBB2_9:
0x182: {  	v18 =	vld [tilespmem:s1+$0xFFFFFFE0];
	p0 =	sne.s32 s0, $0x18F0;
	v9 =	vsel vm6, v14, v9;
	v6 =	vsel vm7, v6, v8;
	v8 =	vsel vm9, v17, v16;
	s3 =	smov.u32 s0;
	s0 =	sadd.s32 $0x40, s0  }
0x183: {  	v10 =	vsel vm8, v13, v10;
	v9 =	vsel vm8, v15, v9;
	vm6 =	vgt.f32 v7, v6  }
0x184: {  	v13 =	vld [tilespmem:s1+$0xFFFFFFF0];
	v14 =	vsel vm6, v6, v7;
	v15 =	vsel vm6, v12, v5;
	v6 =	vsel vm6, v7, v6  }
0x185: {  	v5 =	vsel vm6, v5, v12;
	vm6 =	vgt.f32 v14, v10  }
0x186: {  	s8 =	sadd.s32 $0xFFFFFFE0, s3;
	s9 =	sadd.s32 $0xFFFFFFF0, s3;
	v7 =	vor.u32 s3, v1;
	v10 =	vsel vm6, v14, v10;
	v9 =	vsel vm6, v15, v9  }
0x187: {  	s3 =	sadd.s32 $0xFFFFFFD0, s3;
	v12 =	vor.u32 s8, v1;
	v15 =	vor.u32 s9, v1;
	vm6 =	vgt.f32 v18, v3;
	v14 =	vld [tilespmem:s1+$0x0]  }
0x188: {  	v16 =	vor.u32 s3, v1;
	v17 =	vsel vm6, v3, v18;
	v3 =	vsel vm6, v18, v3  }
0x189: {  	v18 =	vsel vm6, v4, v16;
	vm7 =	vgt.f32 v17, v11;
	vm8 =	vgt.f32 v13, v3;
	v19 =	vld [tilespmem:s1+$0x10]  }
0x18a: {  	v20 =	vsel vm7, v11, v17;
	v11 =	vsel vm7, v17, v11;
	v17 =	vsel vm7, v18, v8  }
0x18b: {  	v4 =	vsel vm6, v16, v4;
	v16 =	vsel vm8, v13, v3;
	vm6 =	vgt.f32 v20, v6  }
0x18c: {  	v22 =	vsel vm8, v12, v4;
	v21 =	vsel vm6, v20, v6;
	vm9 =	vgt.f32 v14, v16  }
0x18d: {  	v12 =	vsel vm8, v4, v12;
	v4 =	vsel vm9, v16, v14;
	v14 =	vsel vm9, v14, v16  }
0x18e: {  	v8 =	vsel vm7, v8, v18;
	v13 =	vsel vm8, v3, v13;
	vm8 =	vgt.f32 v19, v14  }
0x18f: {  	vm7 =	vgt.f32 v13, v11;
	v16 =	vsel vm6, v5, v8;
	v3 =	vsel vm8, v19, v14  }
0x190: {  	v6 =	vsel vm6, v6, v20;
	v18 =	vsel vm7, v11, v13;
	v19 =	vsel vm8, v14, v19  }
0x191: {  	v11 =	vsel vm7, v13, v11;
	vm10 =	vgt.f32 v6, v10;
	vm11 =	vgt.f32 v18, v21  }
0x192: {  	v13 =	vsel vm7, v17, v12;
	v20 =	vsel vm9, v22, v15;
	v10 =	vsel vm10, v6, v10  }
0x193: {  	vm12 =	vgt.f32 v4, v11;
	v14 =	vsel vm6, v8, v5;
	v5 =	vsel vm9, v15, v22  }
0x194: {  	v6 =	vsel vm12, v11, v4;
	v11 =	vsel vm12, v4, v11;
	v4 =	vsel vm8, v7, v5  }
0x195: {  	v12 =	vsel vm7, v12, v17;
	v15 =	vsel vm11, v21, v18;
	v8 =	vsel vm11, v18, v21  }
0x196: {  	vm6 =	vgt.f32 v15, v10;
	vm7 =	vgt.f32 v6, v8;
	vm9 =	vgt.f32 v19, v11  }
.Ltmp7:
0x197: {  	v9 =	vsel vm10, v16, v9;
	v16 =	vsel vm12, v20, v12;
	v17 =	vsel vm8, v5, v7;
	(pc) =	sbr.rel @p0 .LBB2_9-.Ltmp7, $4  }
0x198: {  	v18 =	vsel vm11, v13, v14;
	v10 =	vsel vm6, v15, v10;
	v5 =	vsel vm9, v16, v17  }
0x199: {  	v14 =	vsel vm11, v14, v13;
	v13 =	vsel vm7, v8, v6;
	v7 =	vsel vm9, v11, v19  }
0x19a: {  	v12 =	vsel vm12, v12, v20;
	v11 =	vsel vm9, v19, v11;
	vm8 =	vgt.f32 v13, v10  }
0x19b: {  	s1 =	sadd.s32 $0x40, s1;
	v15 =	vsel vm7, v18, v12;
	v12 =	vsel vm7, v12, v18  }
0x19c: {  	v16 =	vsel vm9, v17, v16;
	(xrf1) =	vsort.dscd.msk.f32 $0xffff, v3, v4  }
0x19d: {  	(xrf1) =	vsort.ascd.msk.f32 $0xffff, v11, v16;
	_ =	sdelay $0xc  }
0x19e: {  	v3, v4, _ =	vpop (xrf1)  }
0x19f: {  	v11, v16, _ =	vpop (xrf1)  }
0x1a0: {  	vm15 =	veq.f32 v3, v11;
	vm10 =	vlt.s32 v4, v16  }
0x1a1: {  	vm12 =	vgt.f32 v3, v11;
	vm9 =	vmand vm15, vm10  }
0x1a2: {  	v6 =	vsel vm7, v6, v8;
	vm7 =	vmor vm12, vm9  }
0x1a3: {  	vm13 =	vgt.f32 v7, v6;
	v3 =	vsel vm7, v3, v11;
	v4 =	vsel vm7, v4, v16  }
0x1a4: {  	v8 =	vsel vm13, v7, v6;
	v60 =	vsel vm13, v5, v12;
	(xrf1) =	vsort.dscd.msk.f32 $0xffff, v3, v4  }
0x1a5: {  	(xrf1) =	vsort.ascd.msk.f32 $0xffff, v8, v60;
	_ =	sdelay $0xc  }
0x1a6: {  	v3, v4, _ =	vpop (xrf1)  }
0x1a7: {  	v61 =	vsel vm6, v14, v9;
	v62, v11, _ =	vpop (xrf1)  }
0x1a8: {  	v10 =	vsel vm8, v13, v10;
	vm6 =	veq.f32 v3, v62;
	vm7 =	vlt.s32 v4, v11  }
0x1a9: {  	v6 =	vsel vm13, v6, v7;
	vm14 =	vgt.f32 v3, v62;
	vm6 =	vmand vm6, vm7  }
0x1aa: {  	v5 =	vsel vm13, v12, v5;
	v8 =	vsel vm8, v15, v61;
	vm6 =	vmor vm14, vm6  }
0x1ab: {  	vm7 =	vgt.f32 v6, v10;
	v3 =	vsel vm6, v3, v62;
	v4 =	vsel vm6, v4, v11  }
0x1ac: {  	v6 =	vsel vm7, v6, v10;
	v5 =	vsel vm7, v5, v8;
	(xrf1) =	vsort.dscd.msk.f32 $0xffff, v3, v4  }
0x1ad: {  	(xrf1) =	vsort.ascd.msk.f32 $0xffff, v6, v5;
	_ =	sdelay $0xc  }
0x1ae: {  	v3, v4, _ =	vpop (xrf1)  }
0x1af: {  	v5, v63, _ =	vpop (xrf1)  }
0x1b0: {  	vm6 =	veq.f32 v3, v5;
	vm7 =	vlt.s32 v4, v63  }
0x1b1: {  	vm15 =	vgt.f32 v3, v5;
	vm6 =	vmand vm6, vm7  }
0x1b2: {  	vm6 =	vmor vm15, vm6  }
0x1b3: {  	v3 =	vsel vm6, v3, v5;
	v4 =	vsel vm6, v4, v63  }
0x1b4: {  	(xrf1) =	vsort.dscd.msk.f32 $0xffff, v3, v4;
	_ =	sdelay $0xd  }
0x1b5: {  	v4, v3, _ =	vpop (xrf1)  }
0x1b6: {  	v4 =	vsel vm0, $0xFF61B1E6, v4  }
0x1b7: {  	(xrf0) =	vmax.scan.msk.f32 $0xffff, v4  }
0x1b8: {  	(xrf0) =	vmax.scan.msk.f32 $0xffff, v6;
	_ =	sdelay $0x4  }
0x1b9: {  	v4, _, _ =	vpop (xrf0)  }
0x1ba: {  	(v2sf) =	vpush v4, $0xF;
	v4, _, _ =	vpop (xrf0)  }
0x1bb: {  	(v2sf) =	vpush v4, $0xF;
	_ =	sdelay $0xd  }
0x1bc: {  	s0 =	spop (v2sf)  }
0x1bd: {  	s1 =	spop (v2sf)  }
0x1be: {  	p0 =	sge.f32 s1, s0  }
.Ltmp8:
0x1bf: {  	_ = 	snop;
	(pc) =	sbr.rel @!p0 .LBB2_14-.Ltmp8, $1  }
0x1c0: {  	_ =	sdelay $0x3  }
0x1c1: {  	s0 =	simm.s32 $0x1900  }
0x1c2: {  	v3 =	vld [tilespmem:s0+$0x0];
	_ =	sdelay $0x2  }
0x1c3: {  	s31 =	simm.s32 $0x0  }
0x1c4: {  	v4 =	vor.u32 s31, v1  }
0x1c5: {  	(xrf1) =	vsort.ascd.msk.f32 $0xffff, v3, v4;
	_ =	sdelay $0xb  }
0x1c6: {  	s1 =	simm.s32 $0x1910  }
0x1c7: {  	v7 =	vld [tilespmem:s1+$0x0]  }
0x1c8: {  	v5 =	vimm.f32 $-3.000000010e+38;
	s3 =	simm.s32 $0x20;
	s0 =	simm.s32 $0x10;
	v3 =	vimm.s32 $0x0;
	v6, v4, _ =	vpop (xrf1)  }
.LBB2_12:
0x1c9: {  	p0 =	sne.s32 s3, $0x18F0;
	vm6 =	veq.f32 v5, v6;
	vm7 =	vlt.s32 v3, v4  }
0x1ca: {  	vm8 =	vgt.f32 v5, v6;
	vm6 =	vmand vm6, vm7  }
0x1cb: {  	v8 =	vor.u32 s0, v1;
	s0 =	smov.u32 s3;
	vm6 =	vmor vm8, vm6  }
0x1cc: {  	(xrf1) =	vsort.ascd.msk.f32 $0xffff, v7, v8;
	v5 =	vsel vm6, v5, v6;
	v3 =	vsel vm6, v3, v4  }
0x1cd: {  	(xrf1) =	vsort.dscd.msk.f32 $0xffff, v5, v3;
	_ =	sdelay $0x9  }
.Ltmp9:
0x1ce: {  	(pc) =	sbr.rel @p0 .LBB2_12-.Ltmp9, $4  }
0x1cf: {  	_ = 	snop  }
0x1d0: {  	s1 =	sadd.s32 $0x10, s1  }
0x1d1: {  	v7 =	vld [tilespmem:s1+$0x0];
	v6, v4, _ =	vpop (xrf1)  }
0x1d2: {  	s3 =	sadd.s32 $0x10, s3;
	v5, v3, _ =	vpop (xrf1)  }
0x1d3: {  	vm6 =	veq.f32 v5, v6;
	vm7 =	vlt.s32 v3, v4  }
0x1d4: {  	vm8 =	vgt.f32 v5, v6;
	vm6 =	vmand vm6, vm7  }
0x1d5: {  	v8 =	vor.u32 s0, v1;
	vm6 =	vmor vm8, vm6  }
0x1d6: {  	(xrf1) =	vsort.ascd.msk.f32 $0xffff, v7, v8;
	v5 =	vsel vm6, v5, v6;
	v3 =	vsel vm6, v3, v4  }
0x1d7: {  	(xrf1) =	vsort.dscd.msk.f32 $0xffff, v5, v3;
	_ =	sdelay $0xc  }
0x1d8: {  	v3, v4, _ =	vpop (xrf1)  }
0x1d9: {  	v5, v6, _ =	vpop (xrf1)  }
0x1da: {  	vm6 =	veq.f32 v5, v3;
	vm7 =	vlt.s32 v6, v4  }
0x1db: {  	vm15 =	vgt.f32 v5, v3;
	vm6 =	vmand vm6, vm7  }
0x1dc: {  	vm6 =	vmor vm15, vm6  }
0x1dd: {  	v3 =	vsel vm6, v5, v3;
	v4 =	vsel vm6, v6, v4  }
0x1de: {  	(xrf1) =	vsort.dscd.msk.f32 $0xffff, v3, v4;
	_ =	sdelay $0x9  }
.Ltmp10:
0x1df: {  	_ = 	snop;
	(pc) =	sbr.rel .LBB2_14-.Ltmp10, $2  }
0x1e0: {  	_ =	sdelay $0x2  }
0x1e1: {  	v4, v3, _ =	vpop (xrf1)  }
.LBB2_16:
0x1e2: {  	_ =	sfence.sel $0x180000  }
0x1e3: {  	[bflag:$0x0] =	sbarrier.arrive $0xFFFF  }
0x1e4: {  	_ =	strace $0x90000047  }
0x1e5: {  	s0 =	stileid.u32;
	[bflag:$0x2] =	sbarrier.arrive $0xFFFF  }
0x1e6: {  	p0 =	sne.s32 s0, $0x0;
	s0 =	rddreg [dreg:$0x1]  }
0x1e7: {  	s0 =	sadd.s32 @!p0 $0x100000, s0  }
0x1e8: {  	[sflag:s0] =	ssyncadd.tile.s32 @!p0 $0x1;
	_ =	shalt  }
.Lfunc_end2:
_tile_overlayer_lowered:
.L_overlay_start_2:
0x1e9: {  	(tag) =	ssettag $0x2  }
0x1ea: {  	s0 =	rddreg [dreg:$0x0];
	s2 =	stileid.u32  }
0x1eb: {  	s1 =	rddreg [dreg:$0x1];
	p0 =	sne.s32 s2, $0x0  }
0x1ec: {  	s3 =	rddreg [dreg:$0x2];
	[bflag:$0x3] =	sbarrier.arrive $0xFFFF;
	s2 =	simm.s32 @!p0 $0x1C04  }
0x1ed: {  	[timem:s3], [sflag:s2] =	dma.local @!p0 [hbm:s0], s1  }
0x1ee: {  	s0 =	simm.s32 @!p0 $0x4  }
0x1ef: {  	_ =	swait.ge @!p0 [sflag:s0], s1  }
0x1f0: {  	s1 =	ssub.s32 @!p0 $0x0, s1;
	[sflag:s0] =	ssyncset.done @!p0 $0x0  }
0x1f1: {  	[sflag:s0] =	ssyncadd.s32 @!p0 s1  }
0x1f2: {  	[bflag:$0x3] =	sbarrier.arrive $0xFFFF  }
0x1f3: {  	_ =	shalt  }

</sc_bundles>
